<compile_context>
chip_gen: v7x
topology: tpu7x:2x2x1
jax: 0.10.2.dev20260603
libtpu: 0.0.44.dev20260713+nightly
codegen_flags: <defaults>
</compile_context>

<pallas_src>
import functools

import jax
import jax.numpy as jnp
from jax import lax
from jax.experimental import pallas as pl
from jax.experimental.pallas import tpu as pltpu
from jax.experimental.pallas import tpu_sc as plsc

WD = 0.00025
B = 16384
D = 128
NC = 2
NS = 16
L = 16
NW = NC * NS
BPW = B // NW
CH = 128
NCH = BPW // CH

_mesh = plsc.VectorSubcoreMesh(
    core_axis_name="c", subcore_axis_name="s", num_cores=NC, num_subcores=NS
)


@functools.partial(
    pl.kernel,
    out_type=(
        jax.ShapeDtypeStruct((B, L), jnp.float32),
        jax.ShapeDtypeStruct((NW, L), jnp.float32),
    ),
    mesh=_mesh,
    scratch_types=[
        pltpu.VMEM((NCH, CH), jnp.int32),
        pltpu.VMEM((NCH, CH), jnp.int32),
        pltpu.VMEM((NCH, CH), jnp.int32),
        pltpu.VMEM((CH, D), jnp.float32),
        pltpu.VMEM((CH, D), jnp.float32),
        pltpu.VMEM((CH, D), jnp.float32),
        pltpu.VMEM((CH, D), jnp.float32),
        pltpu.VMEM((CH, D), jnp.float32),
        pltpu.VMEM((CH, D), jnp.float32),
        pltpu.VMEM((CH, L), jnp.float32),
        pltpu.VMEM((L,), jnp.float32),
        pltpu.SemaphoreType.DMA,
        pltpu.SemaphoreType.DMA,
        pltpu.SemaphoreType.DMA,
        pltpu.SemaphoreType.DMA,
        pltpu.SemaphoreType.DMA,
        pltpu.SemaphoreType.DMA,
    ],
)
def _sc_bpr(u_hbm, i_hbm, j_hbm, w_hbm, h_hbm, xp_hbm, reg_hbm,
            uix, iix, jix, ue0, ie0, je0, ue1, ie1, je1, xa, regv,
            s0, s1, s2, s3, s4, s5):
    wid = lax.axis_index("s") * NC + lax.axis_index("c")
    base = wid * BPW

    idx_cps = []
    for c in range(NCH):
        idx_cps.append(pltpu.async_copy(u_hbm.at[pl.ds(base + c * CH, CH)], uix.at[c], s0))
        idx_cps.append(pltpu.async_copy(i_hbm.at[pl.ds(base + c * CH, CH)], iix.at[c], s1))
        idx_cps.append(pltpu.async_copy(j_hbm.at[pl.ds(base + c * CH, CH)], jix.at[c], s2))
    for cp in idx_cps:
        cp.wait()

    banks = ((ue0, ie0, je0, s0, s1, s2), (ue1, ie1, je1, s3, s4, s5))

    def fire(c):
        ub, ib, jb, sa, sb, sc = banks[c & 1]
        return (pltpu.async_copy(w_hbm.at[uix.at[c]], ub, sa),
                pltpu.async_copy(h_hbm.at[iix.at[c]], ib, sb),
                pltpu.async_copy(h_hbm.at[jix.at[c]], jb, sc))

    pend = fire(0)
    ru = jnp.zeros((L,), jnp.float32)
    rij = jnp.zeros((L,), jnp.float32)
    for c in range(NCH):
        nxt = fire(c + 1) if c + 1 < NCH else None
        for cp in pend:
            cp.wait()
        ub, ib, jb = banks[c & 1][:3]

        def row(r, carry):
            cru, crij = carry
            acc = jnp.zeros((L,), jnp.float32)
            for k in range(D // L):
                a = ub[r, pl.ds(k * L, L)]
                b = ib[r, pl.ds(k * L, L)]
                g = jb[r, pl.ds(k * L, L)]
                acc = acc + a * (b - g)
                cru = cru + a * a
                crij = crij + b * b + g * g
            xa[r] = acc
            return (cru, crij)

        ru, rij = lax.fori_loop(0, CH, row, (ru, rij))
        pltpu.sync_copy(xa, xp_hbm.at[pl.ds(base + c * CH, CH)])
        pend = nxt

    regv[...] = ru + rij
    pltpu.sync_copy(regv, reg_hbm.at[wid])


_CPR = 10000


def _tc_copy_body(x_ref, o_ref):
    o_ref[...] = x_ref[...]


_tc_copy = pl.pallas_call(
    _tc_copy_body,
    grid=(100000 // _CPR,),
    in_specs=[pl.BlockSpec((_CPR, D), lambda g: (g, 0))],
    out_specs=pl.BlockSpec((_CPR, D), lambda g: (g, 0)),
    out_shape=jax.ShapeDtypeStruct((100000, D), jnp.float32),
)


_HG = 10
_HBLK = 100000 // _HG
_XG = 8
_XBLK = B // _XG


def _tc_copyh_body(h_ref, xp_ref, reg_ref, wdep_ref, ho_ref, o_ref):
    del wdep_ref
    ho_ref[...] = h_ref[...]
    g = pl.program_id(0)

    @pl.when(g == 0)
    def _():
        o_ref[...] = jnp.reshape(WD * jnp.sum(reg_ref[...]), (1, 1))

    @pl.when(g < _XG)
    def _():
        x = jnp.sum(xp_ref[...], axis=1)
        ls = jnp.minimum(x, 0.0) - jnp.log1p(jnp.exp(-jnp.abs(x)))
        o_ref[...] += jnp.reshape(-jnp.sum(ls), (1, 1))


_tc_copyh_final = pl.pallas_call(
    _tc_copyh_body,
    grid=(_HG,),
    in_specs=[
        pl.BlockSpec((_HBLK, D), lambda g: (g, 0)),
        pl.BlockSpec((_XBLK, L), lambda g: (jnp.minimum(g, _XG - 1), 0)),
        pl.BlockSpec((NW, L), lambda g: (0, 0)),
        pl.BlockSpec((8, D), lambda g: (0, 0)),
    ],
    out_specs=[
        pl.BlockSpec((_HBLK, D), lambda g: (g, 0)),
        pl.BlockSpec((1, 1), lambda g: (0, 0)),
    ],
    out_shape=[
        jax.ShapeDtypeStruct((100000, D), jnp.float32),
        jax.ShapeDtypeStruct((1, 1), jnp.float32),
    ],
)


def kernel(u, i, j, W, H):
    u32 = u.astype(jnp.int32)
    i32 = i.astype(jnp.int32)
    j32 = j.astype(jnp.int32)
    xp, regp = _sc_bpr(u32, i32, j32, W, H)
    w_out = _tc_copy(W)
    h_out, loss2d = _tc_copyh_final(H, xp, regp, w_out)
    return (loss2d.reshape(()), w_out, h_out)

# --- scband reference (transcript-rebuilt; emitter-appended) ---
"""Pipeline reference for scband-bpr-35227321761798 (READ-ONLY COPY).

The authoritative reference and input builder live on the scoring server;
editing this copy changes nothing except your own understanding.
"""

import jax, jax.numpy as jnp
import numpy as np

USER_SIZE = 100000
ITEM_SIZE = 100000
DIM = 128
WEIGHT_DECAY = 0.00025
BATCH = 16384


def setup_inputs(seed: int = 0) -> dict:
    key = jax.random.key(seed)
    k1, k2, k3, k4, k5 = jax.random.split(key, 5)
    u = jax.random.randint(k1, (BATCH,), 0, USER_SIZE, dtype=jnp.int64) if jax.config.jax_enable_x64 else jax.random.randint(k1, (BATCH,), 0, USER_SIZE, dtype=jnp.int32)
    i = jax.random.randint(k2, (BATCH,), 0, ITEM_SIZE, dtype=u.dtype)
    j = jax.random.randint(k3, (BATCH,), 0, ITEM_SIZE, dtype=u.dtype)
    # xavier_normal init: std = sqrt(2 / (fan_in + fan_out))
    std_w = float(np.sqrt(2.0 / (USER_SIZE + DIM)))
    std_h = float(np.sqrt(2.0 / (ITEM_SIZE + DIM)))
    W = jax.random.normal(k4, (USER_SIZE, DIM), dtype=jnp.float32) * std_w
    H = jax.random.normal(k5, (ITEM_SIZE, DIM), dtype=jnp.float32) * std_h
    return {"u": u, "i": i, "j": j, "W": W, "H": H}


def reference(u, i, j, W, H):
    # gather embedding rows (SparseCore-friendly gathers)
    ue = jnp.take(W, u, axis=0)
    ie = jnp.take(H, i, axis=0)
    je = jnp.take(H, j, axis=0)
    x_ui = jnp.sum(ue * ie, axis=1)
    x_uj = jnp.sum(ue * je, axis=1)
    x_uij = x_ui - x_uj
    log_prob = jnp.sum(jax.nn.log_sigmoid(x_uij))
    regularization = WEIGHT_DECAY * (
        jnp.sum(jnp.square(jnp.linalg.norm(ue, axis=1)))
        + jnp.sum(jnp.square(jnp.linalg.norm(ie, axis=1)))
        + jnp.sum(jnp.square(jnp.linalg.norm(je, axis=1)))
    )
    loss = -log_prob + regularization
    return (loss, W, H)

if __name__ == "__main__":
    import jax
    _d = setup_inputs()
    print(jax.jit(kernel)(*tuple(_d.values())))

</pallas_src>

<mosaic_0001>
#map = affine_map<(d0, d1) -> (0)>
#map1 = affine_map<(d0, d1) -> (0, 0)>
module attributes {stable_mosaic.version = 14 : i64} {
  func.func @_sc_bpr(%arg0: i32, %arg1: i32, %arg2: memref<16384xi32, #tpu.memory_space<hbm>>, %arg3: memref<16384xi32, #tpu.memory_space<hbm>>, %arg4: memref<16384xi32, #tpu.memory_space<hbm>>, %arg5: memref<100000x128xf32, #tpu.memory_space<hbm>>, %arg6: memref<100000x128xf32, #tpu.memory_space<hbm>>, %arg7: memref<16384x16xf32, #tpu.memory_space<hbm>>, %arg8: memref<32x16xf32, #tpu.memory_space<hbm>>, %arg9: memref<4x128xi32, #tpu.memory_space<vmem>>, %arg10: memref<4x128xi32, #tpu.memory_space<vmem>>, %arg11: memref<4x128xi32, #tpu.memory_space<vmem>>, %arg12: memref<128x128xf32, #tpu.memory_space<vmem>>, %arg13: memref<128x128xf32, #tpu.memory_space<vmem>>, %arg14: memref<128x128xf32, #tpu.memory_space<vmem>>, %arg15: memref<128x128xf32, #tpu.memory_space<vmem>>, %arg16: memref<128x128xf32, #tpu.memory_space<vmem>>, %arg17: memref<128x128xf32, #tpu.memory_space<vmem>>, %arg18: memref<128x16xf32, #tpu.memory_space<vmem>>, %arg19: memref<16xf32, #tpu.memory_space<vmem>>, %arg20: memref<!tpu.dma_semaphore, #tpu.memory_space<semaphore_mem>>, %arg21: memref<!tpu.dma_semaphore, #tpu.memory_space<semaphore_mem>>, %arg22: memref<!tpu.dma_semaphore, #tpu.memory_space<semaphore_mem>>, %arg23: memref<!tpu.dma_semaphore, #tpu.memory_space<semaphore_mem>>, %arg24: memref<!tpu.dma_semaphore, #tpu.memory_space<semaphore_mem>>, %arg25: memref<!tpu.dma_semaphore, #tpu.memory_space<semaphore_mem>>) attributes {dimension_semantics = [#tpu.dimension_semantics<core_parallel>, #tpu.dimension_semantics<subcore_parallel>], iteration_bounds = array<i64: 2, 16>, scalar_prefetch = 0 : i64, scratch_operands = 17 : i64, tpu.core_type = #tpu.core_type<sc_vector_subcore>, window_params = [{transform_indices = #map}, {transform_indices = #map}, {transform_indices = #map}, {transform_indices = #map1}, {transform_indices = #map1}, {transform_indices = #map1}, {transform_indices = #map1}]} {
    %mul3A = arith.constant 2 : i32
    %mul3A_0 = arith.muli %arg1, %mul3A : i32
    %add3A = arith.addi %mul3A_0, %arg0 : i32
    %mul3A_1 = arith.constant 512 : i32
    %mul3A_2 = arith.muli %add3A, %mul3A_1 : i32
    %add3A_3 = arith.constant 0 : i32
    %add3A_4 = arith.addi %mul3A_2, %add3A_3 : i32
    %dma_start3A = arith.constant 0 : i32
    %dma_start3A_5 = arith.constant 0 : i32
    %dma_start3A_6 = tpu.memref_slice %arg9[%dma_start3A, %dma_start3A_5] : memref<4x128xi32, #tpu.memory_space<vmem>> -> memref<1x128xi32, #tpu.memory_space<vmem>>
    %dma_start3A_7 = tpu.memref_squeeze %dma_start3A_6 : memref<1x128xi32, #tpu.memory_space<vmem>> -> memref<128xi32, #tpu.memory_space<vmem>>
    %dma_start3A_8 = tpu.memref_slice %arg2[%add3A_4] : memref<16384xi32, #tpu.memory_space<hbm>> -> memref<128xi32, #tpu.memory_space<hbm>>
    %dma_start3A_9 = arith.constant 0 : i32
    %dma_start3A_10 = tpu.memref_slice %arg9[%dma_start3A, %dma_start3A_9] : memref<4x128xi32, #tpu.memory_space<vmem>> -> memref<1x128xi32, #tpu.memory_space<vmem>>
    %dma_start3A_11 = tpu.memref_squeeze %dma_start3A_10 : memref<1x128xi32, #tpu.memory_space<vmem>> -> memref<128xi32, #tpu.memory_space<vmem>>
    %dma_start3A_12 = tpu.memref_slice %arg2[%add3A_4] : memref<16384xi32, #tpu.memory_space<hbm>> -> memref<128xi32, #tpu.memory_space<hbm>>
    tpu.enqueue_dma source(%dma_start3A_12 : memref<128xi32, #tpu.memory_space<hbm>>) target(%dma_start3A_11 : memref<128xi32, #tpu.memory_space<vmem>>) target_semaphore(%arg20 : memref<!tpu.dma_semaphore, #tpu.memory_space<semaphore_mem>>)
    %add3A_13 = arith.constant 0 : i32
    %add3A_14 = arith.addi %mul3A_2, %add3A_13 : i32
    %dma_start3A_15 = arith.constant 0 : i32
    %dma_start3A_16 = arith.constant 0 : i32
    %dma_start3A_17 = tpu.memref_slice %arg10[%dma_start3A_15, %dma_start3A_16] : memref<4x128xi32, #tpu.memory_space<vmem>> -> memref<1x128xi32, #tpu.memory_space<vmem>>
    %dma_start3A_18 = tpu.memref_squeeze %dma_start3A_17 : memref<1x128xi32, #tpu.memory_space<vmem>> -> memref<128xi32, #tpu.memory_space<vmem>>
    %dma_start3A_19 = tpu.memref_slice %arg3[%add3A_14] : memref<16384xi32, #tpu.memory_space<hbm>> -> memref<128xi32, #tpu.memory_space<hbm>>
    %dma_start3A_20 = arith.constant 0 : i32
    %dma_start3A_21 = tpu.memref_slice %arg10[%dma_start3A_15, %dma_start3A_20] : memref<4x128xi32, #tpu.memory_space<vmem>> -> memref<1x128xi32, #tpu.memory_space<vmem>>
    %dma_start3A_22 = tpu.memref_squeeze %dma_start3A_21 : memref<1x128xi32, #tpu.memory_space<vmem>> -> memref<128xi32, #tpu.memory_space<vmem>>
    %dma_start3A_23 = tpu.memref_slice %arg3[%add3A_14] : memref<16384xi32, #tpu.memory_space<hbm>> -> memref<128xi32, #tpu.memory_space<hbm>>
    tpu.enqueue_dma source(%dma_start3A_23 : memref<128xi32, #tpu.memory_space<hbm>>) target(%dma_start3A_22 : memref<128xi32, #tpu.memory_space<vmem>>) target_semaphore(%arg21 : memref<!tpu.dma_semaphore, #tpu.memory_space<semaphore_mem>>)
    %add3A_24 = arith.constant 0 : i32
    %add3A_25 = arith.addi %mul3A_2, %add3A_24 : i32
    %dma_start3A_26 = arith.constant 0 : i32
    %dma_start3A_27 = arith.constant 0 : i32
    %dma_start3A_28 = tpu.memref_slice %arg11[%dma_start3A_26, %dma_start3A_27] : memref<4x128xi32, #tpu.memory_space<vmem>> -> memref<1x128xi32, #tpu.memory_space<vmem>>
    %dma_start3A_29 = tpu.memref_squeeze %dma_start3A_28 : memref<1x128xi32, #tpu.memory_space<vmem>> -> memref<128xi32, #tpu.memory_space<vmem>>
    %dma_start3A_30 = tpu.memref_slice %arg4[%add3A_25] : memref<16384xi32, #tpu.memory_space<hbm>> -> memref<128xi32, #tpu.memory_space<hbm>>
    %dma_start3A_31 = arith.constant 0 : i32
    %dma_start3A_32 = tpu.memref_slice %arg11[%dma_start3A_26, %dma_start3A_31] : memref<4x128xi32, #tpu.memory_space<vmem>> -> memref<1x128xi32, #tpu.memory_space<vmem>>
    %dma_start3A_33 = tpu.memref_squeeze %dma_start3A_32 : memref<1x128xi32, #tpu.memory_space<vmem>> -> memref<128xi32, #tpu.memory_space<vmem>>
    %dma_start3A_34 = tpu.memref_slice %arg4[%add3A_25] : memref<16384xi32, #tpu.memory_space<hbm>> -> memref<128xi32, #tpu.memory_space<hbm>>
    tpu.enqueue_dma source(%dma_start3A_34 : memref<128xi32, #tpu.memory_space<hbm>>) target(%dma_start3A_33 : memref<128xi32, #tpu.memory_space<vmem>>) target_semaphore(%arg22 : memref<!tpu.dma_semaphore, #tpu.memory_space<semaphore_mem>>)
    %add3A_35 = arith.constant 128 : i32
    %add3A_36 = arith.addi %mul3A_2, %add3A_35 : i32
    %dma_start3A_37 = arith.constant 1 : i32
    %dma_start3A_38 = arith.constant 0 : i32
    %dma_start3A_39 = tpu.memref_slice %arg9[%dma_start3A_37, %dma_start3A_38] : memref<4x128xi32, #tpu.memory_space<vmem>> -> memref<1x128xi32, #tpu.memory_space<vmem>>
    %dma_start3A_40 = tpu.memref_squeeze %dma_start3A_39 : memref<1x128xi32, #tpu.memory_space<vmem>> -> memref<128xi32, #tpu.memory_space<vmem>>
    %dma_start3A_41 = tpu.memref_slice %arg2[%add3A_36] : memref<16384xi32, #tpu.memory_space<hbm>> -> memref<128xi32, #tpu.memory_space<hbm>>
    %dma_start3A_42 = arith.constant 0 : i32
    %dma_start3A_43 = tpu.memref_slice %arg9[%dma_start3A_37, %dma_start3A_42] : memref<4x128xi32, #tpu.memory_space<vmem>> -> memref<1x128xi32, #tpu.memory_space<vmem>>
    %dma_start3A_44 = tpu.memref_squeeze %dma_start3A_43 : memref<1x128xi32, #tpu.memory_space<vmem>> -> memref<128xi32, #tpu.memory_space<vmem>>
    %dma_start3A_45 = tpu.memref_slice %arg2[%add3A_36] : memref<16384xi32, #tpu.memory_space<hbm>> -> memref<128xi32, #tpu.memory_space<hbm>>
    tpu.enqueue_dma source(%dma_start3A_45 : memref<128xi32, #tpu.memory_space<hbm>>) target(%dma_start3A_44 : memref<128xi32, #tpu.memory_space<vmem>>) target_semaphore(%arg20 : memref<!tpu.dma_semaphore, #tpu.memory_space<semaphore_mem>>)
    %add3A_46 = arith.constant 128 : i32
    %add3A_47 = arith.addi %mul3A_2, %add3A_46 : i32
    %dma_start3A_48 = arith.constant 1 : i32
    %dma_start3A_49 = arith.constant 0 : i32
    %dma_start3A_50 = tpu.memref_slice %arg10[%dma_start3A_48, %dma_start3A_49] : memref<4x128xi32, #tpu.memory_space<vmem>> -> memref<1x128xi32, #tpu.memory_space<vmem>>
    %dma_start3A_51 = tpu.memref_squeeze %dma_start3A_50 : memref<1x128xi32, #tpu.memory_space<vmem>> -> memref<128xi32, #tpu.memory_space<vmem>>
    %dma_start3A_52 = tpu.memref_slice %arg3[%add3A_47] : memref<16384xi32, #tpu.memory_space<hbm>> -> memref<128xi32, #tpu.memory_space<hbm>>
    %dma_start3A_53 = arith.constant 0 : i32
    %dma_start3A_54 = tpu.memref_slice %arg10[%dma_start3A_48, %dma_start3A_53] : memref<4x128xi32, #tpu.memory_space<vmem>> -> memref<1x128xi32, #tpu.memory_space<vmem>>
    %dma_start3A_55 = tpu.memref_squeeze %dma_start3A_54 : memref<1x128xi32, #tpu.memory_space<vmem>> -> memref<128xi32, #tpu.memory_space<vmem>>
    %dma_start3A_56 = tpu.memref_slice %arg3[%add3A_47] : memref<16384xi32, #tpu.memory_space<hbm>> -> memref<128xi32, #tpu.memory_space<hbm>>
    tpu.enqueue_dma source(%dma_start3A_56 : memref<128xi32, #tpu.memory_space<hbm>>) target(%dma_start3A_55 : memref<128xi32, #tpu.memory_space<vmem>>) target_semaphore(%arg21 : memref<!tpu.dma_semaphore, #tpu.memory_space<semaphore_mem>>)
    %add3A_57 = arith.constant 128 : i32
    %add3A_58 = arith.addi %mul3A_2, %add3A_57 : i32
    %dma_start3A_59 = arith.constant 1 : i32
    %dma_start3A_60 = arith.constant 0 : i32
    %dma_start3A_61 = tpu.memref_slice %arg11[%dma_start3A_59, %dma_start3A_60] : memref<4x128xi32, #tpu.memory_space<vmem>> -> memref<1x128xi32, #tpu.memory_space<vmem>>
    %dma_start3A_62 = tpu.memref_squeeze %dma_start3A_61 : memref<1x128xi32, #tpu.memory_space<vmem>> -> memref<128xi32, #tpu.memory_space<vmem>>
    %dma_start3A_63 = tpu.memref_slice %arg4[%add3A_58] : memref<16384xi32, #tpu.memory_space<hbm>> -> memref<128xi32, #tpu.memory_space<hbm>>
    %dma_start3A_64 = arith.constant 0 : i32
    %dma_start3A_65 = tpu.memref_slice %arg11[%dma_start3A_59, %dma_start3A_64] : memref<4x128xi32, #tpu.memory_space<vmem>> -> memref<1x128xi32, #tpu.memory_space<vmem>>
    %dma_start3A_66 = tpu.memref_squeeze %dma_start3A_65 : memref<1x128xi32, #tpu.memory_space<vmem>> -> memref<128xi32, #tpu.memory_space<vmem>>
    %dma_start3A_67 = tpu.memref_slice %arg4[%add3A_58] : memref<16384xi32, #tpu.memory_space<hbm>> -> memref<128xi32, #tpu.memory_space<hbm>>
    tpu.enqueue_dma source(%dma_start3A_67 : memref<128xi32, #tpu.memory_space<hbm>>) target(%dma_start3A_66 : memref<128xi32, #tpu.memory_space<vmem>>) target_semaphore(%arg22 : memref<!tpu.dma_semaphore, #tpu.memory_space<semaphore_mem>>)
    %add3A_68 = arith.constant 256 : i32
    %add3A_69 = arith.addi %mul3A_2, %add3A_68 : i32
    %dma_start3A_70 = arith.constant 2 : i32
    %dma_start3A_71 = arith.constant 0 : i32
    %dma_start3A_72 = tpu.memref_slice %arg9[%dma_start3A_70, %dma_start3A_71] : memref<4x128xi32, #tpu.memory_space<vmem>> -> memref<1x128xi32, #tpu.memory_space<vmem>>
    %dma_start3A_73 = tpu.memref_squeeze %dma_start3A_72 : memref<1x128xi32, #tpu.memory_space<vmem>> -> memref<128xi32, #tpu.memory_space<vmem>>
    %dma_start3A_74 = tpu.memref_slice %arg2[%add3A_69] : memref<16384xi32, #tpu.memory_space<hbm>> -> memref<128xi32, #tpu.memory_space<hbm>>
    %dma_start3A_75 = arith.constant 0 : i32
    %dma_start3A_76 = tpu.memref_slice %arg9[%dma_start3A_70, %dma_start3A_75] : memref<4x128xi32, #tpu.memory_space<vmem>> -> memref<1x128xi32, #tpu.memory_space<vmem>>
    %dma_start3A_77 = tpu.memref_squeeze %dma_start3A_76 : memref<1x128xi32, #tpu.memory_space<vmem>> -> memref<128xi32, #tpu.memory_space<vmem>>
    %dma_start3A_78 = tpu.memref_slice %arg2[%add3A_69] : memref<16384xi32, #tpu.memory_space<hbm>> -> memref<128xi32, #tpu.memory_space<hbm>>
    tpu.enqueue_dma source(%dma_start3A_78 : memref<128xi32, #tpu.memory_space<hbm>>) target(%dma_start3A_77 : memref<128xi32, #tpu.memory_space<vmem>>) target_semaphore(%arg20 : memref<!tpu.dma_semaphore, #tpu.memory_space<semaphore_mem>>)
    %add3A_79 = arith.constant 256 : i32
    %add3A_80 = arith.addi %mul3A_2, %add3A_79 : i32
    %dma_start3A_81 = arith.constant 2 : i32
    %dma_start3A_82 = arith.constant 0 : i32
    %dma_start3A_83 = tpu.memref_slice %arg10[%dma_start3A_81, %dma_start3A_82] : memref<4x128xi32, #tpu.memory_space<vmem>> -> memref<1x128xi32, #tpu.memory_space<vmem>>
    %dma_start3A_84 = tpu.memref_squeeze %dma_start3A_83 : memref<1x128xi32, #tpu.memory_space<vmem>> -> memref<128xi32, #tpu.memory_space<vmem>>
    %dma_start3A_85 = tpu.memref_slice %arg3[%add3A_80] : memref<16384xi32, #tpu.memory_space<hbm>> -> memref<128xi32, #tpu.memory_space<hbm>>
    %dma_start3A_86 = arith.constant 0 : i32
    %dma_start3A_87 = tpu.memref_slice %arg10[%dma_start3A_81, %dma_start3A_86] : memref<4x128xi32, #tpu.memory_space<vmem>> -> memref<1x128xi32, #tpu.memory_space<vmem>>
    %dma_start3A_88 = tpu.memref_squeeze %dma_start3A_87 : memref<1x128xi32, #tpu.memory_space<vmem>> -> memref<128xi32, #tpu.memory_space<vmem>>
    %dma_start3A_89 = tpu.memref_slice %arg3[%add3A_80] : memref<16384xi32, #tpu.memory_space<hbm>> -> memref<128xi32, #tpu.memory_space<hbm>>
    tpu.enqueue_dma source(%dma_start3A_89 : memref<128xi32, #tpu.memory_space<hbm>>) target(%dma_start3A_88 : memref<128xi32, #tpu.memory_space<vmem>>) target_semaphore(%arg21 : memref<!tpu.dma_semaphore, #tpu.memory_space<semaphore_mem>>)
    %add3A_90 = arith.constant 256 : i32
    %add3A_91 = arith.addi %mul3A_2, %add3A_90 : i32
    %dma_start3A_92 = arith.constant 2 : i32
    %dma_start3A_93 = arith.constant 0 : i32
    %dma_start3A_94 = tpu.memref_slice %arg11[%dma_start3A_92, %dma_start3A_93] : memref<4x128xi32, #tpu.memory_space<vmem>> -> memref<1x128xi32, #tpu.memory_space<vmem>>
    %dma_start3A_95 = tpu.memref_squeeze %dma_start3A_94 : memref<1x128xi32, #tpu.memory_space<vmem>> -> memref<128xi32, #tpu.memory_space<vmem>>
    %dma_start3A_96 = tpu.memref_slice %arg4[%add3A_91] : memref<16384xi32, #tpu.memory_space<hbm>> -> memref<128xi32, #tpu.memory_space<hbm>>
    %dma_start3A_97 = arith.constant 0 : i32
    %dma_start3A_98 = tpu.memref_slice %arg11[%dma_start3A_92, %dma_start3A_97] : memref<4x128xi32, #tpu.memory_space<vmem>> -> memref<1x128xi32, #tpu.memory_space<vmem>>
    %dma_start3A_99 = tpu.memref_squeeze %dma_start3A_98 : memref<1x128xi32, #tpu.memory_space<vmem>> -> memref<128xi32, #tpu.memory_space<vmem>>
    %dma_start3A_100 = tpu.memref_slice %arg4[%add3A_91] : memref<16384xi32, #tpu.memory_space<hbm>> -> memref<128xi32, #tpu.memory_space<hbm>>
    tpu.enqueue_dma source(%dma_start3A_100 : memref<128xi32, #tpu.memory_space<hbm>>) target(%dma_start3A_99 : memref<128xi32, #tpu.memory_space<vmem>>) target_semaphore(%arg22 : memref<!tpu.dma_semaphore, #tpu.memory_space<semaphore_mem>>)
    %add3A_101 = arith.constant 384 : i32
    %add3A_102 = arith.addi %mul3A_2, %add3A_101 : i32
    %dma_start3A_103 = arith.constant 3 : i32
    %dma_start3A_104 = arith.constant 0 : i32
    %dma_start3A_105 = tpu.memref_slice %arg9[%dma_start3A_103, %dma_start3A_104] : memref<4x128xi32, #tpu.memory_space<vmem>> -> memref<1x128xi32, #tpu.memory_space<vmem>>
    %dma_start3A_106 = tpu.memref_squeeze %dma_start3A_105 : memref<1x128xi32, #tpu.memory_space<vmem>> -> memref<128xi32, #tpu.memory_space<vmem>>
    %dma_start3A_107 = tpu.memref_slice %arg2[%add3A_102] : memref<16384xi32, #tpu.memory_space<hbm>> -> memref<128xi32, #tpu.memory_space<hbm>>
    %dma_start3A_108 = arith.constant 0 : i32
    %dma_start3A_109 = tpu.memref_slice %arg9[%dma_start3A_103, %dma_start3A_108] : memref<4x128xi32, #tpu.memory_space<vmem>> -> memref<1x128xi32, #tpu.memory_space<vmem>>
    %dma_start3A_110 = tpu.memref_squeeze %dma_start3A_109 : memref<1x128xi32, #tpu.memory_space<vmem>> -> memref<128xi32, #tpu.memory_space<vmem>>
    %dma_start3A_111 = tpu.memref_slice %arg2[%add3A_102] : memref<16384xi32, #tpu.memory_space<hbm>> -> memref<128xi32, #tpu.memory_space<hbm>>
    tpu.enqueue_dma source(%dma_start3A_111 : memref<128xi32, #tpu.memory_space<hbm>>) target(%dma_start3A_110 : memref<128xi32, #tpu.memory_space<vmem>>) target_semaphore(%arg20 : memref<!tpu.dma_semaphore, #tpu.memory_space<semaphore_mem>>)
    %add3A_112 = arith.constant 384 : i32
    %add3A_113 = arith.addi %mul3A_2, %add3A_112 : i32
    %dma_start3A_114 = arith.constant 3 : i32
    %dma_start3A_115 = arith.constant 0 : i32
    %dma_start3A_116 = tpu.memref_slice %arg10[%dma_start3A_114, %dma_start3A_115] : memref<4x128xi32, #tpu.memory_space<vmem>> -> memref<1x128xi32, #tpu.memory_space<vmem>>
    %dma_start3A_117 = tpu.memref_squeeze %dma_start3A_116 : memref<1x128xi32, #tpu.memory_space<vmem>> -> memref<128xi32, #tpu.memory_space<vmem>>
    %dma_start3A_118 = tpu.memref_slice %arg3[%add3A_113] : memref<16384xi32, #tpu.memory_space<hbm>> -> memref<128xi32, #tpu.memory_space<hbm>>
    %dma_start3A_119 = arith.constant 0 : i32
    %dma_start3A_120 = tpu.memref_slice %arg10[%dma_start3A_114, %dma_start3A_119] : memref<4x128xi32, #tpu.memory_space<vmem>> -> memref<1x128xi32, #tpu.memory_space<vmem>>
    %dma_start3A_121 = tpu.memref_squeeze %dma_start3A_120 : memref<1x128xi32, #tpu.memory_space<vmem>> -> memref<128xi32, #tpu.memory_space<vmem>>
    %dma_start3A_122 = tpu.memref_slice %arg3[%add3A_113] : memref<16384xi32, #tpu.memory_space<hbm>> -> memref<128xi32, #tpu.memory_space<hbm>>
    tpu.enqueue_dma source(%dma_start3A_122 : memref<128xi32, #tpu.memory_space<hbm>>) target(%dma_start3A_121 : memref<128xi32, #tpu.memory_space<vmem>>) target_semaphore(%arg21 : memref<!tpu.dma_semaphore, #tpu.memory_space<semaphore_mem>>)
    %add3A_123 = arith.constant 384 : i32
    %add3A_124 = arith.addi %mul3A_2, %add3A_123 : i32
    %dma_start3A_125 = arith.constant 3 : i32
    %dma_start3A_126 = arith.constant 0 : i32
    %dma_start3A_127 = tpu.memref_slice %arg11[%dma_start3A_125, %dma_start3A_126] : memref<4x128xi32, #tpu.memory_space<vmem>> -> memref<1x128xi32, #tpu.memory_space<vmem>>
    %dma_start3A_128 = tpu.memref_squeeze %dma_start3A_127 : memref<1x128xi32, #tpu.memory_space<vmem>> -> memref<128xi32, #tpu.memory_space<vmem>>
    %dma_start3A_129 = tpu.memref_slice %arg4[%add3A_124] : memref<16384xi32, #tpu.memory_space<hbm>> -> memref<128xi32, #tpu.memory_space<hbm>>
    %dma_start3A_130 = arith.constant 0 : i32
    %dma_start3A_131 = tpu.memref_slice %arg11[%dma_start3A_125, %dma_start3A_130] : memref<4x128xi32, #tpu.memory_space<vmem>> -> memref<1x128xi32, #tpu.memory_space<vmem>>
    %dma_start3A_132 = tpu.memref_squeeze %dma_start3A_131 : memref<1x128xi32, #tpu.memory_space<vmem>> -> memref<128xi32, #tpu.memory_space<vmem>>
    %dma_start3A_133 = tpu.memref_slice %arg4[%add3A_124] : memref<16384xi32, #tpu.memory_space<hbm>> -> memref<128xi32, #tpu.memory_space<hbm>>
    tpu.enqueue_dma source(%dma_start3A_133 : memref<128xi32, #tpu.memory_space<hbm>>) target(%dma_start3A_132 : memref<128xi32, #tpu.memory_space<vmem>>) target_semaphore(%arg22 : memref<!tpu.dma_semaphore, #tpu.memory_space<semaphore_mem>>)
    %dma_wait3A = arith.constant 0 : i32
    %dma_wait3A_134 = arith.constant 0 : i32
    %dma_wait3A_135 = tpu.memref_slice %arg9[%dma_wait3A, %dma_wait3A_134] : memref<4x128xi32, #tpu.memory_space<vmem>> -> memref<1x128xi32, #tpu.memory_space<vmem>>
    %dma_wait3A_136 = tpu.memref_squeeze %dma_wait3A_135 : memref<1x128xi32, #tpu.memory_space<vmem>> -> memref<128xi32, #tpu.memory_space<vmem>>
    %dma_wait3A_137 = tpu.memref_slice %arg2[%add3A_4] : memref<16384xi32, #tpu.memory_space<hbm>> -> memref<128xi32, #tpu.memory_space<hbm>>
    %dma_wait3A_138 = arith.constant 0 : i32
    %dma_wait3A_139 = tpu.memref_slice %arg9[%dma_wait3A, %dma_wait3A_138] : memref<4x128xi32, #tpu.memory_space<vmem>> -> memref<1x128xi32, #tpu.memory_space<vmem>>
    %dma_wait3A_140 = tpu.memref_squeeze %dma_wait3A_139 : memref<1x128xi32, #tpu.memory_space<vmem>> -> memref<128xi32, #tpu.memory_space<vmem>>
    %dma_wait3A_141 = tpu.memref_slice %arg2[%add3A_4] : memref<16384xi32, #tpu.memory_space<hbm>> -> memref<128xi32, #tpu.memory_space<hbm>>
    tpu.wait_dma2 semaphore(%arg20 : memref<!tpu.dma_semaphore, #tpu.memory_space<semaphore_mem>>) src(%dma_wait3A_141 : memref<128xi32, #tpu.memory_space<hbm>>) dst(%dma_wait3A_140 : memref<128xi32, #tpu.memory_space<vmem>>)
    %dma_wait3A_142 = arith.constant 0 : i32
    %dma_wait3A_143 = arith.constant 0 : i32
    %dma_wait3A_144 = tpu.memref_slice %arg10[%dma_wait3A_142, %dma_wait3A_143] : memref<4x128xi32, #tpu.memory_space<vmem>> -> memref<1x128xi32, #tpu.memory_space<vmem>>
    %dma_wait3A_145 = tpu.memref_squeeze %dma_wait3A_144 : memref<1x128xi32, #tpu.memory_space<vmem>> -> memref<128xi32, #tpu.memory_space<vmem>>
    %dma_wait3A_146 = tpu.memref_slice %arg3[%add3A_14] : memref<16384xi32, #tpu.memory_space<hbm>> -> memref<128xi32, #tpu.memory_space<hbm>>
    %dma_wait3A_147 = arith.constant 0 : i32
    %dma_wait3A_148 = tpu.memref_slice %arg10[%dma_wait3A_142, %dma_wait3A_147] : memref<4x128xi32, #tpu.memory_space<vmem>> -> memref<1x128xi32, #tpu.memory_space<vmem>>
    %dma_wait3A_149 = tpu.memref_squeeze %dma_wait3A_148 : memref<1x128xi32, #tpu.memory_space<vmem>> -> memref<128xi32, #tpu.memory_space<vmem>>
    %dma_wait3A_150 = tpu.memref_slice %arg3[%add3A_14] : memref<16384xi32, #tpu.memory_space<hbm>> -> memref<128xi32, #tpu.memory_space<hbm>>
    tpu.wait_dma2 semaphore(%arg21 : memref<!tpu.dma_semaphore, #tpu.memory_space<semaphore_mem>>) src(%dma_wait3A_150 : memref<128xi32, #tpu.memory_space<hbm>>) dst(%dma_wait3A_149 : memref<128xi32, #tpu.memory_space<vmem>>)
    %dma_wait3A_151 = arith.constant 0 : i32
    %dma_wait3A_152 = arith.constant 0 : i32
    %dma_wait3A_153 = tpu.memref_slice %arg11[%dma_wait3A_151, %dma_wait3A_152] : memref<4x128xi32, #tpu.memory_space<vmem>> -> memref<1x128xi32, #tpu.memory_space<vmem>>
    %dma_wait3A_154 = tpu.memref_squeeze %dma_wait3A_153 : memref<1x128xi32, #tpu.memory_space<vmem>> -> memref<128xi32, #tpu.memory_space<vmem>>
    %dma_wait3A_155 = tpu.memref_slice %arg4[%add3A_25] : memref<16384xi32, #tpu.memory_space<hbm>> -> memref<128xi32, #tpu.memory_space<hbm>>
    %dma_wait3A_156 = arith.constant 0 : i32
    %dma_wait3A_157 = tpu.memref_slice %arg11[%dma_wait3A_151, %dma_wait3A_156] : memref<4x128xi32, #tpu.memory_space<vmem>> -> memref<1x128xi32, #tpu.memory_space<vmem>>
    %dma_wait3A_158 = tpu.memref_squeeze %dma_wait3A_157 : memref<1x128xi32, #tpu.memory_space<vmem>> -> memref<128xi32, #tpu.memory_space<vmem>>
    %dma_wait3A_159 = tpu.memref_slice %arg4[%add3A_25] : memref<16384xi32, #tpu.memory_space<hbm>> -> memref<128xi32, #tpu.memory_space<hbm>>
    tpu.wait_dma2 semaphore(%arg22 : memref<!tpu.dma_semaphore, #tpu.memory_space<semaphore_mem>>) src(%dma_wait3A_159 : memref<128xi32, #tpu.memory_space<hbm>>) dst(%dma_wait3A_158 : memref<128xi32, #tpu.memory_space<vmem>>)
    %dma_wait3A_160 = arith.constant 1 : i32
    %dma_wait3A_161 = arith.constant 0 : i32
    %dma_wait3A_162 = tpu.memref_slice %arg9[%dma_wait3A_160, %dma_wait3A_161] : memref<4x128xi32, #tpu.memory_space<vmem>> -> memref<1x128xi32, #tpu.memory_space<vmem>>
    %dma_wait3A_163 = tpu.memref_squeeze %dma_wait3A_162 : memref<1x128xi32, #tpu.memory_space<vmem>> -> memref<128xi32, #tpu.memory_space<vmem>>
    %dma_wait3A_164 = tpu.memref_slice %arg2[%add3A_36] : memref<16384xi32, #tpu.memory_space<hbm>> -> memref<128xi32, #tpu.memory_space<hbm>>
    %dma_wait3A_165 = arith.constant 0 : i32
    %dma_wait3A_166 = tpu.memref_slice %arg9[%dma_wait3A_160, %dma_wait3A_165] : memref<4x128xi32, #tpu.memory_space<vmem>> -> memref<1x128xi32, #tpu.memory_space<vmem>>
    %dma_wait3A_167 = tpu.memref_squeeze %dma_wait3A_166 : memref<1x128xi32, #tpu.memory_space<vmem>> -> memref<128xi32, #tpu.memory_space<vmem>>
    %dma_wait3A_168 = tpu.memref_slice %arg2[%add3A_36] : memref<16384xi32, #tpu.memory_space<hbm>> -> memref<128xi32, #tpu.memory_space<hbm>>
    tpu.wait_dma2 semaphore(%arg20 : memref<!tpu.dma_semaphore, #tpu.memory_space<semaphore_mem>>) src(%dma_wait3A_168 : memref<128xi32, #tpu.memory_space<hbm>>) dst(%dma_wait3A_167 : memref<128xi32, #tpu.memory_space<vmem>>)
    %dma_wait3A_169 = arith.constant 1 : i32
    %dma_wait3A_170 = arith.constant 0 : i32
    %dma_wait3A_171 = tpu.memref_slice %arg10[%dma_wait3A_169, %dma_wait3A_170] : memref<4x128xi32, #tpu.memory_space<vmem>> -> memref<1x128xi32, #tpu.memory_space<vmem>>
    %dma_wait3A_172 = tpu.memref_squeeze %dma_wait3A_171 : memref<1x128xi32, #tpu.memory_space<vmem>> -> memref<128xi32, #tpu.memory_space<vmem>>
    %dma_wait3A_173 = tpu.memref_slice %arg3[%add3A_47] : memref<16384xi32, #tpu.memory_space<hbm>> -> memref<128xi32, #tpu.memory_space<hbm>>
    %dma_wait3A_174 = arith.constant 0 : i32
    %dma_wait3A_175 = tpu.memref_slice %arg10[%dma_wait3A_169, %dma_wait3A_174] : memref<4x128xi32, #tpu.memory_space<vmem>> -> memref<1x128xi32, #tpu.memory_space<vmem>>
    %dma_wait3A_176 = tpu.memref_squeeze %dma_wait3A_175 : memref<1x128xi32, #tpu.memory_space<vmem>> -> memref<128xi32, #tpu.memory_space<vmem>>
    %dma_wait3A_177 = tpu.memref_slice %arg3[%add3A_47] : memref<16384xi32, #tpu.memory_space<hbm>> -> memref<128xi32, #tpu.memory_space<hbm>>
    tpu.wait_dma2 semaphore(%arg21 : memref<!tpu.dma_semaphore, #tpu.memory_space<semaphore_mem>>) src(%dma_wait3A_177 : memref<128xi32, #tpu.memory_space<hbm>>) dst(%dma_wait3A_176 : memref<128xi32, #tpu.memory_space<vmem>>)
    %dma_wait3A_178 = arith.constant 1 : i32
    %dma_wait3A_179 = arith.constant 0 : i32
    %dma_wait3A_180 = tpu.memref_slice %arg11[%dma_wait3A_178, %dma_wait3A_179] : memref<4x128xi32, #tpu.memory_space<vmem>> -> memref<1x128xi32, #tpu.memory_space<vmem>>
    %dma_wait3A_181 = tpu.memref_squeeze %dma_wait3A_180 : memref<1x128xi32, #tpu.memory_space<vmem>> -> memref<128xi32, #tpu.memory_space<vmem>>
    %dma_wait3A_182 = tpu.memref_slice %arg4[%add3A_58] : memref<16384xi32, #tpu.memory_space<hbm>> -> memref<128xi32, #tpu.memory_space<hbm>>
    %dma_wait3A_183 = arith.constant 0 : i32
    %dma_wait3A_184 = tpu.memref_slice %arg11[%dma_wait3A_178, %dma_wait3A_183] : memref<4x128xi32, #tpu.memory_space<vmem>> -> memref<1x128xi32, #tpu.memory_space<vmem>>
    %dma_wait3A_185 = tpu.memref_squeeze %dma_wait3A_184 : memref<1x128xi32, #tpu.memory_space<vmem>> -> memref<128xi32, #tpu.memory_space<vmem>>
    %dma_wait3A_186 = tpu.memref_slice %arg4[%add3A_58] : memref<16384xi32, #tpu.memory_space<hbm>> -> memref<128xi32, #tpu.memory_space<hbm>>
    tpu.wait_dma2 semaphore(%arg22 : memref<!tpu.dma_semaphore, #tpu.memory_space<semaphore_mem>>) src(%dma_wait3A_186 : memref<128xi32, #tpu.memory_space<hbm>>) dst(%dma_wait3A_185 : memref<128xi32, #tpu.memory_space<vmem>>)
    %dma_wait3A_187 = arith.constant 2 : i32
    %dma_wait3A_188 = arith.constant 0 : i32
    %dma_wait3A_189 = tpu.memref_slice %arg9[%dma_wait3A_187, %dma_wait3A_188] : memref<4x128xi32, #tpu.memory_space<vmem>> -> memref<1x128xi32, #tpu.memory_space<vmem>>
    %dma_wait3A_190 = tpu.memref_squeeze %dma_wait3A_189 : memref<1x128xi32, #tpu.memory_space<vmem>> -> memref<128xi32, #tpu.memory_space<vmem>>
    %dma_wait3A_191 = tpu.memref_slice %arg2[%add3A_69] : memref<16384xi32, #tpu.memory_space<hbm>> -> memref<128xi32, #tpu.memory_space<hbm>>
    %dma_wait3A_192 = arith.constant 0 : i32
    %dma_wait3A_193 = tpu.memref_slice %arg9[%dma_wait3A_187, %dma_wait3A_192] : memref<4x128xi32, #tpu.memory_space<vmem>> -> memref<1x128xi32, #tpu.memory_space<vmem>>
    %dma_wait3A_194 = tpu.memref_squeeze %dma_wait3A_193 : memref<1x128xi32, #tpu.memory_space<vmem>> -> memref<128xi32, #tpu.memory_space<vmem>>
    %dma_wait3A_195 = tpu.memref_slice %arg2[%add3A_69] : memref<16384xi32, #tpu.memory_space<hbm>> -> memref<128xi32, #tpu.memory_space<hbm>>
    tpu.wait_dma2 semaphore(%arg20 : memref<!tpu.dma_semaphore, #tpu.memory_space<semaphore_mem>>) src(%dma_wait3A_195 : memref<128xi32, #tpu.memory_space<hbm>>) dst(%dma_wait3A_194 : memref<128xi32, #tpu.memory_space<vmem>>)
    %dma_wait3A_196 = arith.constant 2 : i32
    %dma_wait3A_197 = arith.constant 0 : i32
    %dma_wait3A_198 = tpu.memref_slice %arg10[%dma_wait3A_196, %dma_wait3A_197] : memref<4x128xi32, #tpu.memory_space<vmem>> -> memref<1x128xi32, #tpu.memory_space<vmem>>
    %dma_wait3A_199 = tpu.memref_squeeze %dma_wait3A_198 : memref<1x128xi32, #tpu.memory_space<vmem>> -> memref<128xi32, #tpu.memory_space<vmem>>
    %dma_wait3A_200 = tpu.memref_slice %arg3[%add3A_80] : memref<16384xi32, #tpu.memory_space<hbm>> -> memref<128xi32, #tpu.memory_space<hbm>>
    %dma_wait3A_201 = arith.constant 0 : i32
    %dma_wait3A_202 = tpu.memref_slice %arg10[%dma_wait3A_196, %dma_wait3A_201] : memref<4x128xi32, #tpu.memory_space<vmem>> -> memref<1x128xi32, #tpu.memory_space<vmem>>
    %dma_wait3A_203 = tpu.memref_squeeze %dma_wait3A_202 : memref<1x128xi32, #tpu.memory_space<vmem>> -> memref<128xi32, #tpu.memory_space<vmem>>
    %dma_wait3A_204 = tpu.memref_slice %arg3[%add3A_80] : memref<16384xi32, #tpu.memory_space<hbm>> -> memref<128xi32, #tpu.memory_space<hbm>>
    tpu.wait_dma2 semaphore(%arg21 : memref<!tpu.dma_semaphore, #tpu.memory_space<semaphore_mem>>) src(%dma_wait3A_204 : memref<128xi32, #tpu.memory_space<hbm>>) dst(%dma_wait3A_203 : memref<128xi32, #tpu.memory_space<vmem>>)
    %dma_wait3A_205 = arith.constant 2 : i32
    %dma_wait3A_206 = arith.constant 0 : i32
    %dma_wait3A_207 = tpu.memref_slice %arg11[%dma_wait3A_205, %dma_wait3A_206] : memref<4x128xi32, #tpu.memory_space<vmem>> -> memref<1x128xi32, #tpu.memory_space<vmem>>
    %dma_wait3A_208 = tpu.memref_squeeze %dma_wait3A_207 : memref<1x128xi32, #tpu.memory_space<vmem>> -> memref<128xi32, #tpu.memory_space<vmem>>
    %dma_wait3A_209 = tpu.memref_slice %arg4[%add3A_91] : memref<16384xi32, #tpu.memory_space<hbm>> -> memref<128xi32, #tpu.memory_space<hbm>>
    %dma_wait3A_210 = arith.constant 0 : i32
    %dma_wait3A_211 = tpu.memref_slice %arg11[%dma_wait3A_205, %dma_wait3A_210] : memref<4x128xi32, #tpu.memory_space<vmem>> -> memref<1x128xi32, #tpu.memory_space<vmem>>
    %dma_wait3A_212 = tpu.memref_squeeze %dma_wait3A_211 : memref<1x128xi32, #tpu.memory_space<vmem>> -> memref<128xi32, #tpu.memory_space<vmem>>
    %dma_wait3A_213 = tpu.memref_slice %arg4[%add3A_91] : memref<16384xi32, #tpu.memory_space<hbm>> -> memref<128xi32, #tpu.memory_space<hbm>>
    tpu.wait_dma2 semaphore(%arg22 : memref<!tpu.dma_semaphore, #tpu.memory_space<semaphore_mem>>) src(%dma_wait3A_213 : memref<128xi32, #tpu.memory_space<hbm>>) dst(%dma_wait3A_212 : memref<128xi32, #tpu.memory_space<vmem>>)
    %dma_wait3A_214 = arith.constant 3 : i32
    %dma_wait3A_215 = arith.constant 0 : i32
    %dma_wait3A_216 = tpu.memref_slice %arg9[%dma_wait3A_214, %dma_wait3A_215] : memref<4x128xi32, #tpu.memory_space<vmem>> -> memref<1x128xi32, #tpu.memory_space<vmem>>
    %dma_wait3A_217 = tpu.memref_squeeze %dma_wait3A_216 : memref<1x128xi32, #tpu.memory_space<vmem>> -> memref<128xi32, #tpu.memory_space<vmem>>
    %dma_wait3A_218 = tpu.memref_slice %arg2[%add3A_102] : memref<16384xi32, #tpu.memory_space<hbm>> -> memref<128xi32, #tpu.memory_space<hbm>>
    %dma_wait3A_219 = arith.constant 0 : i32
    %dma_wait3A_220 = tpu.memref_slice %arg9[%dma_wait3A_214, %dma_wait3A_219] : memref<4x128xi32, #tpu.memory_space<vmem>> -> memref<1x128xi32, #tpu.memory_space<vmem>>
    %dma_wait3A_221 = tpu.memref_squeeze %dma_wait3A_220 : memref<1x128xi32, #tpu.memory_space<vmem>> -> memref<128xi32, #tpu.memory_space<vmem>>
    %dma_wait3A_222 = tpu.memref_slice %arg2[%add3A_102] : memref<16384xi32, #tpu.memory_space<hbm>> -> memref<128xi32, #tpu.memory_space<hbm>>
    tpu.wait_dma2 semaphore(%arg20 : memref<!tpu.dma_semaphore, #tpu.memory_space<semaphore_mem>>) src(%dma_wait3A_222 : memref<128xi32, #tpu.memory_space<hbm>>) dst(%dma_wait3A_221 : memref<128xi32, #tpu.memory_space<vmem>>)
    %dma_wait3A_223 = arith.constant 3 : i32
    %dma_wait3A_224 = arith.constant 0 : i32
    %dma_wait3A_225 = tpu.memref_slice %arg10[%dma_wait3A_223, %dma_wait3A_224] : memref<4x128xi32, #tpu.memory_space<vmem>> -> memref<1x128xi32, #tpu.memory_space<vmem>>
    %dma_wait3A_226 = tpu.memref_squeeze %dma_wait3A_225 : memref<1x128xi32, #tpu.memory_space<vmem>> -> memref<128xi32, #tpu.memory_space<vmem>>
    %dma_wait3A_227 = tpu.memref_slice %arg3[%add3A_113] : memref<16384xi32, #tpu.memory_space<hbm>> -> memref<128xi32, #tpu.memory_space<hbm>>
    %dma_wait3A_228 = arith.constant 0 : i32
    %dma_wait3A_229 = tpu.memref_slice %arg10[%dma_wait3A_223, %dma_wait3A_228] : memref<4x128xi32, #tpu.memory_space<vmem>> -> memref<1x128xi32, #tpu.memory_space<vmem>>
    %dma_wait3A_230 = tpu.memref_squeeze %dma_wait3A_229 : memref<1x128xi32, #tpu.memory_space<vmem>> -> memref<128xi32, #tpu.memory_space<vmem>>
    %dma_wait3A_231 = tpu.memref_slice %arg3[%add3A_113] : memref<16384xi32, #tpu.memory_space<hbm>> -> memref<128xi32, #tpu.memory_space<hbm>>
    tpu.wait_dma2 semaphore(%arg21 : memref<!tpu.dma_semaphore, #tpu.memory_space<semaphore_mem>>) src(%dma_wait3A_231 : memref<128xi32, #tpu.memory_space<hbm>>) dst(%dma_wait3A_230 : memref<128xi32, #tpu.memory_space<vmem>>)
    %dma_wait3A_232 = arith.constant 3 : i32
    %dma_wait3A_233 = arith.constant 0 : i32
    %dma_wait3A_234 = tpu.memref_slice %arg11[%dma_wait3A_232, %dma_wait3A_233] : memref<4x128xi32, #tpu.memory_space<vmem>> -> memref<1x128xi32, #tpu.memory_space<vmem>>
    %dma_wait3A_235 = tpu.memref_squeeze %dma_wait3A_234 : memref<1x128xi32, #tpu.memory_space<vmem>> -> memref<128xi32, #tpu.memory_space<vmem>>
    %dma_wait3A_236 = tpu.memref_slice %arg4[%add3A_124] : memref<16384xi32, #tpu.memory_space<hbm>> -> memref<128xi32, #tpu.memory_space<hbm>>
    %dma_wait3A_237 = arith.constant 0 : i32
    %dma_wait3A_238 = tpu.memref_slice %arg11[%dma_wait3A_232, %dma_wait3A_237] : memref<4x128xi32, #tpu.memory_space<vmem>> -> memref<1x128xi32, #tpu.memory_space<vmem>>
    %dma_wait3A_239 = tpu.memref_squeeze %dma_wait3A_238 : memref<1x128xi32, #tpu.memory_space<vmem>> -> memref<128xi32, #tpu.memory_space<vmem>>
    %dma_wait3A_240 = tpu.memref_slice %arg4[%add3A_124] : memref<16384xi32, #tpu.memory_space<hbm>> -> memref<128xi32, #tpu.memory_space<hbm>>
    tpu.wait_dma2 semaphore(%arg22 : memref<!tpu.dma_semaphore, #tpu.memory_space<semaphore_mem>>) src(%dma_wait3A_240 : memref<128xi32, #tpu.memory_space<hbm>>) dst(%dma_wait3A_239 : memref<128xi32, #tpu.memory_space<vmem>>)
    %dma_start3A_241 = arith.constant 0 : i32
    %dma_start3A_242 = arith.constant 0 : i32
    %dma_start3A_243 = tpu.memref_slice %arg9[%dma_start3A_241, %dma_start3A_242] : memref<4x128xi32, #tpu.memory_space<vmem>> -> memref<1x128xi32, #tpu.memory_space<vmem>>
    %dma_start3A_244 = tpu.memref_squeeze %dma_start3A_243 : memref<1x128xi32, #tpu.memory_space<vmem>> -> memref<128xi32, #tpu.memory_space<vmem>>
    %dma_start3A_245 = arith.constant 0 : i32
    %dma_start3A_246 = arith.constant 0 : i32
    %dma_start3A_247 = tpu.memref_slice %arg5[%dma_start3A_245, %dma_start3A_246] : memref<100000x128xf32, #tpu.memory_space<hbm>> -> memref<100000x128xf32, #tpu.memory_space<hbm>>
    tpu.enqueue_indirect_dma source(%dma_start3A_247 : memref<100000x128xf32, #tpu.memory_space<hbm>>) target(%arg12 : memref<128x128xf32, #tpu.memory_space<vmem>>) offsets(%dma_start3A_244 : memref<128xi32, #tpu.memory_space<vmem>>) semaphore(%arg20 : memref<!tpu.dma_semaphore, #tpu.memory_space<semaphore_mem>>)
    %dma_start3A_248 = arith.constant 0 : i32
    %dma_start3A_249 = arith.constant 0 : i32
    %dma_start3A_250 = tpu.memref_slice %arg10[%dma_start3A_248, %dma_start3A_249] : memref<4x128xi32, #tpu.memory_space<vmem>> -> memref<1x128xi32, #tpu.memory_space<vmem>>
    %dma_start3A_251 = tpu.memref_squeeze %dma_start3A_250 : memref<1x128xi32, #tpu.memory_space<vmem>> -> memref<128xi32, #tpu.memory_space<vmem>>
    %dma_start3A_252 = arith.constant 0 : i32
    %dma_start3A_253 = arith.constant 0 : i32
    %dma_start3A_254 = tpu.memref_slice %arg6[%dma_start3A_252, %dma_start3A_253] : memref<100000x128xf32, #tpu.memory_space<hbm>> -> memref<100000x128xf32, #tpu.memory_space<hbm>>
    tpu.enqueue_indirect_dma source(%dma_start3A_254 : memref<100000x128xf32, #tpu.memory_space<hbm>>) target(%arg13 : memref<128x128xf32, #tpu.memory_space<vmem>>) offsets(%dma_start3A_251 : memref<128xi32, #tpu.memory_space<vmem>>) semaphore(%arg21 : memref<!tpu.dma_semaphore, #tpu.memory_space<semaphore_mem>>)
    %dma_start3A_255 = arith.constant 0 : i32
    %dma_start3A_256 = arith.constant 0 : i32
    %dma_start3A_257 = tpu.memref_slice %arg11[%dma_start3A_255, %dma_start3A_256] : memref<4x128xi32, #tpu.memory_space<vmem>> -> memref<1x128xi32, #tpu.memory_space<vmem>>
    %dma_start3A_258 = tpu.memref_squeeze %dma_start3A_257 : memref<1x128xi32, #tpu.memory_space<vmem>> -> memref<128xi32, #tpu.memory_space<vmem>>
    %dma_start3A_259 = arith.constant 0 : i32
    %dma_start3A_260 = arith.constant 0 : i32
    %dma_start3A_261 = tpu.memref_slice %arg6[%dma_start3A_259, %dma_start3A_260] : memref<100000x128xf32, #tpu.memory_space<hbm>> -> memref<100000x128xf32, #tpu.memory_space<hbm>>
    tpu.enqueue_indirect_dma source(%dma_start3A_261 : memref<100000x128xf32, #tpu.memory_space<hbm>>) target(%arg14 : memref<128x128xf32, #tpu.memory_space<vmem>>) offsets(%dma_start3A_258 : memref<128xi32, #tpu.memory_space<vmem>>) semaphore(%arg22 : memref<!tpu.dma_semaphore, #tpu.memory_space<semaphore_mem>>)
    %broadcast_in_dim3A = arith.constant 0.000000e+00 : f32
    %broadcast_in_dim3A_262 = vector.broadcast %broadcast_in_dim3A : f32 to vector<16xf32>
    %broadcast_in_dim3A_263 = arith.constant 0.000000e+00 : f32
    %broadcast_in_dim3A_264 = vector.broadcast %broadcast_in_dim3A_263 : f32 to vector<16xf32>
    %dma_start3A_265 = arith.constant 1 : i32
    %dma_start3A_266 = arith.constant 0 : i32
    %dma_start3A_267 = tpu.memref_slice %arg9[%dma_start3A_265, %dma_start3A_266] : memref<4x128xi32, #tpu.memory_space<vmem>> -> memref<1x128xi32, #tpu.memory_space<vmem>>
    %dma_start3A_268 = tpu.memref_squeeze %dma_start3A_267 : memref<1x128xi32, #tpu.memory_space<vmem>> -> memref<128xi32, #tpu.memory_space<vmem>>
    %dma_start3A_269 = arith.constant 0 : i32
    %dma_start3A_270 = arith.constant 0 : i32
    %dma_start3A_271 = tpu.memref_slice %arg5[%dma_start3A_269, %dma_start3A_270] : memref<100000x128xf32, #tpu.memory_space<hbm>> -> memref<100000x128xf32, #tpu.memory_space<hbm>>
    tpu.enqueue_indirect_dma source(%dma_start3A_271 : memref<100000x128xf32, #tpu.memory_space<hbm>>) target(%arg15 : memref<128x128xf32, #tpu.memory_space<vmem>>) offsets(%dma_start3A_268 : memref<128xi32, #tpu.memory_space<vmem>>) semaphore(%arg23 : memref<!tpu.dma_semaphore, #tpu.memory_space<semaphore_mem>>)
    %dma_start3A_272 = arith.constant 1 : i32
    %dma_start3A_273 = arith.constant 0 : i32
    %dma_start3A_274 = tpu.memref_slice %arg10[%dma_start3A_272, %dma_start3A_273] : memref<4x128xi32, #tpu.memory_space<vmem>> -> memref<1x128xi32, #tpu.memory_space<vmem>>
    %dma_start3A_275 = tpu.memref_squeeze %dma_start3A_274 : memref<1x128xi32, #tpu.memory_space<vmem>> -> memref<128xi32, #tpu.memory_space<vmem>>
    %dma_start3A_276 = arith.constant 0 : i32
    %dma_start3A_277 = arith.constant 0 : i32
    %dma_start3A_278 = tpu.memref_slice %arg6[%dma_start3A_276, %dma_start3A_277] : memref<100000x128xf32, #tpu.memory_space<hbm>> -> memref<100000x128xf32, #tpu.memory_space<hbm>>
    tpu.enqueue_indirect_dma source(%dma_start3A_278 : memref<100000x128xf32, #tpu.memory_space<hbm>>) target(%arg16 : memref<128x128xf32, #tpu.memory_space<vmem>>) offsets(%dma_start3A_275 : memref<128xi32, #tpu.memory_space<vmem>>) semaphore(%arg24 : memref<!tpu.dma_semaphore, #tpu.memory_space<semaphore_mem>>)
    %dma_start3A_279 = arith.constant 1 : i32
    %dma_start3A_280 = arith.constant 0 : i32
    %dma_start3A_281 = tpu.memref_slice %arg11[%dma_start3A_279, %dma_start3A_280] : memref<4x128xi32, #tpu.memory_space<vmem>> -> memref<1x128xi32, #tpu.memory_space<vmem>>
    %dma_start3A_282 = tpu.memref_squeeze %dma_start3A_281 : memref<1x128xi32, #tpu.memory_space<vmem>> -> memref<128xi32, #tpu.memory_space<vmem>>
    %dma_start3A_283 = arith.constant 0 : i32
    %dma_start3A_284 = arith.constant 0 : i32
    %dma_start3A_285 = tpu.memref_slice %arg6[%dma_start3A_283, %dma_start3A_284] : memref<100000x128xf32, #tpu.memory_space<hbm>> -> memref<100000x128xf32, #tpu.memory_space<hbm>>
    tpu.enqueue_indirect_dma source(%dma_start3A_285 : memref<100000x128xf32, #tpu.memory_space<hbm>>) target(%arg17 : memref<128x128xf32, #tpu.memory_space<vmem>>) offsets(%dma_start3A_282 : memref<128xi32, #tpu.memory_space<vmem>>) semaphore(%arg25 : memref<!tpu.dma_semaphore, #tpu.memory_space<semaphore_mem>>)
    %dma_wait3A_286 = arith.constant 0 : i32
    %dma_wait3A_287 = arith.constant 0 : i32
    %dma_wait3A_288 = tpu.memref_slice %arg9[%dma_wait3A_286, %dma_wait3A_287] : memref<4x128xi32, #tpu.memory_space<vmem>> -> memref<1x128xi32, #tpu.memory_space<vmem>>
    %dma_wait3A_289 = tpu.memref_squeeze %dma_wait3A_288 : memref<1x128xi32, #tpu.memory_space<vmem>> -> memref<128xi32, #tpu.memory_space<vmem>>
    %dma_wait3A_290 = arith.constant 0 : i32
    %dma_wait3A_291 = arith.constant 0 : i32
    %dma_wait3A_292 = tpu.memref_slice %arg5[%dma_wait3A_290, %dma_wait3A_291] : memref<100000x128xf32, #tpu.memory_space<hbm>> -> memref<100000x128xf32, #tpu.memory_space<hbm>>
    tpu.wait_indirect_dma semaphore(%arg20 : memref<!tpu.dma_semaphore, #tpu.memory_space<semaphore_mem>>) src(%dma_wait3A_292 : memref<100000x128xf32, #tpu.memory_space<hbm>>) dst(%arg12 : memref<128x128xf32, #tpu.memory_space<vmem>>)
    %dma_wait3A_293 = arith.constant 0 : i32
    %dma_wait3A_294 = arith.constant 0 : i32
    %dma_wait3A_295 = tpu.memref_slice %arg10[%dma_wait3A_293, %dma_wait3A_294] : memref<4x128xi32, #tpu.memory_space<vmem>> -> memref<1x128xi32, #tpu.memory_space<vmem>>
    %dma_wait3A_296 = tpu.memref_squeeze %dma_wait3A_295 : memref<1x128xi32, #tpu.memory_space<vmem>> -> memref<128xi32, #tpu.memory_space<vmem>>
    %dma_wait3A_297 = arith.constant 0 : i32
    %dma_wait3A_298 = arith.constant 0 : i32
    %dma_wait3A_299 = tpu.memref_slice %arg6[%dma_wait3A_297, %dma_wait3A_298] : memref<100000x128xf32, #tpu.memory_space<hbm>> -> memref<100000x128xf32, #tpu.memory_space<hbm>>
    tpu.wait_indirect_dma semaphore(%arg21 : memref<!tpu.dma_semaphore, #tpu.memory_space<semaphore_mem>>) src(%dma_wait3A_299 : memref<100000x128xf32, #tpu.memory_space<hbm>>) dst(%arg13 : memref<128x128xf32, #tpu.memory_space<vmem>>)
    %dma_wait3A_300 = arith.constant 0 : i32
    %dma_wait3A_301 = arith.constant 0 : i32
    %dma_wait3A_302 = tpu.memref_slice %arg11[%dma_wait3A_300, %dma_wait3A_301] : memref<4x128xi32, #tpu.memory_space<vmem>> -> memref<1x128xi32, #tpu.memory_space<vmem>>
    %dma_wait3A_303 = tpu.memref_squeeze %dma_wait3A_302 : memref<1x128xi32, #tpu.memory_space<vmem>> -> memref<128xi32, #tpu.memory_space<vmem>>
    %dma_wait3A_304 = arith.constant 0 : i32
    %dma_wait3A_305 = arith.constant 0 : i32
    %dma_wait3A_306 = tpu.memref_slice %arg6[%dma_wait3A_304, %dma_wait3A_305] : memref<100000x128xf32, #tpu.memory_space<hbm>> -> memref<100000x128xf32, #tpu.memory_space<hbm>>
    tpu.wait_indirect_dma semaphore(%arg22 : memref<!tpu.dma_semaphore, #tpu.memory_space<semaphore_mem>>) src(%dma_wait3A_306 : memref<100000x128xf32, #tpu.memory_space<hbm>>) dst(%arg14 : memref<128x128xf32, #tpu.memory_space<vmem>>)
    %scan3A = arith.constant 0 : i32
    %scan3A_307 = arith.constant 128 : i32
    %scan3A_308 = arith.addi %scan3A, %scan3A_307 : i32
    %scan3A_309 = arith.constant 1 : i32
    %scan3A_310:2 = scf.for %scan3A_447 = %scan3A to %scan3A_308 step %scan3A_309 iter_args(%scan3A_448 = %broadcast_in_dim3A_262, %scan3A_449 = %broadcast_in_dim3A_264) -> (vector<16xf32>, vector<16xf32>)  : i32 {
      %broadcast_in_dim3A_450 = arith.constant 0.000000e+00 : f32
      %broadcast_in_dim3A_451 = vector.broadcast %broadcast_in_dim3A_450 : f32 to vector<16xf32>
      %get3A = arith.index_cast %scan3A_447 : i32 to index
      %get3A_452 = arith.constant 0 : index
      %get3A_453 = tpu.vector_load %arg12[%get3A, %get3A_452] {strides = array<i32>} : memref<128x128xf32, #tpu.memory_space<vmem>>, vector<1x16xf32>,
      %get3A_454 = vector.shape_cast %get3A_453 : vector<1x16xf32> to vector<16xf32>
      %get3A_455 = arith.index_cast %scan3A_447 : i32 to index
      %get3A_456 = arith.constant 0 : index
      %get3A_457 = tpu.vector_load %arg13[%get3A_455, %get3A_456] {strides = array<i32>} : memref<128x128xf32, #tpu.memory_space<vmem>>, vector<1x16xf32>,
      %get3A_458 = vector.shape_cast %get3A_457 : vector<1x16xf32> to vector<16xf32>
      %get3A_459 = arith.index_cast %scan3A_447 : i32 to index
      %get3A_460 = arith.constant 0 : index
      %get3A_461 = tpu.vector_load %arg14[%get3A_459, %get3A_460] {strides = array<i32>} : memref<128x128xf32, #tpu.memory_space<vmem>>, vector<1x16xf32>,
      %get3A_462 = vector.shape_cast %get3A_461 : vector<1x16xf32> to vector<16xf32>
      %sub3A = arith.subf %get3A_458, %get3A_462 : vector<16xf32>
      %mul3A_463 = arith.mulf %get3A_454, %sub3A : vector<16xf32>
      %add3A_464 = arith.addf %broadcast_in_dim3A_451, %mul3A_463 : vector<16xf32>
      %mul3A_465 = arith.mulf %get3A_454, %get3A_454 : vector<16xf32>
      %add3A_466 = arith.addf %scan3A_448, %mul3A_465 : vector<16xf32>
      %mul3A_467 = arith.mulf %get3A_458, %get3A_458 : vector<16xf32>
      %add3A_468 = arith.addf %scan3A_449, %mul3A_467 : vector<16xf32>
      %mul3A_469 = arith.mulf %get3A_462, %get3A_462 : vector<16xf32>
      %add3A_470 = arith.addf %add3A_468, %mul3A_469 : vector<16xf32>
      %get3A_471 = arith.index_cast %scan3A_447 : i32 to index
      %get3A_472 = arith.constant 16 : index
      %get3A_473 = tpu.vector_load %arg12[%get3A_471, %get3A_472] {strides = array<i32>} : memref<128x128xf32, #tpu.memory_space<vmem>>, vector<1x16xf32>,
      %get3A_474 = vector.shape_cast %get3A_473 : vector<1x16xf32> to vector<16xf32>
      %get3A_475 = arith.index_cast %scan3A_447 : i32 to index
      %get3A_476 = arith.constant 16 : index
      %get3A_477 = tpu.vector_load %arg13[%get3A_475, %get3A_476] {strides = array<i32>} : memref<128x128xf32, #tpu.memory_space<vmem>>, vector<1x16xf32>,
      %get3A_478 = vector.shape_cast %get3A_477 : vector<1x16xf32> to vector<16xf32>
      %get3A_479 = arith.index_cast %scan3A_447 : i32 to index
      %get3A_480 = arith.constant 16 : index
      %get3A_481 = tpu.vector_load %arg14[%get3A_479, %get3A_480] {strides = array<i32>} : memref<128x128xf32, #tpu.memory_space<vmem>>, vector<1x16xf32>,
      %get3A_482 = vector.shape_cast %get3A_481 : vector<1x16xf32> to vector<16xf32>
      %sub3A_483 = arith.subf %get3A_478, %get3A_482 : vector<16xf32>
      %mul3A_484 = arith.mulf %get3A_474, %sub3A_483 : vector<16xf32>
      %add3A_485 = arith.addf %add3A_464, %mul3A_484 : vector<16xf32>
      %mul3A_486 = arith.mulf %get3A_474, %get3A_474 : vector<16xf32>
      %add3A_487 = arith.addf %add3A_466, %mul3A_486 : vector<16xf32>
      %mul3A_488 = arith.mulf %get3A_478, %get3A_478 : vector<16xf32>
      %add3A_489 = arith.addf %add3A_470, %mul3A_488 : vector<16xf32>
      %mul3A_490 = arith.mulf %get3A_482, %get3A_482 : vector<16xf32>
      %add3A_491 = arith.addf %add3A_489, %mul3A_490 : vector<16xf32>
      %get3A_492 = arith.index_cast %scan3A_447 : i32 to index
      %get3A_493 = arith.constant 32 : index
      %get3A_494 = tpu.vector_load %arg12[%get3A_492, %get3A_493] {strides = array<i32>} : memref<128x128xf32, #tpu.memory_space<vmem>>, vector<1x16xf32>,
      %get3A_495 = vector.shape_cast %get3A_494 : vector<1x16xf32> to vector<16xf32>
      %get3A_496 = arith.index_cast %scan3A_447 : i32 to index
      %get3A_497 = arith.constant 32 : index
      %get3A_498 = tpu.vector_load %arg13[%get3A_496, %get3A_497] {strides = array<i32>} : memref<128x128xf32, #tpu.memory_space<vmem>>, vector<1x16xf32>,
      %get3A_499 = vector.shape_cast %get3A_498 : vector<1x16xf32> to vector<16xf32>
      %get3A_500 = arith.index_cast %scan3A_447 : i32 to index
      %get3A_501 = arith.constant 32 : index
      %get3A_502 = tpu.vector_load %arg14[%get3A_500, %get3A_501] {strides = array<i32>} : memref<128x128xf32, #tpu.memory_space<vmem>>, vector<1x16xf32>,
      %get3A_503 = vector.shape_cast %get3A_502 : vector<1x16xf32> to vector<16xf32>
      %sub3A_504 = arith.subf %get3A_499, %get3A_503 : vector<16xf32>
      %mul3A_505 = arith.mulf %get3A_495, %sub3A_504 : vector<16xf32>
      %add3A_506 = arith.addf %add3A_485, %mul3A_505 : vector<16xf32>
      %mul3A_507 = arith.mulf %get3A_495, %get3A_495 : vector<16xf32>
      %add3A_508 = arith.addf %add3A_487, %mul3A_507 : vector<16xf32>
      %mul3A_509 = arith.mulf %get3A_499, %get3A_499 : vector<16xf32>
      %add3A_510 = arith.addf %add3A_491, %mul3A_509 : vector<16xf32>
      %mul3A_511 = arith.mulf %get3A_503, %get3A_503 : vector<16xf32>
      %add3A_512 = arith.addf %add3A_510, %mul3A_511 : vector<16xf32>
      %get3A_513 = arith.index_cast %scan3A_447 : i32 to index
      %get3A_514 = arith.constant 48 : index
      %get3A_515 = tpu.vector_load %arg12[%get3A_513, %get3A_514] {strides = array<i32>} : memref<128x128xf32, #tpu.memory_space<vmem>>, vector<1x16xf32>,
      %get3A_516 = vector.shape_cast %get3A_515 : vector<1x16xf32> to vector<16xf32>
      %get3A_517 = arith.index_cast %scan3A_447 : i32 to index
      %get3A_518 = arith.constant 48 : index
      %get3A_519 = tpu.vector_load %arg13[%get3A_517, %get3A_518] {strides = array<i32>} : memref<128x128xf32, #tpu.memory_space<vmem>>, vector<1x16xf32>,
      %get3A_520 = vector.shape_cast %get3A_519 : vector<1x16xf32> to vector<16xf32>
      %get3A_521 = arith.index_cast %scan3A_447 : i32 to index
      %get3A_522 = arith.constant 48 : index
      %get3A_523 = tpu.vector_load %arg14[%get3A_521, %get3A_522] {strides = array<i32>} : memref<128x128xf32, #tpu.memory_space<vmem>>, vector<1x16xf32>,
      %get3A_524 = vector.shape_cast %get3A_523 : vector<1x16xf32> to vector<16xf32>
      %sub3A_525 = arith.subf %get3A_520, %get3A_524 : vector<16xf32>
      %mul3A_526 = arith.mulf %get3A_516, %sub3A_525 : vector<16xf32>
      %add3A_527 = arith.addf %add3A_506, %mul3A_526 : vector<16xf32>
      %mul3A_528 = arith.mulf %get3A_516, %get3A_516 : vector<16xf32>
      %add3A_529 = arith.addf %add3A_508, %mul3A_528 : vector<16xf32>
      %mul3A_530 = arith.mulf %get3A_520, %get3A_520 : vector<16xf32>
      %add3A_531 = arith.addf %add3A_512, %mul3A_530 : vector<16xf32>
      %mul3A_532 = arith.mulf %get3A_524, %get3A_524 : vector<16xf32>
      %add3A_533 = arith.addf %add3A_531, %mul3A_532 : vector<16xf32>
      %get3A_534 = arith.index_cast %scan3A_447 : i32 to index
      %get3A_535 = arith.constant 64 : index
      %get3A_536 = tpu.vector_load %arg12[%get3A_534, %get3A_535] {strides = array<i32>} : memref<128x128xf32, #tpu.memory_space<vmem>>, vector<1x16xf32>,
      %get3A_537 = vector.shape_cast %get3A_536 : vector<1x16xf32> to vector<16xf32>
      %get3A_538 = arith.index_cast %scan3A_447 : i32 to index
      %get3A_539 = arith.constant 64 : index
      %get3A_540 = tpu.vector_load %arg13[%get3A_538, %get3A_539] {strides = array<i32>} : memref<128x128xf32, #tpu.memory_space<vmem>>, vector<1x16xf32>,
      %get3A_541 = vector.shape_cast %get3A_540 : vector<1x16xf32> to vector<16xf32>
      %get3A_542 = arith.index_cast %scan3A_447 : i32 to index
      %get3A_543 = arith.constant 64 : index
      %get3A_544 = tpu.vector_load %arg14[%get3A_542, %get3A_543] {strides = array<i32>} : memref<128x128xf32, #tpu.memory_space<vmem>>, vector<1x16xf32>,
      %get3A_545 = vector.shape_cast %get3A_544 : vector<1x16xf32> to vector<16xf32>
      %sub3A_546 = arith.subf %get3A_541, %get3A_545 : vector<16xf32>
      %mul3A_547 = arith.mulf %get3A_537, %sub3A_546 : vector<16xf32>
      %add3A_548 = arith.addf %add3A_527, %mul3A_547 : vector<16xf32>
      %mul3A_549 = arith.mulf %get3A_537, %get3A_537 : vector<16xf32>
      %add3A_550 = arith.addf %add3A_529, %mul3A_549 : vector<16xf32>
      %mul3A_551 = arith.mulf %get3A_541, %get3A_541 : vector<16xf32>
      %add3A_552 = arith.addf %add3A_533, %mul3A_551 : vector<16xf32>
      %mul3A_553 = arith.mulf %get3A_545, %get3A_545 : vector<16xf32>
      %add3A_554 = arith.addf %add3A_552, %mul3A_553 : vector<16xf32>
      %get3A_555 = arith.index_cast %scan3A_447 : i32 to index
      %get3A_556 = arith.constant 80 : index
      %get3A_557 = tpu.vector_load %arg12[%get3A_555, %get3A_556] {strides = array<i32>} : memref<128x128xf32, #tpu.memory_space<vmem>>, vector<1x16xf32>,
      %get3A_558 = vector.shape_cast %get3A_557 : vector<1x16xf32> to vector<16xf32>
      %get3A_559 = arith.index_cast %scan3A_447 : i32 to index
      %get3A_560 = arith.constant 80 : index
      %get3A_561 = tpu.vector_load %arg13[%get3A_559, %get3A_560] {strides = array<i32>} : memref<128x128xf32, #tpu.memory_space<vmem>>, vector<1x16xf32>,
      %get3A_562 = vector.shape_cast %get3A_561 : vector<1x16xf32> to vector<16xf32>
      %get3A_563 = arith.index_cast %scan3A_447 : i32 to index
      %get3A_564 = arith.constant 80 : index
      %get3A_565 = tpu.vector_load %arg14[%get3A_563, %get3A_564] {strides = array<i32>} : memref<128x128xf32, #tpu.memory_space<vmem>>, vector<1x16xf32>,
      %get3A_566 = vector.shape_cast %get3A_565 : vector<1x16xf32> to vector<16xf32>
      %sub3A_567 = arith.subf %get3A_562, %get3A_566 : vector<16xf32>
      %mul3A_568 = arith.mulf %get3A_558, %sub3A_567 : vector<16xf32>
      %add3A_569 = arith.addf %add3A_548, %mul3A_568 : vector<16xf32>
      %mul3A_570 = arith.mulf %get3A_558, %get3A_558 : vector<16xf32>
      %add3A_571 = arith.addf %add3A_550, %mul3A_570 : vector<16xf32>
      %mul3A_572 = arith.mulf %get3A_562, %get3A_562 : vector<16xf32>
      %add3A_573 = arith.addf %add3A_554, %mul3A_572 : vector<16xf32>
      %mul3A_574 = arith.mulf %get3A_566, %get3A_566 : vector<16xf32>
      %add3A_575 = arith.addf %add3A_573, %mul3A_574 : vector<16xf32>
      %get3A_576 = arith.index_cast %scan3A_447 : i32 to index
      %get3A_577 = arith.constant 96 : index
      %get3A_578 = tpu.vector_load %arg12[%get3A_576, %get3A_577] {strides = array<i32>} : memref<128x128xf32, #tpu.memory_space<vmem>>, vector<1x16xf32>,
      %get3A_579 = vector.shape_cast %get3A_578 : vector<1x16xf32> to vector<16xf32>
      %get3A_580 = arith.index_cast %scan3A_447 : i32 to index
      %get3A_581 = arith.constant 96 : index
      %get3A_582 = tpu.vector_load %arg13[%get3A_580, %get3A_581] {strides = array<i32>} : memref<128x128xf32, #tpu.memory_space<vmem>>, vector<1x16xf32>,
      %get3A_583 = vector.shape_cast %get3A_582 : vector<1x16xf32> to vector<16xf32>
      %get3A_584 = arith.index_cast %scan3A_447 : i32 to index
      %get3A_585 = arith.constant 96 : index
      %get3A_586 = tpu.vector_load %arg14[%get3A_584, %get3A_585] {strides = array<i32>} : memref<128x128xf32, #tpu.memory_space<vmem>>, vector<1x16xf32>,
      %get3A_587 = vector.shape_cast %get3A_586 : vector<1x16xf32> to vector<16xf32>
      %sub3A_588 = arith.subf %get3A_583, %get3A_587 : vector<16xf32>
      %mul3A_589 = arith.mulf %get3A_579, %sub3A_588 : vector<16xf32>
      %add3A_590 = arith.addf %add3A_569, %mul3A_589 : vector<16xf32>
      %mul3A_591 = arith.mulf %get3A_579, %get3A_579 : vector<16xf32>
      %add3A_592 = arith.addf %add3A_571, %mul3A_591 : vector<16xf32>
      %mul3A_593 = arith.mulf %get3A_583, %get3A_583 : vector<16xf32>
      %add3A_594 = arith.addf %add3A_575, %mul3A_593 : vector<16xf32>
      %mul3A_595 = arith.mulf %get3A_587, %get3A_587 : vector<16xf32>
      %add3A_596 = arith.addf %add3A_594, %mul3A_595 : vector<16xf32>
      %get3A_597 = arith.index_cast %scan3A_447 : i32 to index
      %get3A_598 = arith.constant 112 : index
      %get3A_599 = tpu.vector_load %arg12[%get3A_597, %get3A_598] {strides = array<i32>} : memref<128x128xf32, #tpu.memory_space<vmem>>, vector<1x16xf32>,
      %get3A_600 = vector.shape_cast %get3A_599 : vector<1x16xf32> to vector<16xf32>
      %get3A_601 = arith.index_cast %scan3A_447 : i32 to index
      %get3A_602 = arith.constant 112 : index
      %get3A_603 = tpu.vector_load %arg13[%get3A_601, %get3A_602] {strides = array<i32>} : memref<128x128xf32, #tpu.memory_space<vmem>>, vector<1x16xf32>,
      %get3A_604 = vector.shape_cast %get3A_603 : vector<1x16xf32> to vector<16xf32>
      %get3A_605 = arith.index_cast %scan3A_447 : i32 to index
      %get3A_606 = arith.constant 112 : index
      %get3A_607 = tpu.vector_load %arg14[%get3A_605, %get3A_606] {strides = array<i32>} : memref<128x128xf32, #tpu.memory_space<vmem>>, vector<1x16xf32>,
      %get3A_608 = vector.shape_cast %get3A_607 : vector<1x16xf32> to vector<16xf32>
      %sub3A_609 = arith.subf %get3A_604, %get3A_608 : vector<16xf32>
      %mul3A_610 = arith.mulf %get3A_600, %sub3A_609 : vector<16xf32>
      %add3A_611 = arith.addf %add3A_590, %mul3A_610 : vector<16xf32>
      %mul3A_612 = arith.mulf %get3A_600, %get3A_600 : vector<16xf32>
      %add3A_613 = arith.addf %add3A_592, %mul3A_612 : vector<16xf32>
      %mul3A_614 = arith.mulf %get3A_604, %get3A_604 : vector<16xf32>
      %add3A_615 = arith.addf %add3A_596, %mul3A_614 : vector<16xf32>
      %mul3A_616 = arith.mulf %get3A_608, %get3A_608 : vector<16xf32>
      %add3A_617 = arith.addf %add3A_615, %mul3A_616 : vector<16xf32>
      %swap3A_618 = arith.index_cast %scan3A_447 : i32 to index
      %swap3A_619 = arith.constant 0 : index
      %swap3A_620 = tpu.vector_load %arg18[%swap3A_618, %swap3A_619] {strides = array<i32>} : memref<128x16xf32, #tpu.memory_space<vmem>>, vector<1x16xf32>,
      %swap3A_621 = vector.shape_cast %swap3A_620 : vector<1x16xf32> to vector<16xf32>
      %swap3A_622 = vector.shape_cast %add3A_611 : vector<16xf32> to vector<1x16xf32>
      tpu.vector_store %arg18[%swap3A_618, %swap3A_619], %swap3A_622 {strides = array<i32>} : memref<128x16xf32, #tpu.memory_space<vmem>>, vector<1x16xf32>,
      scf.yield %add3A_613, %add3A_617 : vector<16xf32>, vector<16xf32>
    }
    %scan3A_311 = arith.constant 128 : i32
    %add3A_312 = arith.constant 0 : i32
    %add3A_313 = arith.addi %mul3A_2, %add3A_312 : i32
    "tpu.region"() ({
      %run_scoped3A = tpu.sem_alloc : memref<!tpu.dma_semaphore, #tpu.memory_space<semaphore_mem>>
      %dma_start3A_447 = arith.constant 0 : i32
      %dma_start3A_448 = tpu.memref_slice %arg7[%add3A_313, %dma_start3A_447] : memref<16384x16xf32, #tpu.memory_space<hbm>> -> memref<128x16xf32, #tpu.memory_space<hbm>>
      %dma_start3A_449 = arith.constant 0 : i32
      %dma_start3A_450 = tpu.memref_slice %arg7[%add3A_313, %dma_start3A_449] : memref<16384x16xf32, #tpu.memory_space<hbm>> -> memref<128x16xf32, #tpu.memory_space<hbm>>
      tpu.enqueue_dma source(%arg18 : memref<128x16xf32, #tpu.memory_space<vmem>>) target(%dma_start3A_450 : memref<128x16xf32, #tpu.memory_space<hbm>>) target_semaphore(%run_scoped3A : memref<!tpu.dma_semaphore, #tpu.memory_space<semaphore_mem>>)
      %dma_wait3A_451 = arith.constant 0 : i32
      %dma_wait3A_452 = tpu.memref_slice %arg7[%add3A_313, %dma_wait3A_451] : memref<16384x16xf32, #tpu.memory_space<hbm>> -> memref<128x16xf32, #tpu.memory_space<hbm>>
      %dma_wait3A_453 = arith.constant 0 : i32
      %dma_wait3A_454 = tpu.memref_slice %arg7[%add3A_313, %dma_wait3A_453] : memref<16384x16xf32, #tpu.memory_space<hbm>> -> memref<128x16xf32, #tpu.memory_space<hbm>>
      tpu.wait_dma2 semaphore(%run_scoped3A : memref<!tpu.dma_semaphore, #tpu.memory_space<semaphore_mem>>) src(%arg18 : memref<128x16xf32, #tpu.memory_space<vmem>>) dst(%dma_wait3A_454 : memref<128x16xf32, #tpu.memory_space<hbm>>)
      tpu.yield
    }) : () -> ()
    %dma_start3A_314 = arith.constant 2 : i32
    %dma_start3A_315 = arith.constant 0 : i32
    %dma_start3A_316 = tpu.memref_slice %arg9[%dma_start3A_314, %dma_start3A_315] : memref<4x128xi32, #tpu.memory_space<vmem>> -> memref<1x128xi32, #tpu.memory_space<vmem>>
    %dma_start3A_317 = tpu.memref_squeeze %dma_start3A_316 : memref<1x128xi32, #tpu.memory_space<vmem>> -> memref<128xi32, #tpu.memory_space<vmem>>
    %dma_start3A_318 = arith.constant 0 : i32
    %dma_start3A_319 = arith.constant 0 : i32
    %dma_start3A_320 = tpu.memref_slice %arg5[%dma_start3A_318, %dma_start3A_319] : memref<100000x128xf32, #tpu.memory_space<hbm>> -> memref<100000x128xf32, #tpu.memory_space<hbm>>
    tpu.enqueue_indirect_dma source(%dma_start3A_320 : memref<100000x128xf32, #tpu.memory_space<hbm>>) target(%arg12 : memref<128x128xf32, #tpu.memory_space<vmem>>) offsets(%dma_start3A_317 : memref<128xi32, #tpu.memory_space<vmem>>) semaphore(%arg20 : memref<!tpu.dma_semaphore, #tpu.memory_space<semaphore_mem>>)
    %dma_start3A_321 = arith.constant 2 : i32
    %dma_start3A_322 = arith.constant 0 : i32
    %dma_start3A_323 = tpu.memref_slice %arg10[%dma_start3A_321, %dma_start3A_322] : memref<4x128xi32, #tpu.memory_space<vmem>> -> memref<1x128xi32, #tpu.memory_space<vmem>>
    %dma_start3A_324 = tpu.memref_squeeze %dma_start3A_323 : memref<1x128xi32, #tpu.memory_space<vmem>> -> memref<128xi32, #tpu.memory_space<vmem>>
    %dma_start3A_325 = arith.constant 0 : i32
    %dma_start3A_326 = arith.constant 0 : i32
    %dma_start3A_327 = tpu.memref_slice %arg6[%dma_start3A_325, %dma_start3A_326] : memref<100000x128xf32, #tpu.memory_space<hbm>> -> memref<100000x128xf32, #tpu.memory_space<hbm>>
    tpu.enqueue_indirect_dma source(%dma_start3A_327 : memref<100000x128xf32, #tpu.memory_space<hbm>>) target(%arg13 : memref<128x128xf32, #tpu.memory_space<vmem>>) offsets(%dma_start3A_324 : memref<128xi32, #tpu.memory_space<vmem>>) semaphore(%arg21 : memref<!tpu.dma_semaphore, #tpu.memory_space<semaphore_mem>>)
    %dma_start3A_328 = arith.constant 2 : i32
    %dma_start3A_329 = arith.constant 0 : i32
    %dma_start3A_330 = tpu.memref_slice %arg11[%dma_start3A_328, %dma_start3A_329] : memref<4x128xi32, #tpu.memory_space<vmem>> -> memref<1x128xi32, #tpu.memory_space<vmem>>
    %dma_start3A_331 = tpu.memref_squeeze %dma_start3A_330 : memref<1x128xi32, #tpu.memory_space<vmem>> -> memref<128xi32, #tpu.memory_space<vmem>>
    %dma_start3A_332 = arith.constant 0 : i32
    %dma_start3A_333 = arith.constant 0 : i32
    %dma_start3A_334 = tpu.memref_slice %arg6[%dma_start3A_332, %dma_start3A_333] : memref<100000x128xf32, #tpu.memory_space<hbm>> -> memref<100000x128xf32, #tpu.memory_space<hbm>>
    tpu.enqueue_indirect_dma source(%dma_start3A_334 : memref<100000x128xf32, #tpu.memory_space<hbm>>) target(%arg14 : memref<128x128xf32, #tpu.memory_space<vmem>>) offsets(%dma_start3A_331 : memref<128xi32, #tpu.memory_space<vmem>>) semaphore(%arg22 : memref<!tpu.dma_semaphore, #tpu.memory_space<semaphore_mem>>)
    %dma_wait3A_335 = arith.constant 1 : i32
    %dma_wait3A_336 = arith.constant 0 : i32
    %dma_wait3A_337 = tpu.memref_slice %arg9[%dma_wait3A_335, %dma_wait3A_336] : memref<4x128xi32, #tpu.memory_space<vmem>> -> memref<1x128xi32, #tpu.memory_space<vmem>>
    %dma_wait3A_338 = tpu.memref_squeeze %dma_wait3A_337 : memref<1x128xi32, #tpu.memory_space<vmem>> -> memref<128xi32, #tpu.memory_space<vmem>>
    %dma_wait3A_339 = arith.constant 0 : i32
    %dma_wait3A_340 = arith.constant 0 : i32
    %dma_wait3A_341 = tpu.memref_slice %arg5[%dma_wait3A_339, %dma_wait3A_340] : memref<100000x128xf32, #tpu.memory_space<hbm>> -> memref<100000x128xf32, #tpu.memory_space<hbm>>
    tpu.wait_indirect_dma semaphore(%arg23 : memref<!tpu.dma_semaphore, #tpu.memory_space<semaphore_mem>>) src(%dma_wait3A_341 : memref<100000x128xf32, #tpu.memory_space<hbm>>) dst(%arg15 : memref<128x128xf32, #tpu.memory_space<vmem>>)
    %dma_wait3A_342 = arith.constant 1 : i32
    %dma_wait3A_343 = arith.constant 0 : i32
    %dma_wait3A_344 = tpu.memref_slice %arg10[%dma_wait3A_342, %dma_wait3A_343] : memref<4x128xi32, #tpu.memory_space<vmem>> -> memref<1x128xi32, #tpu.memory_space<vmem>>
    %dma_wait3A_345 = tpu.memref_squeeze %dma_wait3A_344 : memref<1x128xi32, #tpu.memory_space<vmem>> -> memref<128xi32, #tpu.memory_space<vmem>>
    %dma_wait3A_346 = arith.constant 0 : i32
    %dma_wait3A_347 = arith.constant 0 : i32
    %dma_wait3A_348 = tpu.memref_slice %arg6[%dma_wait3A_346, %dma_wait3A_347] : memref<100000x128xf32, #tpu.memory_space<hbm>> -> memref<100000x128xf32, #tpu.memory_space<hbm>>
    tpu.wait_indirect_dma semaphore(%arg24 : memref<!tpu.dma_semaphore, #tpu.memory_space<semaphore_mem>>) src(%dma_wait3A_348 : memref<100000x128xf32, #tpu.memory_space<hbm>>) dst(%arg16 : memref<128x128xf32, #tpu.memory_space<vmem>>)
    %dma_wait3A_349 = arith.constant 1 : i32
    %dma_wait3A_350 = arith.constant 0 : i32
    %dma_wait3A_351 = tpu.memref_slice %arg11[%dma_wait3A_349, %dma_wait3A_350] : memref<4x128xi32, #tpu.memory_space<vmem>> -> memref<1x128xi32, #tpu.memory_space<vmem>>
    %dma_wait3A_352 = tpu.memref_squeeze %dma_wait3A_351 : memref<1x128xi32, #tpu.memory_space<vmem>> -> memref<128xi32, #tpu.memory_space<vmem>>
    %dma_wait3A_353 = arith.constant 0 : i32
    %dma_wait3A_354 = arith.constant 0 : i32
    %dma_wait3A_355 = tpu.memref_slice %arg6[%dma_wait3A_353, %dma_wait3A_354] : memref<100000x128xf32, #tpu.memory_space<hbm>> -> memref<100000x128xf32, #tpu.memory_space<hbm>>
    tpu.wait_indirect_dma semaphore(%arg25 : memref<!tpu.dma_semaphore, #tpu.memory_space<semaphore_mem>>) src(%dma_wait3A_355 : memref<100000x128xf32, #tpu.memory_space<hbm>>) dst(%arg17 : memref<128x128xf32, #tpu.memory_space<vmem>>)
    %scan3A_356 = arith.constant 0 : i32
    %scan3A_357 = arith.constant 128 : i32
    %scan3A_358 = arith.addi %scan3A_356, %scan3A_357 : i32
    %scan3A_359 = arith.constant 1 : i32
    %scan3A_360:2 = scf.for %scan3A_447 = %scan3A_356 to %scan3A_358 step %scan3A_359 iter_args(%scan3A_448 = %scan3A_310#0, %scan3A_449 = %scan3A_310#1) -> (vector<16xf32>, vector<16xf32>)  : i32 {
      %broadcast_in_dim3A_450 = arith.constant 0.000000e+00 : f32
      %broadcast_in_dim3A_451 = vector.broadcast %broadcast_in_dim3A_450 : f32 to vector<16xf32>
      %get3A = arith.index_cast %scan3A_447 : i32 to index
      %get3A_452 = arith.constant 0 : index
      %get3A_453 = tpu.vector_load %arg15[%get3A, %get3A_452] {strides = array<i32>} : memref<128x128xf32, #tpu.memory_space<vmem>>, vector<1x16xf32>,
      %get3A_454 = vector.shape_cast %get3A_453 : vector<1x16xf32> to vector<16xf32>
      %get3A_455 = arith.index_cast %scan3A_447 : i32 to index
      %get3A_456 = arith.constant 0 : index
      %get3A_457 = tpu.vector_load %arg16[%get3A_455, %get3A_456] {strides = array<i32>} : memref<128x128xf32, #tpu.memory_space<vmem>>, vector<1x16xf32>,
      %get3A_458 = vector.shape_cast %get3A_457 : vector<1x16xf32> to vector<16xf32>
      %get3A_459 = arith.index_cast %scan3A_447 : i32 to index
      %get3A_460 = arith.constant 0 : index
      %get3A_461 = tpu.vector_load %arg17[%get3A_459, %get3A_460] {strides = array<i32>} : memref<128x128xf32, #tpu.memory_space<vmem>>, vector<1x16xf32>,
      %get3A_462 = vector.shape_cast %get3A_461 : vector<1x16xf32> to vector<16xf32>
      %sub3A = arith.subf %get3A_458, %get3A_462 : vector<16xf32>
      %mul3A_463 = arith.mulf %get3A_454, %sub3A : vector<16xf32>
      %add3A_464 = arith.addf %broadcast_in_dim3A_451, %mul3A_463 : vector<16xf32>
      %mul3A_465 = arith.mulf %get3A_454, %get3A_454 : vector<16xf32>
      %add3A_466 = arith.addf %scan3A_448, %mul3A_465 : vector<16xf32>
      %mul3A_467 = arith.mulf %get3A_458, %get3A_458 : vector<16xf32>
      %add3A_468 = arith.addf %scan3A_449, %mul3A_467 : vector<16xf32>
      %mul3A_469 = arith.mulf %get3A_462, %get3A_462 : vector<16xf32>
      %add3A_470 = arith.addf %add3A_468, %mul3A_469 : vector<16xf32>
      %get3A_471 = arith.index_cast %scan3A_447 : i32 to index
      %get3A_472 = arith.constant 16 : index
      %get3A_473 = tpu.vector_load %arg15[%get3A_471, %get3A_472] {strides = array<i32>} : memref<128x128xf32, #tpu.memory_space<vmem>>, vector<1x16xf32>,
      %get3A_474 = vector.shape_cast %get3A_473 : vector<1x16xf32> to vector<16xf32>
      %get3A_475 = arith.index_cast %scan3A_447 : i32 to index
      %get3A_476 = arith.constant 16 : index
      %get3A_477 = tpu.vector_load %arg16[%get3A_475, %get3A_476] {strides = array<i32>} : memref<128x128xf32, #tpu.memory_space<vmem>>, vector<1x16xf32>,
      %get3A_478 = vector.shape_cast %get3A_477 : vector<1x16xf32> to vector<16xf32>
      %get3A_479 = arith.index_cast %scan3A_447 : i32 to index
      %get3A_480 = arith.constant 16 : index
      %get3A_481 = tpu.vector_load %arg17[%get3A_479, %get3A_480] {strides = array<i32>} : memref<128x128xf32, #tpu.memory_space<vmem>>, vector<1x16xf32>,
      %get3A_482 = vector.shape_cast %get3A_481 : vector<1x16xf32> to vector<16xf32>
      %sub3A_483 = arith.subf %get3A_478, %get3A_482 : vector<16xf32>
      %mul3A_484 = arith.mulf %get3A_474, %sub3A_483 : vector<16xf32>
      %add3A_485 = arith.addf %add3A_464, %mul3A_484 : vector<16xf32>
      %mul3A_486 = arith.mulf %get3A_474, %get3A_474 : vector<16xf32>
      %add3A_487 = arith.addf %add3A_466, %mul3A_486 : vector<16xf32>
      %mul3A_488 = arith.mulf %get3A_478, %get3A_478 : vector<16xf32>
      %add3A_489 = arith.addf %add3A_470, %mul3A_488 : vector<16xf32>
      %mul3A_490 = arith.mulf %get3A_482, %get3A_482 : vector<16xf32>
      %add3A_491 = arith.addf %add3A_489, %mul3A_490 : vector<16xf32>
      %get3A_492 = arith.index_cast %scan3A_447 : i32 to index
      %get3A_493 = arith.constant 32 : index
      %get3A_494 = tpu.vector_load %arg15[%get3A_492, %get3A_493] {strides = array<i32>} : memref<128x128xf32, #tpu.memory_space<vmem>>, vector<1x16xf32>,
      %get3A_495 = vector.shape_cast %get3A_494 : vector<1x16xf32> to vector<16xf32>
      %get3A_496 = arith.index_cast %scan3A_447 : i32 to index
      %get3A_497 = arith.constant 32 : index
      %get3A_498 = tpu.vector_load %arg16[%get3A_496, %get3A_497] {strides = array<i32>} : memref<128x128xf32, #tpu.memory_space<vmem>>, vector<1x16xf32>,
      %get3A_499 = vector.shape_cast %get3A_498 : vector<1x16xf32> to vector<16xf32>
      %get3A_500 = arith.index_cast %scan3A_447 : i32 to index
      %get3A_501 = arith.constant 32 : index
      %get3A_502 = tpu.vector_load %arg17[%get3A_500, %get3A_501] {strides = array<i32>} : memref<128x128xf32, #tpu.memory_space<vmem>>, vector<1x16xf32>,
      %get3A_503 = vector.shape_cast %get3A_502 : vector<1x16xf32> to vector<16xf32>
      %sub3A_504 = arith.subf %get3A_499, %get3A_503 : vector<16xf32>
      %mul3A_505 = arith.mulf %get3A_495, %sub3A_504 : vector<16xf32>
      %add3A_506 = arith.addf %add3A_485, %mul3A_505 : vector<16xf32>
      %mul3A_507 = arith.mulf %get3A_495, %get3A_495 : vector<16xf32>
      %add3A_508 = arith.addf %add3A_487, %mul3A_507 : vector<16xf32>
      %mul3A_509 = arith.mulf %get3A_499, %get3A_499 : vector<16xf32>
      %add3A_510 = arith.addf %add3A_491, %mul3A_509 : vector<16xf32>
      %mul3A_511 = arith.mulf %get3A_503, %get3A_503 : vector<16xf32>
      %add3A_512 = arith.addf %add3A_510, %mul3A_511 : vector<16xf32>
      %get3A_513 = arith.index_cast %scan3A_447 : i32 to index
      %get3A_514 = arith.constant 48 : index
      %get3A_515 = tpu.vector_load %arg15[%get3A_513, %get3A_514] {strides = array<i32>} : memref<128x128xf32, #tpu.memory_space<vmem>>, vector<1x16xf32>,
      %get3A_516 = vector.shape_cast %get3A_515 : vector<1x16xf32> to vector<16xf32>
      %get3A_517 = arith.index_cast %scan3A_447 : i32 to index
      %get3A_518 = arith.constant 48 : index
      %get3A_519 = tpu.vector_load %arg16[%get3A_517, %get3A_518] {strides = array<i32>} : memref<128x128xf32, #tpu.memory_space<vmem>>, vector<1x16xf32>,
      %get3A_520 = vector.shape_cast %get3A_519 : vector<1x16xf32> to vector<16xf32>
      %get3A_521 = arith.index_cast %scan3A_447 : i32 to index
      %get3A_522 = arith.constant 48 : index
      %get3A_523 = tpu.vector_load %arg17[%get3A_521, %get3A_522] {strides = array<i32>} : memref<128x128xf32, #tpu.memory_space<vmem>>, vector<1x16xf32>,
      %get3A_524 = vector.shape_cast %get3A_523 : vector<1x16xf32> to vector<16xf32>
      %sub3A_525 = arith.subf %get3A_520, %get3A_524 : vector<16xf32>
      %mul3A_526 = arith.mulf %get3A_516, %sub3A_525 : vector<16xf32>
      %add3A_527 = arith.addf %add3A_506, %mul3A_526 : vector<16xf32>
      %mul3A_528 = arith.mulf %get3A_516, %get3A_516 : vector<16xf32>
      %add3A_529 = arith.addf %add3A_508, %mul3A_528 : vector<16xf32>
      %mul3A_530 = arith.mulf %get3A_520, %get3A_520 : vector<16xf32>
      %add3A_531 = arith.addf %add3A_512, %mul3A_530 : vector<16xf32>
      %mul3A_532 = arith.mulf %get3A_524, %get3A_524 : vector<16xf32>
      %add3A_533 = arith.addf %add3A_531, %mul3A_532 : vector<16xf32>
      %get3A_534 = arith.index_cast %scan3A_447 : i32 to index
      %get3A_535 = arith.constant 64 : index
      %get3A_536 = tpu.vector_load %arg15[%get3A_534, %get3A_535] {strides = array<i32>} : memref<128x128xf32, #tpu.memory_space<vmem>>, vector<1x16xf32>,
      %get3A_537 = vector.shape_cast %get3A_536 : vector<1x16xf32> to vector<16xf32>
      %get3A_538 = arith.index_cast %scan3A_447 : i32 to index
      %get3A_539 = arith.constant 64 : index
      %get3A_540 = tpu.vector_load %arg16[%get3A_538, %get3A_539] {strides = array<i32>} : memref<128x128xf32, #tpu.memory_space<vmem>>, vector<1x16xf32>,
      %get3A_541 = vector.shape_cast %get3A_540 : vector<1x16xf32> to vector<16xf32>
      %get3A_542 = arith.index_cast %scan3A_447 : i32 to index
      %get3A_543 = arith.constant 64 : index
      %get3A_544 = tpu.vector_load %arg17[%get3A_542, %get3A_543] {strides = array<i32>} : memref<128x128xf32, #tpu.memory_space<vmem>>, vector<1x16xf32>,
      %get3A_545 = vector.shape_cast %get3A_544 : vector<1x16xf32> to vector<16xf32>
      %sub3A_546 = arith.subf %get3A_541, %get3A_545 : vector<16xf32>
      %mul3A_547 = arith.mulf %get3A_537, %sub3A_546 : vector<16xf32>
      %add3A_548 = arith.addf %add3A_527, %mul3A_547 : vector<16xf32>
      %mul3A_549 = arith.mulf %get3A_537, %get3A_537 : vector<16xf32>
      %add3A_550 = arith.addf %add3A_529, %mul3A_549 : vector<16xf32>
      %mul3A_551 = arith.mulf %get3A_541, %get3A_541 : vector<16xf32>
      %add3A_552 = arith.addf %add3A_533, %mul3A_551 : vector<16xf32>
      %mul3A_553 = arith.mulf %get3A_545, %get3A_545 : vector<16xf32>
      %add3A_554 = arith.addf %add3A_552, %mul3A_553 : vector<16xf32>
      %get3A_555 = arith.index_cast %scan3A_447 : i32 to index
      %get3A_556 = arith.constant 80 : index
      %get3A_557 = tpu.vector_load %arg15[%get3A_555, %get3A_556] {strides = array<i32>} : memref<128x128xf32, #tpu.memory_space<vmem>>, vector<1x16xf32>,
      %get3A_558 = vector.shape_cast %get3A_557 : vector<1x16xf32> to vector<16xf32>
      %get3A_559 = arith.index_cast %scan3A_447 : i32 to index
      %get3A_560 = arith.constant 80 : index
      %get3A_561 = tpu.vector_load %arg16[%get3A_559, %get3A_560] {strides = array<i32>} : memref<128x128xf32, #tpu.memory_space<vmem>>, vector<1x16xf32>,
      %get3A_562 = vector.shape_cast %get3A_561 : vector<1x16xf32> to vector<16xf32>
      %get3A_563 = arith.index_cast %scan3A_447 : i32 to index
      %get3A_564 = arith.constant 80 : index
      %get3A_565 = tpu.vector_load %arg17[%get3A_563, %get3A_564] {strides = array<i32>} : memref<128x128xf32, #tpu.memory_space<vmem>>, vector<1x16xf32>,
      %get3A_566 = vector.shape_cast %get3A_565 : vector<1x16xf32> to vector<16xf32>
      %sub3A_567 = arith.subf %get3A_562, %get3A_566 : vector<16xf32>
      %mul3A_568 = arith.mulf %get3A_558, %sub3A_567 : vector<16xf32>
      %add3A_569 = arith.addf %add3A_548, %mul3A_568 : vector<16xf32>
      %mul3A_570 = arith.mulf %get3A_558, %get3A_558 : vector<16xf32>
      %add3A_571 = arith.addf %add3A_550, %mul3A_570 : vector<16xf32>
      %mul3A_572 = arith.mulf %get3A_562, %get3A_562 : vector<16xf32>
      %add3A_573 = arith.addf %add3A_554, %mul3A_572 : vector<16xf32>
      %mul3A_574 = arith.mulf %get3A_566, %get3A_566 : vector<16xf32>
      %add3A_575 = arith.addf %add3A_573, %mul3A_574 : vector<16xf32>
      %get3A_576 = arith.index_cast %scan3A_447 : i32 to index
      %get3A_577 = arith.constant 96 : index
      %get3A_578 = tpu.vector_load %arg15[%get3A_576, %get3A_577] {strides = array<i32>} : memref<128x128xf32, #tpu.memory_space<vmem>>, vector<1x16xf32>,
      %get3A_579 = vector.shape_cast %get3A_578 : vector<1x16xf32> to vector<16xf32>
      %get3A_580 = arith.index_cast %scan3A_447 : i32 to index
      %get3A_581 = arith.constant 96 : index
      %get3A_582 = tpu.vector_load %arg16[%get3A_580, %get3A_581] {strides = array<i32>} : memref<128x128xf32, #tpu.memory_space<vmem>>, vector<1x16xf32>,
      %get3A_583 = vector.shape_cast %get3A_582 : vector<1x16xf32> to vector<16xf32>
      %get3A_584 = arith.index_cast %scan3A_447 : i32 to index
      %get3A_585 = arith.constant 96 : index
      %get3A_586 = tpu.vector_load %arg17[%get3A_584, %get3A_585] {strides = array<i32>} : memref<128x128xf32, #tpu.memory_space<vmem>>, vector<1x16xf32>,
      %get3A_587 = vector.shape_cast %get3A_586 : vector<1x16xf32> to vector<16xf32>
      %sub3A_588 = arith.subf %get3A_583, %get3A_587 : vector<16xf32>
      %mul3A_589 = arith.mulf %get3A_579, %sub3A_588 : vector<16xf32>
      %add3A_590 = arith.addf %add3A_569, %mul3A_589 : vector<16xf32>
      %mul3A_591 = arith.mulf %get3A_579, %get3A_579 : vector<16xf32>
      %add3A_592 = arith.addf %add3A_571, %mul3A_591 : vector<16xf32>
      %mul3A_593 = arith.mulf %get3A_583, %get3A_583 : vector<16xf32>
      %add3A_594 = arith.addf %add3A_575, %mul3A_593 : vector<16xf32>
      %mul3A_595 = arith.mulf %get3A_587, %get3A_587 : vector<16xf32>
      %add3A_596 = arith.addf %add3A_594, %mul3A_595 : vector<16xf32>
      %get3A_597 = arith.index_cast %scan3A_447 : i32 to index
      %get3A_598 = arith.constant 112 : index
      %get3A_599 = tpu.vector_load %arg15[%get3A_597, %get3A_598] {strides = array<i32>} : memref<128x128xf32, #tpu.memory_space<vmem>>, vector<1x16xf32>,
      %get3A_600 = vector.shape_cast %get3A_599 : vector<1x16xf32> to vector<16xf32>
      %get3A_601 = arith.index_cast %scan3A_447 : i32 to index
      %get3A_602 = arith.constant 112 : index
      %get3A_603 = tpu.vector_load %arg16[%get3A_601, %get3A_602] {strides = array<i32>} : memref<128x128xf32, #tpu.memory_space<vmem>>, vector<1x16xf32>,
      %get3A_604 = vector.shape_cast %get3A_603 : vector<1x16xf32> to vector<16xf32>
      %get3A_605 = arith.index_cast %scan3A_447 : i32 to index
      %get3A_606 = arith.constant 112 : index
      %get3A_607 = tpu.vector_load %arg17[%get3A_605, %get3A_606] {strides = array<i32>} : memref<128x128xf32, #tpu.memory_space<vmem>>, vector<1x16xf32>,
      %get3A_608 = vector.shape_cast %get3A_607 : vector<1x16xf32> to vector<16xf32>
      %sub3A_609 = arith.subf %get3A_604, %get3A_608 : vector<16xf32>
      %mul3A_610 = arith.mulf %get3A_600, %sub3A_609 : vector<16xf32>
      %add3A_611 = arith.addf %add3A_590, %mul3A_610 : vector<16xf32>
      %mul3A_612 = arith.mulf %get3A_600, %get3A_600 : vector<16xf32>
      %add3A_613 = arith.addf %add3A_592, %mul3A_612 : vector<16xf32>
      %mul3A_614 = arith.mulf %get3A_604, %get3A_604 : vector<16xf32>
      %add3A_615 = arith.addf %add3A_596, %mul3A_614 : vector<16xf32>
      %mul3A_616 = arith.mulf %get3A_608, %get3A_608 : vector<16xf32>
      %add3A_617 = arith.addf %add3A_615, %mul3A_616 : vector<16xf32>
      %swap3A_618 = arith.index_cast %scan3A_447 : i32 to index
      %swap3A_619 = arith.constant 0 : index
      %swap3A_620 = tpu.vector_load %arg18[%swap3A_618, %swap3A_619] {strides = array<i32>} : memref<128x16xf32, #tpu.memory_space<vmem>>, vector<1x16xf32>,
      %swap3A_621 = vector.shape_cast %swap3A_620 : vector<1x16xf32> to vector<16xf32>
      %swap3A_622 = vector.shape_cast %add3A_611 : vector<16xf32> to vector<1x16xf32>
      tpu.vector_store %arg18[%swap3A_618, %swap3A_619], %swap3A_622 {strides = array<i32>} : memref<128x16xf32, #tpu.memory_space<vmem>>, vector<1x16xf32>,
      scf.yield %add3A_613, %add3A_617 : vector<16xf32>, vector<16xf32>
    }
    %scan3A_361 = arith.constant 128 : i32
    %add3A_362 = arith.constant 128 : i32
    %add3A_363 = arith.addi %mul3A_2, %add3A_362 : i32
    "tpu.region"() ({
      %run_scoped3A = tpu.sem_alloc : memref<!tpu.dma_semaphore, #tpu.memory_space<semaphore_mem>>
      %dma_start3A_447 = arith.constant 0 : i32
      %dma_start3A_448 = tpu.memref_slice %arg7[%add3A_363, %dma_start3A_447] : memref<16384x16xf32, #tpu.memory_space<hbm>> -> memref<128x16xf32, #tpu.memory_space<hbm>>
      %dma_start3A_449 = arith.constant 0 : i32
      %dma_start3A_450 = tpu.memref_slice %arg7[%add3A_363, %dma_start3A_449] : memref<16384x16xf32, #tpu.memory_space<hbm>> -> memref<128x16xf32, #tpu.memory_space<hbm>>
      tpu.enqueue_dma source(%arg18 : memref<128x16xf32, #tpu.memory_space<vmem>>) target(%dma_start3A_450 : memref<128x16xf32, #tpu.memory_space<hbm>>) target_semaphore(%run_scoped3A : memref<!tpu.dma_semaphore, #tpu.memory_space<semaphore_mem>>)
      %dma_wait3A_451 = arith.constant 0 : i32
      %dma_wait3A_452 = tpu.memref_slice %arg7[%add3A_363, %dma_wait3A_451] : memref<16384x16xf32, #tpu.memory_space<hbm>> -> memref<128x16xf32, #tpu.memory_space<hbm>>
      %dma_wait3A_453 = arith.constant 0 : i32
      %dma_wait3A_454 = tpu.memref_slice %arg7[%add3A_363, %dma_wait3A_453] : memref<16384x16xf32, #tpu.memory_space<hbm>> -> memref<128x16xf32, #tpu.memory_space<hbm>>
      tpu.wait_dma2 semaphore(%run_scoped3A : memref<!tpu.dma_semaphore, #tpu.memory_space<semaphore_mem>>) src(%arg18 : memref<128x16xf32, #tpu.memory_space<vmem>>) dst(%dma_wait3A_454 : memref<128x16xf32, #tpu.memory_space<hbm>>)
      tpu.yield
    }) : () -> ()
    %dma_start3A_364 = arith.constant 3 : i32
    %dma_start3A_365 = arith.constant 0 : i32
    %dma_start3A_366 = tpu.memref_slice %arg9[%dma_start3A_364, %dma_start3A_365] : memref<4x128xi32, #tpu.memory_space<vmem>> -> memref<1x128xi32, #tpu.memory_space<vmem>>
    %dma_start3A_367 = tpu.memref_squeeze %dma_start3A_366 : memref<1x128xi32, #tpu.memory_space<vmem>> -> memref<128xi32, #tpu.memory_space<vmem>>
    %dma_start3A_368 = arith.constant 0 : i32
    %dma_start3A_369 = arith.constant 0 : i32
    %dma_start3A_370 = tpu.memref_slice %arg5[%dma_start3A_368, %dma_start3A_369] : memref<100000x128xf32, #tpu.memory_space<hbm>> -> memref<100000x128xf32, #tpu.memory_space<hbm>>
    tpu.enqueue_indirect_dma source(%dma_start3A_370 : memref<100000x128xf32, #tpu.memory_space<hbm>>) target(%arg15 : memref<128x128xf32, #tpu.memory_space<vmem>>) offsets(%dma_start3A_367 : memref<128xi32, #tpu.memory_space<vmem>>) semaphore(%arg23 : memref<!tpu.dma_semaphore, #tpu.memory_space<semaphore_mem>>)
    %dma_start3A_371 = arith.constant 3 : i32
    %dma_start3A_372 = arith.constant 0 : i32
    %dma_start3A_373 = tpu.memref_slice %arg10[%dma_start3A_371, %dma_start3A_372] : memref<4x128xi32, #tpu.memory_space<vmem>> -> memref<1x128xi32, #tpu.memory_space<vmem>>
    %dma_start3A_374 = tpu.memref_squeeze %dma_start3A_373 : memref<1x128xi32, #tpu.memory_space<vmem>> -> memref<128xi32, #tpu.memory_space<vmem>>
    %dma_start3A_375 = arith.constant 0 : i32
    %dma_start3A_376 = arith.constant 0 : i32
    %dma_start3A_377 = tpu.memref_slice %arg6[%dma_start3A_375, %dma_start3A_376] : memref<100000x128xf32, #tpu.memory_space<hbm>> -> memref<100000x128xf32, #tpu.memory_space<hbm>>
    tpu.enqueue_indirect_dma source(%dma_start3A_377 : memref<100000x128xf32, #tpu.memory_space<hbm>>) target(%arg16 : memref<128x128xf32, #tpu.memory_space<vmem>>) offsets(%dma_start3A_374 : memref<128xi32, #tpu.memory_space<vmem>>) semaphore(%arg24 : memref<!tpu.dma_semaphore, #tpu.memory_space<semaphore_mem>>)
    %dma_start3A_378 = arith.constant 3 : i32
    %dma_start3A_379 = arith.constant 0 : i32
    %dma_start3A_380 = tpu.memref_slice %arg11[%dma_start3A_378, %dma_start3A_379] : memref<4x128xi32, #tpu.memory_space<vmem>> -> memref<1x128xi32, #tpu.memory_space<vmem>>
    %dma_start3A_381 = tpu.memref_squeeze %dma_start3A_380 : memref<1x128xi32, #tpu.memory_space<vmem>> -> memref<128xi32, #tpu.memory_space<vmem>>
    %dma_start3A_382 = arith.constant 0 : i32
    %dma_start3A_383 = arith.constant 0 : i32
    %dma_start3A_384 = tpu.memref_slice %arg6[%dma_start3A_382, %dma_start3A_383] : memref<100000x128xf32, #tpu.memory_space<hbm>> -> memref<100000x128xf32, #tpu.memory_space<hbm>>
    tpu.enqueue_indirect_dma source(%dma_start3A_384 : memref<100000x128xf32, #tpu.memory_space<hbm>>) target(%arg17 : memref<128x128xf32, #tpu.memory_space<vmem>>) offsets(%dma_start3A_381 : memref<128xi32, #tpu.memory_space<vmem>>) semaphore(%arg25 : memref<!tpu.dma_semaphore, #tpu.memory_space<semaphore_mem>>)
    %dma_wait3A_385 = arith.constant 2 : i32
    %dma_wait3A_386 = arith.constant 0 : i32
    %dma_wait3A_387 = tpu.memref_slice %arg9[%dma_wait3A_385, %dma_wait3A_386] : memref<4x128xi32, #tpu.memory_space<vmem>> -> memref<1x128xi32, #tpu.memory_space<vmem>>
    %dma_wait3A_388 = tpu.memref_squeeze %dma_wait3A_387 : memref<1x128xi32, #tpu.memory_space<vmem>> -> memref<128xi32, #tpu.memory_space<vmem>>
    %dma_wait3A_389 = arith.constant 0 : i32
    %dma_wait3A_390 = arith.constant 0 : i32
    %dma_wait3A_391 = tpu.memref_slice %arg5[%dma_wait3A_389, %dma_wait3A_390] : memref<100000x128xf32, #tpu.memory_space<hbm>> -> memref<100000x128xf32, #tpu.memory_space<hbm>>
    tpu.wait_indirect_dma semaphore(%arg20 : memref<!tpu.dma_semaphore, #tpu.memory_space<semaphore_mem>>) src(%dma_wait3A_391 : memref<100000x128xf32, #tpu.memory_space<hbm>>) dst(%arg12 : memref<128x128xf32, #tpu.memory_space<vmem>>)
    %dma_wait3A_392 = arith.constant 2 : i32
    %dma_wait3A_393 = arith.constant 0 : i32
    %dma_wait3A_394 = tpu.memref_slice %arg10[%dma_wait3A_392, %dma_wait3A_393] : memref<4x128xi32, #tpu.memory_space<vmem>> -> memref<1x128xi32, #tpu.memory_space<vmem>>
    %dma_wait3A_395 = tpu.memref_squeeze %dma_wait3A_394 : memref<1x128xi32, #tpu.memory_space<vmem>> -> memref<128xi32, #tpu.memory_space<vmem>>
    %dma_wait3A_396 = arith.constant 0 : i32
    %dma_wait3A_397 = arith.constant 0 : i32
    %dma_wait3A_398 = tpu.memref_slice %arg6[%dma_wait3A_396, %dma_wait3A_397] : memref<100000x128xf32, #tpu.memory_space<hbm>> -> memref<100000x128xf32, #tpu.memory_space<hbm>>
    tpu.wait_indirect_dma semaphore(%arg21 : memref<!tpu.dma_semaphore, #tpu.memory_space<semaphore_mem>>) src(%dma_wait3A_398 : memref<100000x128xf32, #tpu.memory_space<hbm>>) dst(%arg13 : memref<128x128xf32, #tpu.memory_space<vmem>>)
    %dma_wait3A_399 = arith.constant 2 : i32
    %dma_wait3A_400 = arith.constant 0 : i32
    %dma_wait3A_401 = tpu.memref_slice %arg11[%dma_wait3A_399, %dma_wait3A_400] : memref<4x128xi32, #tpu.memory_space<vmem>> -> memref<1x128xi32, #tpu.memory_space<vmem>>
    %dma_wait3A_402 = tpu.memref_squeeze %dma_wait3A_401 : memref<1x128xi32, #tpu.memory_space<vmem>> -> memref<128xi32, #tpu.memory_space<vmem>>
    %dma_wait3A_403 = arith.constant 0 : i32
    %dma_wait3A_404 = arith.constant 0 : i32
    %dma_wait3A_405 = tpu.memref_slice %arg6[%dma_wait3A_403, %dma_wait3A_404] : memref<100000x128xf32, #tpu.memory_space<hbm>> -> memref<100000x128xf32, #tpu.memory_space<hbm>>
    tpu.wait_indirect_dma semaphore(%arg22 : memref<!tpu.dma_semaphore, #tpu.memory_space<semaphore_mem>>) src(%dma_wait3A_405 : memref<100000x128xf32, #tpu.memory_space<hbm>>) dst(%arg14 : memref<128x128xf32, #tpu.memory_space<vmem>>)
    %scan3A_406 = arith.constant 0 : i32
    %scan3A_407 = arith.constant 128 : i32
    %scan3A_408 = arith.addi %scan3A_406, %scan3A_407 : i32
    %scan3A_409 = arith.constant 1 : i32
    %scan3A_410:2 = scf.for %scan3A_447 = %scan3A_406 to %scan3A_408 step %scan3A_409 iter_args(%scan3A_448 = %scan3A_360#0, %scan3A_449 = %scan3A_360#1) -> (vector<16xf32>, vector<16xf32>)  : i32 {
      %broadcast_in_dim3A_450 = arith.constant 0.000000e+00 : f32
      %broadcast_in_dim3A_451 = vector.broadcast %broadcast_in_dim3A_450 : f32 to vector<16xf32>
      %get3A = arith.index_cast %scan3A_447 : i32 to index
      %get3A_452 = arith.constant 0 : index
      %get3A_453 = tpu.vector_load %arg12[%get3A, %get3A_452] {strides = array<i32>} : memref<128x128xf32, #tpu.memory_space<vmem>>, vector<1x16xf32>,
      %get3A_454 = vector.shape_cast %get3A_453 : vector<1x16xf32> to vector<16xf32>
      %get3A_455 = arith.index_cast %scan3A_447 : i32 to index
      %get3A_456 = arith.constant 0 : index
      %get3A_457 = tpu.vector_load %arg13[%get3A_455, %get3A_456] {strides = array<i32>} : memref<128x128xf32, #tpu.memory_space<vmem>>, vector<1x16xf32>,
      %get3A_458 = vector.shape_cast %get3A_457 : vector<1x16xf32> to vector<16xf32>
      %get3A_459 = arith.index_cast %scan3A_447 : i32 to index
      %get3A_460 = arith.constant 0 : index
      %get3A_461 = tpu.vector_load %arg14[%get3A_459, %get3A_460] {strides = array<i32>} : memref<128x128xf32, #tpu.memory_space<vmem>>, vector<1x16xf32>,
      %get3A_462 = vector.shape_cast %get3A_461 : vector<1x16xf32> to vector<16xf32>
      %sub3A = arith.subf %get3A_458, %get3A_462 : vector<16xf32>
      %mul3A_463 = arith.mulf %get3A_454, %sub3A : vector<16xf32>
      %add3A_464 = arith.addf %broadcast_in_dim3A_451, %mul3A_463 : vector<16xf32>
      %mul3A_465 = arith.mulf %get3A_454, %get3A_454 : vector<16xf32>
      %add3A_466 = arith.addf %scan3A_448, %mul3A_465 : vector<16xf32>
      %mul3A_467 = arith.mulf %get3A_458, %get3A_458 : vector<16xf32>
      %add3A_468 = arith.addf %scan3A_449, %mul3A_467 : vector<16xf32>
      %mul3A_469 = arith.mulf %get3A_462, %get3A_462 : vector<16xf32>
      %add3A_470 = arith.addf %add3A_468, %mul3A_469 : vector<16xf32>
      %get3A_471 = arith.index_cast %scan3A_447 : i32 to index
      %get3A_472 = arith.constant 16 : index
      %get3A_473 = tpu.vector_load %arg12[%get3A_471, %get3A_472] {strides = array<i32>} : memref<128x128xf32, #tpu.memory_space<vmem>>, vector<1x16xf32>,
      %get3A_474 = vector.shape_cast %get3A_473 : vector<1x16xf32> to vector<16xf32>
      %get3A_475 = arith.index_cast %scan3A_447 : i32 to index
      %get3A_476 = arith.constant 16 : index
      %get3A_477 = tpu.vector_load %arg13[%get3A_475, %get3A_476] {strides = array<i32>} : memref<128x128xf32, #tpu.memory_space<vmem>>, vector<1x16xf32>,
      %get3A_478 = vector.shape_cast %get3A_477 : vector<1x16xf32> to vector<16xf32>
      %get3A_479 = arith.index_cast %scan3A_447 : i32 to index
      %get3A_480 = arith.constant 16 : index
      %get3A_481 = tpu.vector_load %arg14[%get3A_479, %get3A_480] {strides = array<i32>} : memref<128x128xf32, #tpu.memory_space<vmem>>, vector<1x16xf32>,
      %get3A_482 = vector.shape_cast %get3A_481 : vector<1x16xf32> to vector<16xf32>
      %sub3A_483 = arith.subf %get3A_478, %get3A_482 : vector<16xf32>
      %mul3A_484 = arith.mulf %get3A_474, %sub3A_483 : vector<16xf32>
      %add3A_485 = arith.addf %add3A_464, %mul3A_484 : vector<16xf32>
      %mul3A_486 = arith.mulf %get3A_474, %get3A_474 : vector<16xf32>
      %add3A_487 = arith.addf %add3A_466, %mul3A_486 : vector<16xf32>
      %mul3A_488 = arith.mulf %get3A_478, %get3A_478 : vector<16xf32>
      %add3A_489 = arith.addf %add3A_470, %mul3A_488 : vector<16xf32>
      %mul3A_490 = arith.mulf %get3A_482, %get3A_482 : vector<16xf32>
      %add3A_491 = arith.addf %add3A_489, %mul3A_490 : vector<16xf32>
      %get3A_492 = arith.index_cast %scan3A_447 : i32 to index
      %get3A_493 = arith.constant 32 : index
      %get3A_494 = tpu.vector_load %arg12[%get3A_492, %get3A_493] {strides = array<i32>} : memref<128x128xf32, #tpu.memory_space<vmem>>, vector<1x16xf32>,
      %get3A_495 = vector.shape_cast %get3A_494 : vector<1x16xf32> to vector<16xf32>
      %get3A_496 = arith.index_cast %scan3A_447 : i32 to index
      %get3A_497 = arith.constant 32 : index
      %get3A_498 = tpu.vector_load %arg13[%get3A_496, %get3A_497] {strides = array<i32>} : memref<128x128xf32, #tpu.memory_space<vmem>>, vector<1x16xf32>,
      %get3A_499 = vector.shape_cast %get3A_498 : vector<1x16xf32> to vector<16xf32>
      %get3A_500 = arith.index_cast %scan3A_447 : i32 to index
      %get3A_501 = arith.constant 32 : index
      %get3A_502 = tpu.vector_load %arg14[%get3A_500, %get3A_501] {strides = array<i32>} : memref<128x128xf32, #tpu.memory_space<vmem>>, vector<1x16xf32>,
      %get3A_503 = vector.shape_cast %get3A_502 : vector<1x16xf32> to vector<16xf32>
      %sub3A_504 = arith.subf %get3A_499, %get3A_503 : vector<16xf32>
      %mul3A_505 = arith.mulf %get3A_495, %sub3A_504 : vector<16xf32>
      %add3A_506 = arith.addf %add3A_485, %mul3A_505 : vector<16xf32>
      %mul3A_507 = arith.mulf %get3A_495, %get3A_495 : vector<16xf32>
      %add3A_508 = arith.addf %add3A_487, %mul3A_507 : vector<16xf32>
      %mul3A_509 = arith.mulf %get3A_499, %get3A_499 : vector<16xf32>
      %add3A_510 = arith.addf %add3A_491, %mul3A_509 : vector<16xf32>
      %mul3A_511 = arith.mulf %get3A_503, %get3A_503 : vector<16xf32>
      %add3A_512 = arith.addf %add3A_510, %mul3A_511 : vector<16xf32>
      %get3A_513 = arith.index_cast %scan3A_447 : i32 to index
      %get3A_514 = arith.constant 48 : index
      %get3A_515 = tpu.vector_load %arg12[%get3A_513, %get3A_514] {strides = array<i32>} : memref<128x128xf32, #tpu.memory_space<vmem>>, vector<1x16xf32>,
      %get3A_516 = vector.shape_cast %get3A_515 : vector<1x16xf32> to vector<16xf32>
      %get3A_517 = arith.index_cast %scan3A_447 : i32 to index
      %get3A_518 = arith.constant 48 : index
      %get3A_519 = tpu.vector_load %arg13[%get3A_517, %get3A_518] {strides = array<i32>} : memref<128x128xf32, #tpu.memory_space<vmem>>, vector<1x16xf32>,
      %get3A_520 = vector.shape_cast %get3A_519 : vector<1x16xf32> to vector<16xf32>
      %get3A_521 = arith.index_cast %scan3A_447 : i32 to index
      %get3A_522 = arith.constant 48 : index
      %get3A_523 = tpu.vector_load %arg14[%get3A_521, %get3A_522] {strides = array<i32>} : memref<128x128xf32, #tpu.memory_space<vmem>>, vector<1x16xf32>,
      %get3A_524 = vector.shape_cast %get3A_523 : vector<1x16xf32> to vector<16xf32>
      %sub3A_525 = arith.subf %get3A_520, %get3A_524 : vector<16xf32>
      %mul3A_526 = arith.mulf %get3A_516, %sub3A_525 : vector<16xf32>
      %add3A_527 = arith.addf %add3A_506, %mul3A_526 : vector<16xf32>
      %mul3A_528 = arith.mulf %get3A_516, %get3A_516 : vector<16xf32>
      %add3A_529 = arith.addf %add3A_508, %mul3A_528 : vector<16xf32>
      %mul3A_530 = arith.mulf %get3A_520, %get3A_520 : vector<16xf32>
      %add3A_531 = arith.addf %add3A_512, %mul3A_530 : vector<16xf32>
      %mul3A_532 = arith.mulf %get3A_524, %get3A_524 : vector<16xf32>
      %add3A_533 = arith.addf %add3A_531, %mul3A_532 : vector<16xf32>
      %get3A_534 = arith.index_cast %scan3A_447 : i32 to index
      %get3A_535 = arith.constant 64 : index
      %get3A_536 = tpu.vector_load %arg12[%get3A_534, %get3A_535] {strides = array<i32>} : memref<128x128xf32, #tpu.memory_space<vmem>>, vector<1x16xf32>,
      %get3A_537 = vector.shape_cast %get3A_536 : vector<1x16xf32> to vector<16xf32>
      %get3A_538 = arith.index_cast %scan3A_447 : i32 to index
      %get3A_539 = arith.constant 64 : index
      %get3A_540 = tpu.vector_load %arg13[%get3A_538, %get3A_539] {strides = array<i32>} : memref<128x128xf32, #tpu.memory_space<vmem>>, vector<1x16xf32>,
      %get3A_541 = vector.shape_cast %get3A_540 : vector<1x16xf32> to vector<16xf32>
      %get3A_542 = arith.index_cast %scan3A_447 : i32 to index
      %get3A_543 = arith.constant 64 : index
      %get3A_544 = tpu.vector_load %arg14[%get3A_542, %get3A_543] {strides = array<i32>} : memref<128x128xf32, #tpu.memory_space<vmem>>, vector<1x16xf32>,
      %get3A_545 = vector.shape_cast %get3A_544 : vector<1x16xf32> to vector<16xf32>
      %sub3A_546 = arith.subf %get3A_541, %get3A_545 : vector<16xf32>
      %mul3A_547 = arith.mulf %get3A_537, %sub3A_546 : vector<16xf32>
      %add3A_548 = arith.addf %add3A_527, %mul3A_547 : vector<16xf32>
      %mul3A_549 = arith.mulf %get3A_537, %get3A_537 : vector<16xf32>
      %add3A_550 = arith.addf %add3A_529, %mul3A_549 : vector<16xf32>
      %mul3A_551 = arith.mulf %get3A_541, %get3A_541 : vector<16xf32>
      %add3A_552 = arith.addf %add3A_533, %mul3A_551 : vector<16xf32>
      %mul3A_553 = arith.mulf %get3A_545, %get3A_545 : vector<16xf32>
      %add3A_554 = arith.addf %add3A_552, %mul3A_553 : vector<16xf32>
      %get3A_555 = arith.index_cast %scan3A_447 : i32 to index
      %get3A_556 = arith.constant 80 : index
      %get3A_557 = tpu.vector_load %arg12[%get3A_555, %get3A_556] {strides = array<i32>} : memref<128x128xf32, #tpu.memory_space<vmem>>, vector<1x16xf32>,
      %get3A_558 = vector.shape_cast %get3A_557 : vector<1x16xf32> to vector<16xf32>
      %get3A_559 = arith.index_cast %scan3A_447 : i32 to index
      %get3A_560 = arith.constant 80 : index
      %get3A_561 = tpu.vector_load %arg13[%get3A_559, %get3A_560] {strides = array<i32>} : memref<128x128xf32, #tpu.memory_space<vmem>>, vector<1x16xf32>,
      %get3A_562 = vector.shape_cast %get3A_561 : vector<1x16xf32> to vector<16xf32>
      %get3A_563 = arith.index_cast %scan3A_447 : i32 to index
      %get3A_564 = arith.constant 80 : index
      %get3A_565 = tpu.vector_load %arg14[%get3A_563, %get3A_564] {strides = array<i32>} : memref<128x128xf32, #tpu.memory_space<vmem>>, vector<1x16xf32>,
      %get3A_566 = vector.shape_cast %get3A_565 : vector<1x16xf32> to vector<16xf32>
      %sub3A_567 = arith.subf %get3A_562, %get3A_566 : vector<16xf32>
      %mul3A_568 = arith.mulf %get3A_558, %sub3A_567 : vector<16xf32>
      %add3A_569 = arith.addf %add3A_548, %mul3A_568 : vector<16xf32>
      %mul3A_570 = arith.mulf %get3A_558, %get3A_558 : vector<16xf32>
      %add3A_571 = arith.addf %add3A_550, %mul3A_570 : vector<16xf32>
      %mul3A_572 = arith.mulf %get3A_562, %get3A_562 : vector<16xf32>
      %add3A_573 = arith.addf %add3A_554, %mul3A_572 : vector<16xf32>
      %mul3A_574 = arith.mulf %get3A_566, %get3A_566 : vector<16xf32>
      %add3A_575 = arith.addf %add3A_573, %mul3A_574 : vector<16xf32>
      %get3A_576 = arith.index_cast %scan3A_447 : i32 to index
      %get3A_577 = arith.constant 96 : index
      %get3A_578 = tpu.vector_load %arg12[%get3A_576, %get3A_577] {strides = array<i32>} : memref<128x128xf32, #tpu.memory_space<vmem>>, vector<1x16xf32>,
      %get3A_579 = vector.shape_cast %get3A_578 : vector<1x16xf32> to vector<16xf32>
      %get3A_580 = arith.index_cast %scan3A_447 : i32 to index
      %get3A_581 = arith.constant 96 : index
      %get3A_582 = tpu.vector_load %arg13[%get3A_580, %get3A_581] {strides = array<i32>} : memref<128x128xf32, #tpu.memory_space<vmem>>, vector<1x16xf32>,
      %get3A_583 = vector.shape_cast %get3A_582 : vector<1x16xf32> to vector<16xf32>
      %get3A_584 = arith.index_cast %scan3A_447 : i32 to index
      %get3A_585 = arith.constant 96 : index
      %get3A_586 = tpu.vector_load %arg14[%get3A_584, %get3A_585] {strides = array<i32>} : memref<128x128xf32, #tpu.memory_space<vmem>>, vector<1x16xf32>,
      %get3A_587 = vector.shape_cast %get3A_586 : vector<1x16xf32> to vector<16xf32>
      %sub3A_588 = arith.subf %get3A_583, %get3A_587 : vector<16xf32>
      %mul3A_589 = arith.mulf %get3A_579, %sub3A_588 : vector<16xf32>
      %add3A_590 = arith.addf %add3A_569, %mul3A_589 : vector<16xf32>
      %mul3A_591 = arith.mulf %get3A_579, %get3A_579 : vector<16xf32>
      %add3A_592 = arith.addf %add3A_571, %mul3A_591 : vector<16xf32>
      %mul3A_593 = arith.mulf %get3A_583, %get3A_583 : vector<16xf32>
      %add3A_594 = arith.addf %add3A_575, %mul3A_593 : vector<16xf32>
      %mul3A_595 = arith.mulf %get3A_587, %get3A_587 : vector<16xf32>
      %add3A_596 = arith.addf %add3A_594, %mul3A_595 : vector<16xf32>
      %get3A_597 = arith.index_cast %scan3A_447 : i32 to index
      %get3A_598 = arith.constant 112 : index
      %get3A_599 = tpu.vector_load %arg12[%get3A_597, %get3A_598] {strides = array<i32>} : memref<128x128xf32, #tpu.memory_space<vmem>>, vector<1x16xf32>,
      %get3A_600 = vector.shape_cast %get3A_599 : vector<1x16xf32> to vector<16xf32>
      %get3A_601 = arith.index_cast %scan3A_447 : i32 to index
      %get3A_602 = arith.constant 112 : index
      %get3A_603 = tpu.vector_load %arg13[%get3A_601, %get3A_602] {strides = array<i32>} : memref<128x128xf32, #tpu.memory_space<vmem>>, vector<1x16xf32>,
      %get3A_604 = vector.shape_cast %get3A_603 : vector<1x16xf32> to vector<16xf32>
      %get3A_605 = arith.index_cast %scan3A_447 : i32 to index
      %get3A_606 = arith.constant 112 : index
      %get3A_607 = tpu.vector_load %arg14[%get3A_605, %get3A_606] {strides = array<i32>} : memref<128x128xf32, #tpu.memory_space<vmem>>, vector<1x16xf32>,
      %get3A_608 = vector.shape_cast %get3A_607 : vector<1x16xf32> to vector<16xf32>
      %sub3A_609 = arith.subf %get3A_604, %get3A_608 : vector<16xf32>
      %mul3A_610 = arith.mulf %get3A_600, %sub3A_609 : vector<16xf32>
      %add3A_611 = arith.addf %add3A_590, %mul3A_610 : vector<16xf32>
      %mul3A_612 = arith.mulf %get3A_600, %get3A_600 : vector<16xf32>
      %add3A_613 = arith.addf %add3A_592, %mul3A_612 : vector<16xf32>
      %mul3A_614 = arith.mulf %get3A_604, %get3A_604 : vector<16xf32>
      %add3A_615 = arith.addf %add3A_596, %mul3A_614 : vector<16xf32>
      %mul3A_616 = arith.mulf %get3A_608, %get3A_608 : vector<16xf32>
      %add3A_617 = arith.addf %add3A_615, %mul3A_616 : vector<16xf32>
      %swap3A_618 = arith.index_cast %scan3A_447 : i32 to index
      %swap3A_619 = arith.constant 0 : index
      %swap3A_620 = tpu.vector_load %arg18[%swap3A_618, %swap3A_619] {strides = array<i32>} : memref<128x16xf32, #tpu.memory_space<vmem>>, vector<1x16xf32>,
      %swap3A_621 = vector.shape_cast %swap3A_620 : vector<1x16xf32> to vector<16xf32>
      %swap3A_622 = vector.shape_cast %add3A_611 : vector<16xf32> to vector<1x16xf32>
      tpu.vector_store %arg18[%swap3A_618, %swap3A_619], %swap3A_622 {strides = array<i32>} : memref<128x16xf32, #tpu.memory_space<vmem>>, vector<1x16xf32>,
      scf.yield %add3A_613, %add3A_617 : vector<16xf32>, vector<16xf32>
    }
    %scan3A_411 = arith.constant 128 : i32
    %add3A_412 = arith.constant 256 : i32
    %add3A_413 = arith.addi %mul3A_2, %add3A_412 : i32
    "tpu.region"() ({
      %run_scoped3A = tpu.sem_alloc : memref<!tpu.dma_semaphore, #tpu.memory_space<semaphore_mem>>
      %dma_start3A_447 = arith.constant 0 : i32
      %dma_start3A_448 = tpu.memref_slice %arg7[%add3A_413, %dma_start3A_447] : memref<16384x16xf32, #tpu.memory_space<hbm>> -> memref<128x16xf32, #tpu.memory_space<hbm>>
      %dma_start3A_449 = arith.constant 0 : i32
      %dma_start3A_450 = tpu.memref_slice %arg7[%add3A_413, %dma_start3A_449] : memref<16384x16xf32, #tpu.memory_space<hbm>> -> memref<128x16xf32, #tpu.memory_space<hbm>>
      tpu.enqueue_dma source(%arg18 : memref<128x16xf32, #tpu.memory_space<vmem>>) target(%dma_start3A_450 : memref<128x16xf32, #tpu.memory_space<hbm>>) target_semaphore(%run_scoped3A : memref<!tpu.dma_semaphore, #tpu.memory_space<semaphore_mem>>)
      %dma_wait3A_451 = arith.constant 0 : i32
      %dma_wait3A_452 = tpu.memref_slice %arg7[%add3A_413, %dma_wait3A_451] : memref<16384x16xf32, #tpu.memory_space<hbm>> -> memref<128x16xf32, #tpu.memory_space<hbm>>
      %dma_wait3A_453 = arith.constant 0 : i32
      %dma_wait3A_454 = tpu.memref_slice %arg7[%add3A_413, %dma_wait3A_453] : memref<16384x16xf32, #tpu.memory_space<hbm>> -> memref<128x16xf32, #tpu.memory_space<hbm>>
      tpu.wait_dma2 semaphore(%run_scoped3A : memref<!tpu.dma_semaphore, #tpu.memory_space<semaphore_mem>>) src(%arg18 : memref<128x16xf32, #tpu.memory_space<vmem>>) dst(%dma_wait3A_454 : memref<128x16xf32, #tpu.memory_space<hbm>>)
      tpu.yield
    }) : () -> ()
    %dma_wait3A_414 = arith.constant 3 : i32
    %dma_wait3A_415 = arith.constant 0 : i32
    %dma_wait3A_416 = tpu.memref_slice %arg9[%dma_wait3A_414, %dma_wait3A_415] : memref<4x128xi32, #tpu.memory_space<vmem>> -> memref<1x128xi32, #tpu.memory_space<vmem>>
    %dma_wait3A_417 = tpu.memref_squeeze %dma_wait3A_416 : memref<1x128xi32, #tpu.memory_space<vmem>> -> memref<128xi32, #tpu.memory_space<vmem>>
    %dma_wait3A_418 = arith.constant 0 : i32
    %dma_wait3A_419 = arith.constant 0 : i32
    %dma_wait3A_420 = tpu.memref_slice %arg5[%dma_wait3A_418, %dma_wait3A_419] : memref<100000x128xf32, #tpu.memory_space<hbm>> -> memref<100000x128xf32, #tpu.memory_space<hbm>>
    tpu.wait_indirect_dma semaphore(%arg23 : memref<!tpu.dma_semaphore, #tpu.memory_space<semaphore_mem>>) src(%dma_wait3A_420 : memref<100000x128xf32, #tpu.memory_space<hbm>>) dst(%arg15 : memref<128x128xf32, #tpu.memory_space<vmem>>)
    %dma_wait3A_421 = arith.constant 3 : i32
    %dma_wait3A_422 = arith.constant 0 : i32
    %dma_wait3A_423 = tpu.memref_slice %arg10[%dma_wait3A_421, %dma_wait3A_422] : memref<4x128xi32, #tpu.memory_space<vmem>> -> memref<1x128xi32, #tpu.memory_space<vmem>>
    %dma_wait3A_424 = tpu.memref_squeeze %dma_wait3A_423 : memref<1x128xi32, #tpu.memory_space<vmem>> -> memref<128xi32, #tpu.memory_space<vmem>>
    %dma_wait3A_425 = arith.constant 0 : i32
    %dma_wait3A_426 = arith.constant 0 : i32
    %dma_wait3A_427 = tpu.memref_slice %arg6[%dma_wait3A_425, %dma_wait3A_426] : memref<100000x128xf32, #tpu.memory_space<hbm>> -> memref<100000x128xf32, #tpu.memory_space<hbm>>
    tpu.wait_indirect_dma semaphore(%arg24 : memref<!tpu.dma_semaphore, #tpu.memory_space<semaphore_mem>>) src(%dma_wait3A_427 : memref<100000x128xf32, #tpu.memory_space<hbm>>) dst(%arg16 : memref<128x128xf32, #tpu.memory_space<vmem>>)
    %dma_wait3A_428 = arith.constant 3 : i32
    %dma_wait3A_429 = arith.constant 0 : i32
    %dma_wait3A_430 = tpu.memref_slice %arg11[%dma_wait3A_428, %dma_wait3A_429] : memref<4x128xi32, #tpu.memory_space<vmem>> -> memref<1x128xi32, #tpu.memory_space<vmem>>
    %dma_wait3A_431 = tpu.memref_squeeze %dma_wait3A_430 : memref<1x128xi32, #tpu.memory_space<vmem>> -> memref<128xi32, #tpu.memory_space<vmem>>
    %dma_wait3A_432 = arith.constant 0 : i32
    %dma_wait3A_433 = arith.constant 0 : i32
    %dma_wait3A_434 = tpu.memref_slice %arg6[%dma_wait3A_432, %dma_wait3A_433] : memref<100000x128xf32, #tpu.memory_space<hbm>> -> memref<100000x128xf32, #tpu.memory_space<hbm>>
    tpu.wait_indirect_dma semaphore(%arg25 : memref<!tpu.dma_semaphore, #tpu.memory_space<semaphore_mem>>) src(%dma_wait3A_434 : memref<100000x128xf32, #tpu.memory_space<hbm>>) dst(%arg17 : memref<128x128xf32, #tpu.memory_space<vmem>>)
    %scan3A_435 = arith.constant 0 : i32
    %scan3A_436 = arith.constant 128 : i32
    %scan3A_437 = arith.addi %scan3A_435, %scan3A_436 : i32
    %scan3A_438 = arith.constant 1 : i32
    %scan3A_439:2 = scf.for %scan3A_447 = %scan3A_435 to %scan3A_437 step %scan3A_438 iter_args(%scan3A_448 = %scan3A_410#0, %scan3A_449 = %scan3A_410#1) -> (vector<16xf32>, vector<16xf32>)  : i32 {
      %broadcast_in_dim3A_450 = arith.constant 0.000000e+00 : f32
      %broadcast_in_dim3A_451 = vector.broadcast %broadcast_in_dim3A_450 : f32 to vector<16xf32>
      %get3A = arith.index_cast %scan3A_447 : i32 to index
      %get3A_452 = arith.constant 0 : index
      %get3A_453 = tpu.vector_load %arg15[%get3A, %get3A_452] {strides = array<i32>} : memref<128x128xf32, #tpu.memory_space<vmem>>, vector<1x16xf32>,
      %get3A_454 = vector.shape_cast %get3A_453 : vector<1x16xf32> to vector<16xf32>
      %get3A_455 = arith.index_cast %scan3A_447 : i32 to index
      %get3A_456 = arith.constant 0 : index
      %get3A_457 = tpu.vector_load %arg16[%get3A_455, %get3A_456] {strides = array<i32>} : memref<128x128xf32, #tpu.memory_space<vmem>>, vector<1x16xf32>,
      %get3A_458 = vector.shape_cast %get3A_457 : vector<1x16xf32> to vector<16xf32>
      %get3A_459 = arith.index_cast %scan3A_447 : i32 to index
      %get3A_460 = arith.constant 0 : index
      %get3A_461 = tpu.vector_load %arg17[%get3A_459, %get3A_460] {strides = array<i32>} : memref<128x128xf32, #tpu.memory_space<vmem>>, vector<1x16xf32>,
      %get3A_462 = vector.shape_cast %get3A_461 : vector<1x16xf32> to vector<16xf32>
      %sub3A = arith.subf %get3A_458, %get3A_462 : vector<16xf32>
      %mul3A_463 = arith.mulf %get3A_454, %sub3A : vector<16xf32>
      %add3A_464 = arith.addf %broadcast_in_dim3A_451, %mul3A_463 : vector<16xf32>
      %mul3A_465 = arith.mulf %get3A_454, %get3A_454 : vector<16xf32>
      %add3A_466 = arith.addf %scan3A_448, %mul3A_465 : vector<16xf32>
      %mul3A_467 = arith.mulf %get3A_458, %get3A_458 : vector<16xf32>
      %add3A_468 = arith.addf %scan3A_449, %mul3A_467 : vector<16xf32>
      %mul3A_469 = arith.mulf %get3A_462, %get3A_462 : vector<16xf32>
      %add3A_470 = arith.addf %add3A_468, %mul3A_469 : vector<16xf32>
      %get3A_471 = arith.index_cast %scan3A_447 : i32 to index
      %get3A_472 = arith.constant 16 : index
      %get3A_473 = tpu.vector_load %arg15[%get3A_471, %get3A_472] {strides = array<i32>} : memref<128x128xf32, #tpu.memory_space<vmem>>, vector<1x16xf32>,
      %get3A_474 = vector.shape_cast %get3A_473 : vector<1x16xf32> to vector<16xf32>
      %get3A_475 = arith.index_cast %scan3A_447 : i32 to index
      %get3A_476 = arith.constant 16 : index
      %get3A_477 = tpu.vector_load %arg16[%get3A_475, %get3A_476] {strides = array<i32>} : memref<128x128xf32, #tpu.memory_space<vmem>>, vector<1x16xf32>,
      %get3A_478 = vector.shape_cast %get3A_477 : vector<1x16xf32> to vector<16xf32>
      %get3A_479 = arith.index_cast %scan3A_447 : i32 to index
      %get3A_480 = arith.constant 16 : index
      %get3A_481 = tpu.vector_load %arg17[%get3A_479, %get3A_480] {strides = array<i32>} : memref<128x128xf32, #tpu.memory_space<vmem>>, vector<1x16xf32>,
      %get3A_482 = vector.shape_cast %get3A_481 : vector<1x16xf32> to vector<16xf32>
      %sub3A_483 = arith.subf %get3A_478, %get3A_482 : vector<16xf32>
      %mul3A_484 = arith.mulf %get3A_474, %sub3A_483 : vector<16xf32>
      %add3A_485 = arith.addf %add3A_464, %mul3A_484 : vector<16xf32>
      %mul3A_486 = arith.mulf %get3A_474, %get3A_474 : vector<16xf32>
      %add3A_487 = arith.addf %add3A_466, %mul3A_486 : vector<16xf32>
      %mul3A_488 = arith.mulf %get3A_478, %get3A_478 : vector<16xf32>
      %add3A_489 = arith.addf %add3A_470, %mul3A_488 : vector<16xf32>
      %mul3A_490 = arith.mulf %get3A_482, %get3A_482 : vector<16xf32>
      %add3A_491 = arith.addf %add3A_489, %mul3A_490 : vector<16xf32>
      %get3A_492 = arith.index_cast %scan3A_447 : i32 to index
      %get3A_493 = arith.constant 32 : index
      %get3A_494 = tpu.vector_load %arg15[%get3A_492, %get3A_493] {strides = array<i32>} : memref<128x128xf32, #tpu.memory_space<vmem>>, vector<1x16xf32>,
      %get3A_495 = vector.shape_cast %get3A_494 : vector<1x16xf32> to vector<16xf32>
      %get3A_496 = arith.index_cast %scan3A_447 : i32 to index
      %get3A_497 = arith.constant 32 : index
      %get3A_498 = tpu.vector_load %arg16[%get3A_496, %get3A_497] {strides = array<i32>} : memref<128x128xf32, #tpu.memory_space<vmem>>, vector<1x16xf32>,
      %get3A_499 = vector.shape_cast %get3A_498 : vector<1x16xf32> to vector<16xf32>
      %get3A_500 = arith.index_cast %scan3A_447 : i32 to index
      %get3A_501 = arith.constant 32 : index
      %get3A_502 = tpu.vector_load %arg17[%get3A_500, %get3A_501] {strides = array<i32>} : memref<128x128xf32, #tpu.memory_space<vmem>>, vector<1x16xf32>,
      %get3A_503 = vector.shape_cast %get3A_502 : vector<1x16xf32> to vector<16xf32>
      %sub3A_504 = arith.subf %get3A_499, %get3A_503 : vector<16xf32>
      %mul3A_505 = arith.mulf %get3A_495, %sub3A_504 : vector<16xf32>
      %add3A_506 = arith.addf %add3A_485, %mul3A_505 : vector<16xf32>
      %mul3A_507 = arith.mulf %get3A_495, %get3A_495 : vector<16xf32>
      %add3A_508 = arith.addf %add3A_487, %mul3A_507 : vector<16xf32>
      %mul3A_509 = arith.mulf %get3A_499, %get3A_499 : vector<16xf32>
      %add3A_510 = arith.addf %add3A_491, %mul3A_509 : vector<16xf32>
      %mul3A_511 = arith.mulf %get3A_503, %get3A_503 : vector<16xf32>
      %add3A_512 = arith.addf %add3A_510, %mul3A_511 : vector<16xf32>
      %get3A_513 = arith.index_cast %scan3A_447 : i32 to index
      %get3A_514 = arith.constant 48 : index
      %get3A_515 = tpu.vector_load %arg15[%get3A_513, %get3A_514] {strides = array<i32>} : memref<128x128xf32, #tpu.memory_space<vmem>>, vector<1x16xf32>,
      %get3A_516 = vector.shape_cast %get3A_515 : vector<1x16xf32> to vector<16xf32>
      %get3A_517 = arith.index_cast %scan3A_447 : i32 to index
      %get3A_518 = arith.constant 48 : index
      %get3A_519 = tpu.vector_load %arg16[%get3A_517, %get3A_518] {strides = array<i32>} : memref<128x128xf32, #tpu.memory_space<vmem>>, vector<1x16xf32>,
      %get3A_520 = vector.shape_cast %get3A_519 : vector<1x16xf32> to vector<16xf32>
      %get3A_521 = arith.index_cast %scan3A_447 : i32 to index
      %get3A_522 = arith.constant 48 : index
      %get3A_523 = tpu.vector_load %arg17[%get3A_521, %get3A_522] {strides = array<i32>} : memref<128x128xf32, #tpu.memory_space<vmem>>, vector<1x16xf32>,
      %get3A_524 = vector.shape_cast %get3A_523 : vector<1x16xf32> to vector<16xf32>
      %sub3A_525 = arith.subf %get3A_520, %get3A_524 : vector<16xf32>
      %mul3A_526 = arith.mulf %get3A_516, %sub3A_525 : vector<16xf32>
      %add3A_527 = arith.addf %add3A_506, %mul3A_526 : vector<16xf32>
      %mul3A_528 = arith.mulf %get3A_516, %get3A_516 : vector<16xf32>
      %add3A_529 = arith.addf %add3A_508, %mul3A_528 : vector<16xf32>
      %mul3A_530 = arith.mulf %get3A_520, %get3A_520 : vector<16xf32>
      %add3A_531 = arith.addf %add3A_512, %mul3A_530 : vector<16xf32>
      %mul3A_532 = arith.mulf %get3A_524, %get3A_524 : vector<16xf32>
      %add3A_533 = arith.addf %add3A_531, %mul3A_532 : vector<16xf32>
      %get3A_534 = arith.index_cast %scan3A_447 : i32 to index
      %get3A_535 = arith.constant 64 : index
      %get3A_536 = tpu.vector_load %arg15[%get3A_534, %get3A_535] {strides = array<i32>} : memref<128x128xf32, #tpu.memory_space<vmem>>, vector<1x16xf32>,
      %get3A_537 = vector.shape_cast %get3A_536 : vector<1x16xf32> to vector<16xf32>
      %get3A_538 = arith.index_cast %scan3A_447 : i32 to index
      %get3A_539 = arith.constant 64 : index
      %get3A_540 = tpu.vector_load %arg16[%get3A_538, %get3A_539] {strides = array<i32>} : memref<128x128xf32, #tpu.memory_space<vmem>>, vector<1x16xf32>,
      %get3A_541 = vector.shape_cast %get3A_540 : vector<1x16xf32> to vector<16xf32>
      %get3A_542 = arith.index_cast %scan3A_447 : i32 to index
      %get3A_543 = arith.constant 64 : index
      %get3A_544 = tpu.vector_load %arg17[%get3A_542, %get3A_543] {strides = array<i32>} : memref<128x128xf32, #tpu.memory_space<vmem>>, vector<1x16xf32>,
      %get3A_545 = vector.shape_cast %get3A_544 : vector<1x16xf32> to vector<16xf32>
      %sub3A_546 = arith.subf %get3A_541, %get3A_545 : vector<16xf32>
      %mul3A_547 = arith.mulf %get3A_537, %sub3A_546 : vector<16xf32>
      %add3A_548 = arith.addf %add3A_527, %mul3A_547 : vector<16xf32>
      %mul3A_549 = arith.mulf %get3A_537, %get3A_537 : vector<16xf32>
      %add3A_550 = arith.addf %add3A_529, %mul3A_549 : vector<16xf32>
      %mul3A_551 = arith.mulf %get3A_541, %get3A_541 : vector<16xf32>
      %add3A_552 = arith.addf %add3A_533, %mul3A_551 : vector<16xf32>
      %mul3A_553 = arith.mulf %get3A_545, %get3A_545 : vector<16xf32>
      %add3A_554 = arith.addf %add3A_552, %mul3A_553 : vector<16xf32>
      %get3A_555 = arith.index_cast %scan3A_447 : i32 to index
      %get3A_556 = arith.constant 80 : index
      %get3A_557 = tpu.vector_load %arg15[%get3A_555, %get3A_556] {strides = array<i32>} : memref<128x128xf32, #tpu.memory_space<vmem>>, vector<1x16xf32>,
      %get3A_558 = vector.shape_cast %get3A_557 : vector<1x16xf32> to vector<16xf32>
      %get3A_559 = arith.index_cast %scan3A_447 : i32 to index
      %get3A_560 = arith.constant 80 : index
      %get3A_561 = tpu.vector_load %arg16[%get3A_559, %get3A_560] {strides = array<i32>} : memref<128x128xf32, #tpu.memory_space<vmem>>, vector<1x16xf32>,
      %get3A_562 = vector.shape_cast %get3A_561 : vector<1x16xf32> to vector<16xf32>
      %get3A_563 = arith.index_cast %scan3A_447 : i32 to index
      %get3A_564 = arith.constant 80 : index
      %get3A_565 = tpu.vector_load %arg17[%get3A_563, %get3A_564] {strides = array<i32>} : memref<128x128xf32, #tpu.memory_space<vmem>>, vector<1x16xf32>,
      %get3A_566 = vector.shape_cast %get3A_565 : vector<1x16xf32> to vector<16xf32>
      %sub3A_567 = arith.subf %get3A_562, %get3A_566 : vector<16xf32>
      %mul3A_568 = arith.mulf %get3A_558, %sub3A_567 : vector<16xf32>
      %add3A_569 = arith.addf %add3A_548, %mul3A_568 : vector<16xf32>
      %mul3A_570 = arith.mulf %get3A_558, %get3A_558 : vector<16xf32>
      %add3A_571 = arith.addf %add3A_550, %mul3A_570 : vector<16xf32>
      %mul3A_572 = arith.mulf %get3A_562, %get3A_562 : vector<16xf32>
      %add3A_573 = arith.addf %add3A_554, %mul3A_572 : vector<16xf32>
      %mul3A_574 = arith.mulf %get3A_566, %get3A_566 : vector<16xf32>
      %add3A_575 = arith.addf %add3A_573, %mul3A_574 : vector<16xf32>
      %get3A_576 = arith.index_cast %scan3A_447 : i32 to index
      %get3A_577 = arith.constant 96 : index
      %get3A_578 = tpu.vector_load %arg15[%get3A_576, %get3A_577] {strides = array<i32>} : memref<128x128xf32, #tpu.memory_space<vmem>>, vector<1x16xf32>,
      %get3A_579 = vector.shape_cast %get3A_578 : vector<1x16xf32> to vector<16xf32>
      %get3A_580 = arith.index_cast %scan3A_447 : i32 to index
      %get3A_581 = arith.constant 96 : index
      %get3A_582 = tpu.vector_load %arg16[%get3A_580, %get3A_581] {strides = array<i32>} : memref<128x128xf32, #tpu.memory_space<vmem>>, vector<1x16xf32>,
      %get3A_583 = vector.shape_cast %get3A_582 : vector<1x16xf32> to vector<16xf32>
      %get3A_584 = arith.index_cast %scan3A_447 : i32 to index
      %get3A_585 = arith.constant 96 : index
      %get3A_586 = tpu.vector_load %arg17[%get3A_584, %get3A_585] {strides = array<i32>} : memref<128x128xf32, #tpu.memory_space<vmem>>, vector<1x16xf32>,
      %get3A_587 = vector.shape_cast %get3A_586 : vector<1x16xf32> to vector<16xf32>
      %sub3A_588 = arith.subf %get3A_583, %get3A_587 : vector<16xf32>
      %mul3A_589 = arith.mulf %get3A_579, %sub3A_588 : vector<16xf32>
      %add3A_590 = arith.addf %add3A_569, %mul3A_589 : vector<16xf32>
      %mul3A_591 = arith.mulf %get3A_579, %get3A_579 : vector<16xf32>
      %add3A_592 = arith.addf %add3A_571, %mul3A_591 : vector<16xf32>
      %mul3A_593 = arith.mulf %get3A_583, %get3A_583 : vector<16xf32>
      %add3A_594 = arith.addf %add3A_575, %mul3A_593 : vector<16xf32>
      %mul3A_595 = arith.mulf %get3A_587, %get3A_587 : vector<16xf32>
      %add3A_596 = arith.addf %add3A_594, %mul3A_595 : vector<16xf32>
      %get3A_597 = arith.index_cast %scan3A_447 : i32 to index
      %get3A_598 = arith.constant 112 : index
      %get3A_599 = tpu.vector_load %arg15[%get3A_597, %get3A_598] {strides = array<i32>} : memref<128x128xf32, #tpu.memory_space<vmem>>, vector<1x16xf32>,
      %get3A_600 = vector.shape_cast %get3A_599 : vector<1x16xf32> to vector<16xf32>
      %get3A_601 = arith.index_cast %scan3A_447 : i32 to index
      %get3A_602 = arith.constant 112 : index
      %get3A_603 = tpu.vector_load %arg16[%get3A_601, %get3A_602] {strides = array<i32>} : memref<128x128xf32, #tpu.memory_space<vmem>>, vector<1x16xf32>,
      %get3A_604 = vector.shape_cast %get3A_603 : vector<1x16xf32> to vector<16xf32>
      %get3A_605 = arith.index_cast %scan3A_447 : i32 to index
      %get3A_606 = arith.constant 112 : index
      %get3A_607 = tpu.vector_load %arg17[%get3A_605, %get3A_606] {strides = array<i32>} : memref<128x128xf32, #tpu.memory_space<vmem>>, vector<1x16xf32>,
      %get3A_608 = vector.shape_cast %get3A_607 : vector<1x16xf32> to vector<16xf32>
      %sub3A_609 = arith.subf %get3A_604, %get3A_608 : vector<16xf32>
      %mul3A_610 = arith.mulf %get3A_600, %sub3A_609 : vector<16xf32>
      %add3A_611 = arith.addf %add3A_590, %mul3A_610 : vector<16xf32>
      %mul3A_612 = arith.mulf %get3A_600, %get3A_600 : vector<16xf32>
      %add3A_613 = arith.addf %add3A_592, %mul3A_612 : vector<16xf32>
      %mul3A_614 = arith.mulf %get3A_604, %get3A_604 : vector<16xf32>
      %add3A_615 = arith.addf %add3A_596, %mul3A_614 : vector<16xf32>
      %mul3A_616 = arith.mulf %get3A_608, %get3A_608 : vector<16xf32>
      %add3A_617 = arith.addf %add3A_615, %mul3A_616 : vector<16xf32>
      %swap3A_618 = arith.index_cast %scan3A_447 : i32 to index
      %swap3A_619 = arith.constant 0 : index
      %swap3A_620 = tpu.vector_load %arg18[%swap3A_618, %swap3A_619] {strides = array<i32>} : memref<128x16xf32, #tpu.memory_space<vmem>>, vector<1x16xf32>,
      %swap3A_621 = vector.shape_cast %swap3A_620 : vector<1x16xf32> to vector<16xf32>
      %swap3A_622 = vector.shape_cast %add3A_611 : vector<16xf32> to vector<1x16xf32>
      tpu.vector_store %arg18[%swap3A_618, %swap3A_619], %swap3A_622 {strides = array<i32>} : memref<128x16xf32, #tpu.memory_space<vmem>>, vector<1x16xf32>,
      scf.yield %add3A_613, %add3A_617 : vector<16xf32>, vector<16xf32>
    }
    %scan3A_440 = arith.constant 128 : i32
    %add3A_441 = arith.constant 384 : i32
    %add3A_442 = arith.addi %mul3A_2, %add3A_441 : i32
    "tpu.region"() ({
      %run_scoped3A = tpu.sem_alloc : memref<!tpu.dma_semaphore, #tpu.memory_space<semaphore_mem>>
      %dma_start3A_447 = arith.constant 0 : i32
      %dma_start3A_448 = tpu.memref_slice %arg7[%add3A_442, %dma_start3A_447] : memref<16384x16xf32, #tpu.memory_space<hbm>> -> memref<128x16xf32, #tpu.memory_space<hbm>>
      %dma_start3A_449 = arith.constant 0 : i32
      %dma_start3A_450 = tpu.memref_slice %arg7[%add3A_442, %dma_start3A_449] : memref<16384x16xf32, #tpu.memory_space<hbm>> -> memref<128x16xf32, #tpu.memory_space<hbm>>
      tpu.enqueue_dma source(%arg18 : memref<128x16xf32, #tpu.memory_space<vmem>>) target(%dma_start3A_450 : memref<128x16xf32, #tpu.memory_space<hbm>>) target_semaphore(%run_scoped3A : memref<!tpu.dma_semaphore, #tpu.memory_space<semaphore_mem>>)
      %dma_wait3A_451 = arith.constant 0 : i32
      %dma_wait3A_452 = tpu.memref_slice %arg7[%add3A_442, %dma_wait3A_451] : memref<16384x16xf32, #tpu.memory_space<hbm>> -> memref<128x16xf32, #tpu.memory_space<hbm>>
      %dma_wait3A_453 = arith.constant 0 : i32
      %dma_wait3A_454 = tpu.memref_slice %arg7[%add3A_442, %dma_wait3A_453] : memref<16384x16xf32, #tpu.memory_space<hbm>> -> memref<128x16xf32, #tpu.memory_space<hbm>>
      tpu.wait_dma2 semaphore(%run_scoped3A : memref<!tpu.dma_semaphore, #tpu.memory_space<semaphore_mem>>) src(%arg18 : memref<128x16xf32, #tpu.memory_space<vmem>>) dst(%dma_wait3A_454 : memref<128x16xf32, #tpu.memory_space<hbm>>)
      tpu.yield
    }) : () -> ()
    %add3A_443 = arith.addf %scan3A_439#0, %scan3A_439#1 : vector<16xf32>
    %swap3A = arith.constant 0 : index
    %swap3A_444 = tpu.vector_load %arg19[%swap3A] {strides = array<i32>} : memref<16xf32, #tpu.memory_space<vmem>>, vector<16xf32>,
    %swap3A_445 = vector.shape_cast %swap3A_444 : vector<16xf32> to vector<16xf32>
    %swap3A_446 = vector.shape_cast %add3A_443 : vector<16xf32> to vector<16xf32>
    tpu.vector_store %arg19[%swap3A], %swap3A_446 {strides = array<i32>} : memref<16xf32, #tpu.memory_space<vmem>>, vector<16xf32>,
    "tpu.region"() ({
      %run_scoped3A = tpu.sem_alloc : memref<!tpu.dma_semaphore, #tpu.memory_space<semaphore_mem>>
      %dma_start3A_447 = arith.constant 0 : i32
      %dma_start3A_448 = tpu.memref_slice %arg8[%add3A, %dma_start3A_447] : memref<32x16xf32, #tpu.memory_space<hbm>> -> memref<1x16xf32, #tpu.memory_space<hbm>>
      %dma_start3A_449 = tpu.memref_squeeze %dma_start3A_448 : memref<1x16xf32, #tpu.memory_space<hbm>> -> memref<16xf32, #tpu.memory_space<hbm>>
      %dma_start3A_450 = arith.constant 0 : i32
      %dma_start3A_451 = tpu.memref_slice %arg8[%add3A, %dma_start3A_450] : memref<32x16xf32, #tpu.memory_space<hbm>> -> memref<1x16xf32, #tpu.memory_space<hbm>>
      %dma_start3A_452 = tpu.memref_squeeze %dma_start3A_451 : memref<1x16xf32, #tpu.memory_space<hbm>> -> memref<16xf32, #tpu.memory_space<hbm>>
      tpu.enqueue_dma source(%arg19 : memref<16xf32, #tpu.memory_space<vmem>>) target(%dma_start3A_452 : memref<16xf32, #tpu.memory_space<hbm>>) target_semaphore(%run_scoped3A : memref<!tpu.dma_semaphore, #tpu.memory_space<semaphore_mem>>)
      %dma_wait3A_453 = arith.constant 0 : i32
      %dma_wait3A_454 = tpu.memref_slice %arg8[%add3A, %dma_wait3A_453] : memref<32x16xf32, #tpu.memory_space<hbm>> -> memref<1x16xf32, #tpu.memory_space<hbm>>
      %dma_wait3A_455 = tpu.memref_squeeze %dma_wait3A_454 : memref<1x16xf32, #tpu.memory_space<hbm>> -> memref<16xf32, #tpu.memory_space<hbm>>
      %dma_wait3A_456 = arith.constant 0 : i32
      %dma_wait3A_457 = tpu.memref_slice %arg8[%add3A, %dma_wait3A_456] : memref<32x16xf32, #tpu.memory_space<hbm>> -> memref<1x16xf32, #tpu.memory_space<hbm>>
      %dma_wait3A_458 = tpu.memref_squeeze %dma_wait3A_457 : memref<1x16xf32, #tpu.memory_space<hbm>> -> memref<16xf32, #tpu.memory_space<hbm>>
      tpu.wait_dma2 semaphore(%run_scoped3A : memref<!tpu.dma_semaphore, #tpu.memory_space<semaphore_mem>>) src(%arg19 : memref<16xf32, #tpu.memory_space<vmem>>) dst(%dma_wait3A_458 : memref<16xf32, #tpu.memory_space<hbm>>)
      tpu.yield
    }) : () -> ()
    return
  }
}

module attributes {stable_mosaic.version = 14 : i64} {
  func.func @_tc_copy_body(%arg0: i32, %arg1: memref<10000x128xf32, #tpu.memory_space<vmem>>, %arg2: memref<10000x128xf32, #tpu.memory_space<vmem>>) attributes {dimension_semantics = [#tpu.dimension_semantics<arbitrary>], iteration_bounds = array<i64: 10>, scalar_prefetch = 0 : i64, scratch_operands = 0 : i64, tpu.core_type = #tpu.core_type<tc>, window_params = [{transform_indices = @transform_0, window_bounds = array<i64: 10000, 128>}, {transform_indices = @transform_1, window_bounds = array<i64: 10000, 128>}]} {
    %get3A = arith.constant 0 : index
    %get3A_0 = arith.constant 0 : index
    %get3A_1 = vector.load %arg1[%get3A, %get3A_0] : memref<10000x128xf32, #tpu.memory_space<vmem>>, vector<10000x128xf32>
    %swap3A = arith.constant 0 : index
    %swap3A_2 = arith.constant 0 : index
    %swap3A_3 = vector.load %arg2[%swap3A, %swap3A_2] : memref<10000x128xf32, #tpu.memory_space<vmem>>, vector<10000x128xf32>
    tpu.vector_store %arg2[%swap3A, %swap3A_2], %get3A_1 {strides = array<i32>} : memref<10000x128xf32, #tpu.memory_space<vmem>>, vector<10000x128xf32>,
    return
  }
  func.func @transform_0(%arg0: i32) -> (i32, i32) {
    %c0_i32 = arith.constant 0 : i32
    %c0_i32_0 = arith.constant 0 : i32
    return %arg0, %c0_i32 : i32, i32
  }
  func.func @transform_1(%arg0: i32) -> (i32, i32) {
    %c0_i32 = arith.constant 0 : i32
    %c0_i32_0 = arith.constant 0 : i32
    return %arg0, %c0_i32 : i32, i32
  }
}

module attributes {stable_mosaic.version = 14 : i64} {
  func.func @_tc_copyh_body(%arg0: i32, %arg1: memref<10000x128xf32, #tpu.memory_space<vmem>>, %arg2: memref<2048x16xf32, #tpu.memory_space<vmem>>, %arg3: memref<32x16xf32, #tpu.memory_space<vmem>>, %arg4: memref<8x128xf32, #tpu.memory_space<vmem>>, %arg5: memref<10000x128xf32, #tpu.memory_space<vmem>>, %arg6: memref<1x1xf32, #tpu.memory_space<vmem>>) attributes {dimension_semantics = [#tpu.dimension_semantics<arbitrary>], iteration_bounds = array<i64: 10>, scalar_prefetch = 0 : i64, scratch_operands = 0 : i64, tpu.core_type = #tpu.core_type<tc>, window_params = [{transform_indices = @transform_0, window_bounds = array<i64: 10000, 128>}, {transform_indices = @transform_1, window_bounds = array<i64: 2048, 16>}, {pipeline_mode = #tpu.pipeline_mode<synchronous>, transform_indices = @transform_2, window_bounds = array<i64: 32, 16>}, {transform_indices = @transform_3, window_bounds = array<i64: 8, 128>}, {transform_indices = @transform_4, window_bounds = array<i64: 10000, 128>}, {pipeline_mode = #tpu.pipeline_mode<synchronous>, transform_indices = @transform_5, window_bounds = array<i64: 1, 1>}]} {
    %get3A = arith.constant 0 : index
    %get3A_0 = arith.constant 0 : index
    %get3A_1 = vector.load %arg1[%get3A, %get3A_0] : memref<10000x128xf32, #tpu.memory_space<vmem>>, vector<10000x128xf32>
    %swap3A = arith.constant 0 : index
    %swap3A_2 = arith.constant 0 : index
    %swap3A_3 = vector.load %arg5[%swap3A, %swap3A_2] : memref<10000x128xf32, #tpu.memory_space<vmem>>, vector<10000x128xf32>
    tpu.vector_store %arg5[%swap3A, %swap3A_2], %get3A_1 {strides = array<i32>} : memref<10000x128xf32, #tpu.memory_space<vmem>>, vector<10000x128xf32>,
    %eq3A = arith.constant 0 : i32
    %eq3A_4 = arith.cmpi eq, %arg0, %eq3A : i32
    %convert_element_type3A = arith.extui %eq3A_4 : i1 to i32
    %cond3A = arith.constant 0 : i32
    %cond3A_5 = arith.cmpi ne, %convert_element_type3A, %cond3A : i32
    scf.if %cond3A_5 {
      %get3A_10 = arith.constant 0 : index
      %get3A_11 = arith.constant 0 : index
      %get3A_12 = vector.load %arg3[%get3A_10, %get3A_11] : memref<32x16xf32, #tpu.memory_space<vmem>>, vector<32x16xf32>
      %reduce_sum3A = vector.shape_cast %get3A_12 : vector<32x16xf32> to vector<1x32x16xf32>
      %reduce_sum3A_13 = arith.constant dense<0.000000e+00> : vector<1xf32>
      %reduce_sum3A_14 = vector.multi_reduction <add>, %reduce_sum3A, %reduce_sum3A_13 [1, 2] : vector<1x32x16xf32> to vector<1xf32>
      %reduce_sum3A_15 = vector.shape_cast %reduce_sum3A_14 : vector<1xf32> to vector<1x1x1xf32>
      %reduce_sum3A_16 = vector.extract %reduce_sum3A_15[0, 0, 0] : f32 from vector<1x1x1xf32>
      %mul3A = arith.constant 2.500000e-04 : f32
      %mul3A_17 = arith.mulf %mul3A, %reduce_sum3A_16 : f32
      %reshape3A = vector.broadcast %mul3A_17 : f32 to vector<1x1xf32>
      %swap3A_18 = arith.constant 0 : index
      %swap3A_19 = arith.constant 0 : index
      %swap3A_20 = vector.load %arg6[%swap3A_18, %swap3A_19] : memref<1x1xf32, #tpu.memory_space<vmem>>, vector<1x1xf32>
      tpu.vector_store %arg6[%swap3A_18, %swap3A_19], %reshape3A {strides = array<i32>} : memref<1x1xf32, #tpu.memory_space<vmem>>, vector<1x1xf32>,
    } else {
    }
    %lt3A = arith.constant 8 : i32
    %lt3A_6 = arith.cmpi slt, %arg0, %lt3A : i32
    %convert_element_type3A_7 = arith.extui %lt3A_6 : i1 to i32
    %cond3A_8 = arith.constant 0 : i32
    %cond3A_9 = arith.cmpi ne, %convert_element_type3A_7, %cond3A_8 : i32
    scf.if %cond3A_9 {
      %get3A_10 = arith.constant 0 : index
      %get3A_11 = arith.constant 0 : index
      %get3A_12 = vector.load %arg2[%get3A_10, %get3A_11] : memref<2048x16xf32, #tpu.memory_space<vmem>>, vector<2048x16xf32>
      %reduce_sum3A = arith.constant dense<0.000000e+00> : vector<2048xf32>
      %reduce_sum3A_13 = vector.multi_reduction <add>, %get3A_12, %reduce_sum3A [1] : vector<2048x16xf32> to vector<2048xf32>
      %min3A = arith.constant 0.000000e+00 : f32
      %min3A_14 = vector.broadcast %min3A : f32 to vector<2048xf32>
      %min3A_15 = arith.minimumf %reduce_sum3A_13, %min3A_14 : vector<2048xf32>
      %abs3A = math.absf %reduce_sum3A_13 : vector<2048xf32>
      %neg3A = arith.constant 0.000000e+00 : f32
      %neg3A_16 = vector.broadcast %neg3A : f32 to vector<2048xf32>
      %neg3A_17 = arith.subf %neg3A_16, %abs3A : vector<2048xf32>
      %exp3A = math.exp %neg3A_17 : vector<2048xf32>
      %log1p3A = math.log1p %exp3A : vector<2048xf32>
      %sub3A = arith.subf %min3A_15, %log1p3A : vector<2048xf32>
      %get3A_18 = arith.constant 0 : index
      %get3A_19 = arith.constant 0 : index
      %get3A_20 = vector.load %arg6[%get3A_18, %get3A_19] : memref<1x1xf32, #tpu.memory_space<vmem>>, vector<1x1xf32>
      %reduce_sum3A_21 = vector.shape_cast %sub3A : vector<2048xf32> to vector<1x2048xf32>
      %reduce_sum3A_22 = arith.constant dense<0.000000e+00> : vector<1xf32>
      %reduce_sum3A_23 = vector.multi_reduction <add>, %reduce_sum3A_21, %reduce_sum3A_22 [1] : vector<1x2048xf32> to vector<1xf32>
      %reduce_sum3A_24 = vector.shape_cast %reduce_sum3A_23 : vector<1xf32> to vector<1x1xf32>
      %reduce_sum3A_25 = vector.extract %reduce_sum3A_24[0, 0] : f32 from vector<1x1xf32>
      %neg3A_26 = arith.constant 0.000000e+00 : f32
      %neg3A_27 = arith.subf %neg3A_26, %reduce_sum3A_25 : f32
      %reshape3A = vector.broadcast %neg3A_27 : f32 to vector<1x1xf32>
      %add3A = arith.addf %get3A_20, %reshape3A : vector<1x1xf32>
      %swap3A_28 = arith.constant 0 : index
      %swap3A_29 = arith.constant 0 : index
      %swap3A_30 = vector.load %arg6[%swap3A_28, %swap3A_29] : memref<1x1xf32, #tpu.memory_space<vmem>>, vector<1x1xf32>
      tpu.vector_store %arg6[%swap3A_28, %swap3A_29], %add3A {strides = array<i32>} : memref<1x1xf32, #tpu.memory_space<vmem>>, vector<1x1xf32>,
    } else {
    }
    return
  }
  func.func @transform_0(%arg0: i32) -> (i32, i32) {
    %c0_i32 = arith.constant 0 : i32
    %c0_i32_0 = arith.constant 0 : i32
    return %arg0, %c0_i32 : i32, i32
  }
  func.func @transform_1(%arg0: i32) -> (i32, i32) {
    %min3A = arith.constant 7 : i32
    %min3A_0 = arith.minsi %arg0, %min3A : i32
    %c0_i32 = arith.constant 0 : i32
    %c0_i32_1 = arith.constant 0 : i32
    return %min3A_0, %c0_i32 : i32, i32
  }
  func.func @transform_2(%arg0: i32) -> (i32, i32) {
    %c0_i32 = arith.constant 0 : i32
    %c0_i32_0 = arith.constant 0 : i32
    %c0_i32_1 = arith.constant 0 : i32
    return %c0_i32, %c0_i32_0 : i32, i32
  }
  func.func @transform_3(%arg0: i32) -> (i32, i32) {
    %c0_i32 = arith.constant 0 : i32
    %c0_i32_0 = arith.constant 0 : i32
    %c0_i32_1 = arith.constant 0 : i32
    return %c0_i32, %c0_i32_0 : i32, i32
  }
  func.func @transform_4(%arg0: i32) -> (i32, i32) {
    %c0_i32 = arith.constant 0 : i32
    %c0_i32_0 = arith.constant 0 : i32
    return %arg0, %c0_i32 : i32, i32
  }
  func.func @transform_5(%arg0: i32) -> (i32, i32) {
    %c0_i32 = arith.constant 0 : i32
    %c0_i32_0 = arith.constant 0 : i32
    %c0_i32_1 = arith.constant 0 : i32
    return %c0_i32, %c0_i32_0 : i32, i32
  }
}

</mosaic_0001>

<sc_bundles>
// kernel: kernel.5.cloned.1.call-start
scs
__scs_entry_jumppad:
0x0: {  	(pc) =	sbr.rel $0x88, $3  }
0x1: {  	(tag) =	ssettag $0x0;
	lr =	simm.s32 $0x1  }
0x2: {  	[smem:$0x3F9C] =	sst lr;
	_ =	strace $0xD0000000  }
0x3: {  	_ = 	snop  }
0x4: {  	_ = 	snop  }
0x5: {  	_ = 	snop  }
0x6: {  	_ = 	snop  }
0x7: {  	_ = 	snop  }
__scs_overlays_trampoline_lowered:
0x8: {  	[smem:$0x3FAB] =	sst s0  }
0x9: {  	[smem:$0x3FAC] =	sst s1  }
0xa: {  	[smem:$0x3FAD] =	sst s2  }
0xb: {  	[smem:$0x3FAE] =	sst s3  }
0xc: {  	[smem:$0x3FAF] =	sst s4  }
0xd: {  	[smem:$0x3FB0] =	sst s5  }
0xe: {  	[smem:$0x3FB1] =	sst s6  }
0xf: {  	[smem:$0x3FB2] =	sst s7  }
0x10: {  	[smem:$0x3FB3] =	sst s8  }
0x11: {  	[smem:$0x3FB4] =	sst s9;
	s0 =	simm.s32 @!p0 $0x0  }
0x12: {  	s1 =	sld [smem:$0x3F9A];
	s0 =	simm.s32 @p0 $0x1  }
0x13: {  	[smem:$0x3FB5] =	sst s0;
	s0 =	simm.s32 @!p1 $0x0  }
0x14: {  	s2 =	sld [smem:$0x3F99];
	s0 =	simm.s32 @p1 $0x1  }
0x15: {  	[smem:$0x3FB6] =	sst s0;
	s0 =	simm.s32 @!p2 $0x0  }
0x16: {  	s3 =	sld [smem:$0x3FDB];
	s0 =	simm.s32 @p2 $0x1  }
0x17: {  	s4 =	simm.s32 $0x1BF5;
	[smem:$0x3FB8] =	sst s0  }
0x18: {  	s0 =	sld [smem:$0x3F9B];
	_ =	swait.ge [sflag:s4], $0x0  }
0x19: {  	s7 =	sld [smem:$0x3F9C]  }
0x1a: {  	s8 =	sadd.s32 $0xFFFFE003, lr  }
0x1b: {  	s9 =	sadd.s32 $0xFFFFFEF7, lr;
	s5 =	simm.s32 $0xFFFFFFFF;
	p2 =	slt.u32 s8, $0xFFFFF086  }
0x1c: {  	p1 =	slt.u32 s9, $0xF7A;
	s5 =	simm.s32 @!p2 $0x0  }
0x1d: {  	s5 =	simm.s32 @p1 $0x1;
	p0 =	seq.s32 s7, s2  }
0x1e: {  	s7 =	smul.u32 @!p0 $0xF7A, s2;
	p2 =	seq.s32 @!p0 s5, $0x0  }
0x1f: {  	s9 =	smul.u32 $0xF7A, s1;
	s8 =	simm.s32 @!p0 $0x1BF5;
	p2 =	por !p2, p0  }
0x20: {  	[sflag:s8] =	ssyncset.s32 @!p0 $0xFFFFF086;
	s6 =	sadd.s32 @!p0 s3, s7;
	s7 =	simm.s32 @!p0 $0x108  }
0x21: {  	s3 =	sadd.s32 s3, s9;
	s6 =	sadd.s32 @!p0 $0x88, s6;
	s7 =	simm.s32 @p2 $0x1082  }
0x22: {  	[simem:s7], [sflag:s8] =	dma.local @!p0 [hbm:s6], $0xF7A  }
0x23: {  	s9 =	sor.u32 $0xD0000000, s2;
	s6 =	simm.s32 $0x108;
	_ =	swait.ge @!p0 [sflag:s8], $0x0  }
0x24: {  	s3 =	sadd.s32 $0x88, s3;
	s6 =	simm.s32 @!p1 $0x1082;
	[sflag:s4] =	ssyncset.s32 $0xFFFFF086  }
0x25: {  	[simem:s6], [sflag:s4] =	dma.local [hbm:s3], $0xF7A  }
0x26: {  	[smem:$0x3F9C] =	sst s1;
	(tag) =	ssettag s2;
	_ =	strace s9  }
0x27: {  	s1 =	sld [smem:$0x3FAC]  }
0x28: {  	s2 =	sld [smem:$0x3FAD]  }
0x29: {  	s4 =	sld [smem:$0x3FAF]  }
0x2a: {  	p0 =	seq.s32 s5, $0x0;
	s5 =	sld [smem:$0x3FB0]  }
0x2b: {  	s6 =	sld [smem:$0x3FB1]  }
0x2c: {  	s7 =	sld [smem:$0x3FB2]  }
0x2d: {  	s3 =	simm.s32 $0x108;
	s8 =	sld [smem:$0x3FB3]  }
0x2e: {  	s3 =	simm.s32 @!p0 $0x1082;
	s9 =	sld [smem:$0x3FB4]  }
0x2f: {  	lr =	sadd.s32 s0, s3;
	s0 =	sld [smem:$0x3FAB]  }
0x30: {  	s3 =	sld [smem:$0x3FAE]  }
0x31: {  	[smem:$0x3FB7] =	sst s10  }
0x32: {  	s10 =	sld [smem:$0x3FB5];
	_ =	sdelay $0x3  }
0x33: {  	p0 =	seq.s32 s10, $0x1;
	s10 =	sld [smem:$0x3FB7];
	_ =	sdelay $0x3  }
0x34: {  	[smem:$0x3FB7] =	sst s10  }
0x35: {  	s10 =	sld [smem:$0x3FB6];
	_ =	sdelay $0x3  }
0x36: {  	p1 =	seq.s32 s10, $0x1;
	s10 =	sld [smem:$0x3FB7];
	_ =	sdelay $0x3  }
0x37: {  	[smem:$0x3FB7] =	sst s10  }
0x38: {  	s10 =	sld [smem:$0x3FB8]  }
0x39: {  	_ = 	snop;
	(pc) =	sbr.ind lr, $3  }
0x3a: {  	_ = 	snop  }
0x3b: {  	_ = 	snop  }
0x3c: {  	p2 =	seq.s32 s10, $0x1;
	s10 =	sld [smem:$0x3FB7]  }
0x3d: {  	_ =	shalt  }
0x3e: {  	_ =	shalt  }
0x3f: {  	_ =	shalt  }
0x40: {  	_ =	shalt  }
0x41: {  	_ =	shalt  }
0x42: {  	_ =	shalt  }
0x43: {  	_ =	shalt  }
0x44: {  	_ =	shalt  }
0x45: {  	_ =	shalt  }
0x46: {  	_ =	shalt  }
0x47: {  	_ =	shalt  }
0x48: {  	_ =	shalt  }
0x49: {  	_ =	shalt  }
0x4a: {  	_ =	shalt  }
0x4b: {  	_ =	shalt  }
0x4c: {  	_ =	shalt  }
0x4d: {  	_ =	shalt  }
0x4e: {  	_ =	shalt  }
0x4f: {  	_ =	shalt  }
0x50: {  	_ =	shalt  }
0x51: {  	_ =	shalt  }
0x52: {  	_ =	shalt  }
0x53: {  	_ =	shalt  }
0x54: {  	_ =	shalt  }
0x55: {  	_ =	shalt  }
0x56: {  	_ =	shalt  }
0x57: {  	_ =	shalt  }
0x58: {  	_ =	shalt  }
0x59: {  	_ =	shalt  }
0x5a: {  	_ =	shalt  }
0x5b: {  	_ =	shalt  }
0x5c: {  	_ =	shalt  }
0x5d: {  	_ =	shalt  }
0x5e: {  	_ =	shalt  }
0x5f: {  	_ =	shalt  }
0x60: {  	_ =	shalt  }
0x61: {  	_ =	shalt  }
0x62: {  	_ =	shalt  }
0x63: {  	_ =	shalt  }
0x64: {  	_ =	shalt  }
0x65: {  	_ =	shalt  }
0x66: {  	_ =	shalt  }
0x67: {  	_ =	shalt  }
0x68: {  	_ =	shalt  }
0x69: {  	_ =	shalt  }
0x6a: {  	_ =	shalt  }
0x6b: {  	_ =	shalt  }
0x6c: {  	_ =	shalt  }
0x6d: {  	_ =	shalt  }
0x6e: {  	_ =	shalt  }
0x6f: {  	_ =	shalt  }
0x70: {  	_ =	shalt  }
0x71: {  	_ =	shalt  }
0x72: {  	_ =	shalt  }
0x73: {  	_ =	shalt  }
0x74: {  	_ =	shalt  }
0x75: {  	_ =	shalt  }
0x76: {  	_ =	shalt  }
0x77: {  	_ =	shalt  }
0x78: {  	_ =	shalt  }
0x79: {  	_ =	shalt  }
0x7a: {  	_ =	shalt  }
0x7b: {  	_ =	shalt  }
0x7c: {  	_ =	shalt  }
0x7d: {  	_ =	shalt  }
0x7e: {  	_ =	shalt  }
0x7f: {  	_ =	shalt  }
0x80: {  	_ =	shalt  }
0x81: {  	_ =	shalt  }
0x82: {  	_ =	shalt  }
0x83: {  	_ =	shalt  }
0x84: {  	_ =	shalt  }
0x85: {  	_ =	shalt  }
0x86: {  	_ =	shalt  }
0x87: {  	_ =	shalt  }
.Lfunc_end0:
.L_simem_size_0:
called_computation_lowered:
.L_overlay_start_0:
0x88: {  	s2 =	sld [smem:$0x3FD9]  }
0x89: {  	s3 =	sld [smem:$0x3FFE];
	_ =	sdelay $0x1  }
0x8a: {  	s1 =	srdreg.scid  }
0x8b: {  	s0 =	sand.u32 $0x1, s1  }
0x8c: {  	s14 =	sshll.u32 s0, $0xA;
	s2 =	sadd.s32 s3, s2  }
0x8d: {  	s2 =	sadd.s32 s2, s14  }
0x8e: {  	[smem:$0x3FC3] =	sst s2  }
0x8f: {  	_ = 	snop  }
0x90: {  	s2 =	sld [smem:$0x3FC9]  }
0x91: {  	s15 =	sld [smem:$0x3FC8]  }
0x92: {  	s4 =	sld [smem:$0x3FD0]  }
0x93: {  	s5 =	sld [smem:$0x3FC7]  }
0x94: {  	s6 =	sld [smem:$0x3FC6]  }
0x95: {  	s8 =	simm.s32 $0xA;
	s9 =	simm.s32 $0x10;
	s7 =	sld [smem:$0x3FC5]  }
0x96: {  	[smem:s9], [sflag:s8] =	dma.local [hbm:s4], $0x1  }
0x97: {  	_ =	swait.eq [sflag:s8], $0x1  }
0x98: {  	[sflag:s8] =	ssyncset.done $0x0  }
0x99: {  	[sflag:s8] =	ssyncadd.s32 $0xFFFFFFFF  }
0x9a: {  	s16 =	sld [smem:$0x12];
	(tm) =	ssettm $0x1  }
0x9b: {  	s17 =	sld [smem:$0x3FFB];
	_ =	sdelay $0x3  }
0x9c: {  	_ =	strace s17  }
0x9d: {  	s8 =	sld [smem:$0x3FFC];
	_ =	sdelay $0x3  }
0x9e: {  	_ =	strace s8  }
0x9f: {  	s8 =	sld [smem:$0x3FFD];
	_ =	sdelay $0x3  }
0xa0: {  	_ =	strace s8  }
0xa1: {  	_ =	strace $0x8FFFFFFF  }
0xa2: {  	s18 =	sld [smem:$0x3FDB];
	_ =	sdelay $0x1  }
0xa3: {  	s19 =	simm.s32 $_scs_section_size  }
0xa4: {  	s10 =	simm.s32 $_size__tile_overlayer_lowered;
	s11 =	simm.s32 $_tile_overlayer_lowered  }
0xa5: {  	s22 =	simm.s32 $0x1BFF;
	s21 =	sshll.u32 s11, $0x1;
	s8 =	sadd.s32 s19, s18  }
0xa6: {  	s12 =	simm.s32 $0x0;
	s20 =	sshll.u32 s10, $0x1;
	s10 =	sadd.s32 s21, s8  }
0xa7: {  	[timem:s12], [sflag:s22] =	dma.local [hbm:s10], s20  }
0xa8: {  	_ =	swait.ge [sflag:s22], s20  }
0xa9: {  	s9 =	ssub.s32 $0x0, s20;
	[sflag:s22] =	ssyncset.done $0x0  }
0xaa: {  	[sflag:s22] =	ssyncadd.s32 s9;
	_ =	sdelay $0x1  }
0xab: {  	s23 =	simm.s32 $0x1B8B  }
0xac: {  	_ =	swait.ge [sflag:s23], $0x1  }
0xad: {  	[sflag:s23] =	ssyncset.done $0x0  }
0xae: {  	s25 =	simm.s32 $0x1B8E;
	s24 =	sld [smem:$0x3FFE];
	[sflag:s23] =	ssyncadd.s32 $0xFFFFFFFF  }
0xaf: {  	s26 =	simm.s32 $execute0_lowered;
	[smem:$0x3FD2] =	sst s25  }
0xb0: {  	s10 =	sshll.u32 s26, $0x1;
	_ =	strace $0x80000046;
	[dreg:$0x1] =	wrdreg $0xFFFFFFFF  }
0xb1: {  	s28 =	simm.s32 $_size_execute0_lowered;
	s8 =	sadd.s32 s8, s10;
	[dreg:$0x0] =	wrdreg $0x0  }
0xb2: {  	s10 =	sshll.u32 s28, $0x1;
	[dreg:$0x2] =	wrdreg s8  }
0xb3: {  	[dreg:$0x3] =	wrdreg s10  }
0xb4: {  	[dreg:$0x4] =	wrdreg $0xC0  }
0xb5: {  	_ =	task [dreg:s12], $0x5FFFF  }
0xb6: {  	[dreg:$0x1] =	wrdreg $0xFFFFFFFF  }
0xb7: {  	[dreg:$0x0] =	wrdreg $0x60  }
0xb8: {  	[dreg:$0x2] =	wrdreg s2  }
0xb9: {  	[dreg:$0x3] =	wrdreg s15  }
0xba: {  	[dreg:$0x4] =	wrdreg s5  }
0xbb: {  	[dreg:$0x5] =	wrdreg s6  }
0xbc: {  	[dreg:$0x6] =	wrdreg s7  }
0xbd: {  	[dreg:$0x7] =	wrdreg s16  }
0xbe: {  	[dreg:$0x8] =	wrdreg s24  }
0xbf: {  	[dreg:$0x9] =	wrdreg $0x9  }
0xc0: {  	_ =	task.clear_ibuf [dreg:s12], $0xAFFFF;
	_ =	strace $0x90000046  }
0xc1: {  	s29 =	simm.s32 $0x9;
	_ =	strace $0x80000048  }
0xc2: {  	_ =	swait.ge [sflag:s29], $0x1  }
0xc3: {  	[sflag:s29] =	ssyncadd.s32 $0xFFFFFFFF  }
0xc4: {  	_ =	strace $0x90000048  }
0xc5: {  	_ =	sfence  }
0xc6: {  	s30 =	sld [smem:$0x0];
	_ =	sdelay $0x2  }
0xc7: {  	s31 =	sshll.u32 s1, $0xD;
	s1 =	sshrl.u32 s1, $0x2  }
0xc8: {  	s3 =	sand.u32 $0x4000, s31;
	s1 =	sadd.s32 s1, s30  }
0xc9: {  	s0 =	sor.u32 s3, s0;
	s1 =	sshll.u32 s1, $0x11  }
0xca: {  	s0 =	sor.u32 s1, s0  }
0xcb: {  	s0 =	sadd.s32 $0x8F2B, s0  }
0xcc: {  	[sflag:s0] =	ssyncadd.remote.s32 $0x1  }
0xcd: {  	_ =	sfence.sel $0xFFFF  }
0xce: {  	[dreg:$0x0] =	wrdreg $0xFFFFFFFF;
	(pc) =	sbr.abs _section_cstart, $3  }
0xcf: {  	[dreg:$0x1] =	wrdreg $0xFFFFFFFF  }
0xd0: {  	_ =	task.clear_ibuf [dreg:s12], $0x2FFFF;
	_ =	strace $0x9FFFFFFF  }
0xd1: {  	(tm) =	ssettm $0x7FFFFFFF  }
tec
execute0_lowered:
.L_overlay_start_1:
0x0: {  	(tag) =	ssettag $0x1  }
0x1: {  	s0 =	rddreg [dreg:$0x0]  }
0x2: {  	s3 =	rddreg [dreg:$0x1]  }
0x3: {  	s5 =	rddreg [dreg:$0x2]  }
0x4: {  	s1 =	rddreg [dreg:$0x3]  }
0x5: {  	s2 =	rddreg [dreg:$0x4]  }
0x6: {  	s6 =	rddreg [dreg:$0x5]  }
0x7: {  	s7 =	rddreg [dreg:$0x6];
	s8 =	srdreg.scid  }
0x8: {  	s9 =	stileid.u32;
	s4 =	simm.s32 $0x0;
	s28 =	simm.s32 $0x10600  }
0x9: {  	s29 =	simm.s32 $0x14600;
	s30 =	simm.s32 $0x7;
	s31 =	simm.s32 $0x5  }
0xa: {  	s8 =	sand.u32 $0x1, s8;
	s9 =	sshll.u32 s9, $0x1;
	[smem:$0x7FF] =	sst s4  }
0xb: {  	s9 =	sor.u32 s8, s9;
	_ =	strace $0x80000047;
	s8 =	ssub.s32 $0x2, s8  }
0xc: {  	s10 =	sshll.u32 s9, $0x4;
	s25 =	sshrl.u32 s8, $0x1;
	s11 =	sshll.u32 s9, $0x9  }
0xd: {  	s26 =	sshll.u32 s9, $0x6;
	s23 =	sshll.u32 s9, $0xD;
	s9 =	simm.s32 $0x8600  }
0xe: {  	s7 =	sadd.s32 s10, s7;
	s8 =	ssub.s32 s8, s25;
	s13 =	sadd.s32 s0, s26  }
0xf: {  	s12 =	sor.u32 $0x80, s11;
	s14 =	sadd.s32 s3, s26;
	[dreg:$0x8] =	wrdreg s13  }
0x10: {  	s10 =	sadd.s32 s5, s26;
	s17 =	sor.u32 $0x100, s11;
	[dreg:$0x9] =	wrdreg s14  }
0x11: {  	s11 =	sor.u32 $0x180, s11;
	s15 =	sshrl.u32 s12, $0x3;
	[dreg:$0xa] =	wrdreg s10  }
0x12: {  	s18 =	sshrl.u32 s17, $0x3;
	s20 =	sshrl.u32 s11, $0x3;
	s16 =	sadd.s32 s0, s15  }
0x13: {  	s24 =	sshll.u32 s12, $0x4;
	s14 =	sadd.s32 s3, s15;
	[dreg:$0xb] =	wrdreg s16  }
0x14: {  	s25 =	sshll.u32 s17, $0x4;
	s13 =	sadd.s32 s5, s15;
	[dreg:$0xc] =	wrdreg s14  }
0x15: {  	s26 =	sshll.u32 s11, $0x4;
	s19 =	sadd.s32 s0, s18;
	[dreg:$0xd] =	wrdreg s13  }
0x16: {  	s10 =	simm.s32 $0x18600;
	s15 =	sadd.s32 s3, s18;
	[dreg:$0xe] =	wrdreg s19  }
0x17: {  	s11 =	simm.s32 $0x4;
	s0 =	sadd.s32 s0, s20;
	[dreg:$0xf] =	wrdreg s15  }
0x18: {  	s12 =	simm.s32 $0x0;
	s21 =	sadd.s32 s3, s20;
	[dreg:$0x11] =	wrdreg s0  }
0x19: {  	s22 =	sadd.s32 s5, s20;
	s20 =	sadd.s32 s6, s26;
	[dreg:$0x12] =	wrdreg s21  }
0x1a: {  	s26 =	simm.s32 $0xC600;
	s14 =	sadd.s32 s5, s18;
	[dreg:$0x13] =	wrdreg s22  }
0x1b: {  	s0 =	sadd.s32 s6, s23;
	s18 =	sadd.s32 s6, s24;
	s19 =	sadd.s32 s6, s25  }
0x1c: {  	s21 =	sadd.s32 $0xE00, s7;
	s22 =	smax.u32 s8, $0x1;
	s25 =	simm.s32 $0x80  }
0x1d: {  	s6 =	simm.s32 $0x1;
	s7 =	simm.s32 $0x2;
	s23 =	simm.s32 $0x3  }
0x1e: {  	s24 =	simm.s32 $0x4600;
	s15 =	simm.s32 $0x480;
	[dreg:$0x10] =	wrdreg s14  }
0x1f: {  	[dreg:$0x14] =	wrdreg s0;
	s0 =	simm.s32 $0x6;
	s14 =	simm.s32 $0x280  }
.LBB2_1:
0x20: {  	s3 =	rddreg [dreg:$0x8]  }
0x21: {  	[tilespmem:s4], [sflag:$0x1] =	stream.linear.gather [hbm4b:s3+s4], $0x80, $0x38;
	[tilespmem:$0x1C680] =	vst v63  }
0x22: {  	s13 =	rddreg [dreg:$0x9];
	s5 =	simm.s32 $0x200  }
0x23: {  	[tilespmem:s5], [sflag:$0x2] =	stream.linear.gather [hbm4b:s13+s4], $0x80, $0x38;
	[tilespmem:$0x1C680] =	vst v63  }
0x24: {  	s16 =	rddreg [dreg:$0xa];
	s13 =	simm.s32 $0x400  }
0x25: {  	[tilespmem:s13], [sflag:$0x3] =	stream.linear.gather [hbm4b:s16+s4], $0x80, $0x38;
	[tilespmem:$0x1C680] =	vst v63  }
0x26: {  	s17 =	rddreg [dreg:$0xb]  }
0x27: {  	[tilespmem:s25], [sflag:$0x1] =	stream.linear.gather [hbm4b:s17+s4], $0x80, $0x38;
	[tilespmem:$0x1C680] =	vst v63  }
0x28: {  	s8 =	rddreg [dreg:$0xc]  }
0x29: {  	[tilespmem:s14], [sflag:$0x2] =	stream.linear.gather [hbm4b:s8+s4], $0x80, $0x38;
	[tilespmem:$0x1C680] =	vst v63  }
0x2a: {  	s16 =	rddreg [dreg:$0xd]  }
0x2b: {  	[tilespmem:s15], [sflag:$0x3] =	stream.linear.gather [hbm4b:s16+s4], $0x80, $0x38;
	[tilespmem:$0x1C680] =	vst v63  }
0x2c: {  	s17 =	rddreg [dreg:$0xe];
	s16 =	simm.s32 $0x100  }
0x2d: {  	[tilespmem:s16], [sflag:$0x1] =	stream.linear.gather [hbm4b:s17+s4], $0x80, $0x38;
	[tilespmem:$0x1C680] =	vst v63  }
0x2e: {  	s8 =	rddreg [dreg:$0xf];
	s16 =	simm.s32 $0x300  }
0x2f: {  	[tilespmem:s16], [sflag:$0x2] =	stream.linear.gather [hbm4b:s8+s4], $0x80, $0x38;
	[tilespmem:$0x1C680] =	vst v63  }
0x30: {  	s17 =	rddreg [dreg:$0x10];
	s8 =	simm.s32 $0x500  }
0x31: {  	[tilespmem:s8], [sflag:$0x3] =	stream.linear.gather [hbm4b:s17+s4], $0x80, $0x38;
	[tilespmem:$0x1C680] =	vst v63  }
0x32: {  	s8 =	simm.s32 $0x180;
	s17 =	rddreg [dreg:$0x11]  }
0x33: {  	[tilespmem:s8], [sflag:$0x1] =	stream.linear.gather [hbm4b:s17+s4], $0x80, $0x38;
	[tilespmem:$0x1C680] =	vst v63  }
0x34: {  	s3 =	rddreg [dreg:$0x12];
	s17 =	simm.s32 $0x380  }
0x35: {  	[tilespmem:s17], [sflag:$0x2] =	stream.linear.gather [hbm4b:s3+s4], $0x80, $0x38;
	[tilespmem:$0x1C680] =	vst v63  }
0x36: {  	s17 =	simm.s32 $0x580;
	s3 =	rddreg [dreg:$0x13]  }
0x37: {  	[tilespmem:s17], [sflag:$0x3] =	stream.linear.gather [hbm4b:s3+s4], $0x80, $0x38;
	[tilespmem:$0x1C680] =	vst v63  }
0x38: {  	_ =	swait.ge [sflag:s6], $0x80  }
0x39: {  	[sflag:s6] =	ssyncset.done $0x0  }
0x3a: {  	[sflag:s6] =	ssyncadd.s32 $0xFFFFFF80  }
0x3b: {  	_ =	swait.ge [sflag:s7], $0x80  }
0x3c: {  	[sflag:s7] =	ssyncset.done $0x0  }
0x3d: {  	[sflag:s7] =	ssyncadd.s32 $0xFFFFFF80  }
0x3e: {  	_ =	swait.ge [sflag:s23], $0x80  }
0x3f: {  	[sflag:s23] =	ssyncset.done $0x0  }
0x40: {  	[sflag:s23] =	ssyncadd.s32 $0xFFFFFF80  }
0x41: {  	_ =	swait.ge [sflag:s6], $0x80  }
0x42: {  	[sflag:s6] =	ssyncset.done $0x0  }
0x43: {  	[sflag:s6] =	ssyncadd.s32 $0xFFFFFF80  }
0x44: {  	_ =	swait.ge [sflag:s7], $0x80  }
0x45: {  	[sflag:s7] =	ssyncset.done $0x0  }
0x46: {  	[sflag:s7] =	ssyncadd.s32 $0xFFFFFF80  }
0x47: {  	_ =	swait.ge [sflag:s23], $0x80  }
0x48: {  	[sflag:s23] =	ssyncset.done $0x0  }
0x49: {  	[sflag:s23] =	ssyncadd.s32 $0xFFFFFF80  }
0x4a: {  	_ =	swait.ge [sflag:s6], $0x80  }
0x4b: {  	[sflag:s6] =	ssyncset.done $0x0  }
0x4c: {  	[sflag:s6] =	ssyncadd.s32 $0xFFFFFF80  }
0x4d: {  	_ =	swait.ge [sflag:s7], $0x80  }
0x4e: {  	[sflag:s7] =	ssyncset.done $0x0  }
0x4f: {  	[sflag:s7] =	ssyncadd.s32 $0xFFFFFF80  }
0x50: {  	_ =	swait.ge [sflag:s23], $0x80  }
0x51: {  	[sflag:s23] =	ssyncset.done $0x0  }
0x52: {  	[sflag:s23] =	ssyncadd.s32 $0xFFFFFF80  }
0x53: {  	_ =	swait.ge [sflag:s6], $0x80  }
0x54: {  	[sflag:s6] =	ssyncset.done $0x0  }
0x55: {  	[sflag:s6] =	ssyncadd.s32 $0xFFFFFF80  }
0x56: {  	_ =	swait.ge [sflag:s7], $0x80  }
0x57: {  	[sflag:s7] =	ssyncset.done $0x0  }
0x58: {  	[sflag:s7] =	ssyncadd.s32 $0xFFFFFF80  }
0x59: {  	_ =	swait.ge [sflag:s23], $0x80  }
0x5a: {  	[sflag:s23] =	ssyncset.done $0x0  }
0x5b: {  	s3 =	simm.s32 $0x600;
	[sflag:s23] =	ssyncadd.s32 $0xFFFFFF80  }
0x5c: {  	[tilespmem:s3], [sflag:$0x1] =	stream.indirect.gather [hbm4b:s1+s25], $0x80, s4, s25, $0xb8;
	[tilespmem:$0x1C680] =	vst v63  }
0x5d: {  	_ = 	snop  }
0x5e: {  	[tilespmem:s24], [sflag:$0x2] =	stream.indirect.gather [hbm4b:s2+s25], $0x80, s5, s25, $0xb8;
	[tilespmem:$0x1C680] =	vst v63  }
0x5f: {  	_ = 	snop  }
0x60: {  	[tilespmem:s9], [sflag:$0x3] =	stream.indirect.gather [hbm4b:s2+s25], $0x80, s13, s25, $0xb8;
	[tilespmem:$0x1C680] =	vst v63  }
0x61: {  	_ = 	snop  }
0x62: {  	[tilespmem:s26], [sflag:$0x4] =	stream.indirect.gather [hbm4b:s1+s25], $0x80, s25, s25, $0xb8;
	[tilespmem:$0x1C680] =	vst v63  }
0x63: {  	_ = 	snop  }
0x64: {  	[tilespmem:s28], [sflag:$0x5] =	stream.indirect.gather [hbm4b:s2+s25], $0x80, s14, s25, $0xb8;
	[tilespmem:$0x1C680] =	vst v63  }
0x65: {  	_ = 	snop  }
0x66: {  	[tilespmem:s29], [sflag:$0x6] =	stream.indirect.gather [hbm4b:s2+s25], $0x80, s15, s25, $0xb8;
	[tilespmem:$0x1C680] =	vst v63  }
0x67: {  	_ =	swait.ge [sflag:s6], $0x4000  }
0x68: {  	[sflag:s6] =	ssyncset.done $0x0  }
0x69: {  	[sflag:s6] =	ssyncadd.s32 $0xFFFFC000  }
0x6a: {  	_ =	swait.ge [sflag:s7], $0x4000  }
0x6b: {  	[sflag:s7] =	ssyncset.done $0x0  }
0x6c: {  	[sflag:s7] =	ssyncadd.s32 $0xFFFFC000  }
0x6d: {  	_ =	swait.ge [sflag:s23], $0x4000  }
0x6e: {  	[sflag:s23] =	ssyncset.done $0x0  }
0x6f: {  	s3 =	simm.s32 $0x0;
	[sflag:s23] =	ssyncadd.s32 $0xFFFFC000  }
0x70: {  	v0 =	vld [tilespmem:s3+$0x4600];
	_ =	sdelay $0x1  }
0x71: {  	v1 =	vld [tilespmem:s3+$0x8600];
	_ =	sdelay $0x1  }
0x72: {  	v2 =	vld [tilespmem:s3+$0x4610]  }
0x73: {  	v3 =	vmul.f32 v0, v0  }
0x74: {  	v5 =	vimm.f32 $0.0e+00;
	v4 =	vld [tilespmem:s3+$0x8610]  }
0x75: {  	v6 =	vmul.f32 v1, v1;
	v3 =	vadd.f32 v3, v5  }
0x76: {  	v7 =	vld [tilespmem:s3+$0x4620]  }
0x77: {  	v3 =	vadd.f32 v6, v3;
	v6 =	vmul.f32 v2, v2  }
0x78: {  	v8 =	vld [tilespmem:s3+$0x8620]  }
0x79: {  	v3 =	vadd.f32 v6, v3;
	v6 =	vmul.f32 v4, v4  }
0x7a: {  	v9 =	vld [tilespmem:s3+$0x4630]  }
0x7b: {  	v3 =	vadd.f32 v6, v3;
	v6 =	vmul.f32 v7, v7  }
0x7c: {  	v10 =	vld [tilespmem:s3+$0x8630]  }
0x7d: {  	v11 =	vld [tilespmem:s3+$0x600];
	v3 =	vadd.f32 v6, v3;
	v6 =	vmul.f32 v8, v8  }
0x7e: {  	v12 =	vld [tilespmem:s3+$0x4640]  }
0x7f: {  	v13 =	vld [tilespmem:s3+$0x610];
	v3 =	vadd.f32 v6, v3;
	v6 =	vmul.f32 v9, v9  }
0x80: {  	v15 =	vld [tilespmem:s3+$0x8640]  }
0x81: {  	v2 =	vsub.f32 v2, v4;
	v4 =	vld [tilespmem:s3+$0x4650];
	v3 =	vadd.f32 v6, v3;
	v6 =	vmul.f32 v10, v10  }
0x82: {  	v0 =	vsub.f32 v0, v1;
	v1 =	vld [tilespmem:s3+$0x620];
	v14 =	vmul.f32 v11, v11  }
0x83: {  	v16 =	vld [tilespmem:s3+$0x630];
	v17 =	vsub.f32 v9, v10;
	v3 =	vadd.f32 v6, v3;
	v6 =	vmul.f32 v12, v12  }
0x84: {  	v0 =	vmul.f32 v0, v11;
	v5 =	vadd.f32 v14, v5;
	v7 =	vsub.f32 v7, v8;
	v8 =	vld [tilespmem:s3+$0x8650]  }
0x85: {  	v11 =	vmul.f32 v15, v15;
	v9 =	vld [tilespmem:s3+$0x640];
	v10 =	vmul.f32 v13, v13;
	v3 =	vadd.f32 v6, v3  }
0x86: {  	v0 =	vadd.f32 $0.0e+00, v0;
	v2 =	vmul.f32 v2, v13;
	v14 =	vmul.f32 v4, v4;
	v6 =	vld [tilespmem:s3+$0x4660]  }
0x87: {  	v13 =	vmul.f32 v1, v1;
	v5 =	vadd.f32 v10, v5;
	v10 =	vld [tilespmem:s3+$0x650];
	v3 =	vadd.f32 v11, v3  }
0x88: {  	v2 =	vadd.f32 v2, v0;
	v1 =	vmul.f32 v7, v1;
	v7 =	vmul.f32 v16, v16;
	v11 =	vld [tilespmem:s3+$0x8660]  }
0x89: {  	v0 =	vld [tilespmem:s3+$0x660];
	v13 =	vadd.f32 v13, v5;
	v3 =	vadd.f32 v14, v3;
	v14 =	vmul.f32 v8, v8  }
0x8a: {  	v16 =	vmul.f32 v17, v16;
	v2 =	vadd.f32 v1, v2;
	v17 =	vmul.f32 v9, v9;
	v5 =	vld [tilespmem:s3+$0x4670]  }
0x8b: {  	v1 =	vld [tilespmem:s3+$0x670];
	v13 =	vadd.f32 v7, v13;
	v19 =	vmul.f32 v6, v6;
	v18 =	vadd.f32 v14, v3  }
0x8c: {  	v15 =	vsub.f32 v12, v15;
	v7 =	vld [tilespmem:s3+$0x8670];
	v14 =	vadd.f32 v16, v2;
	v2 =	vmul.f32 v10, v10  }
0x8d: {  	s5 =	simm.s32 $0x80;
	s13 =	simm.s32 $0x400;
	v3 =	vadd.f32 v17, v13;
	v13 =	vmul.f32 v11, v11;
	v12 =	vadd.f32 v19, v18  }
.LBB2_2:
0x8e: {  	p0 =	sne.s32 s13, $0xFE00;
	v16 =	vld [tilespmem:s5+$0x4600];
	v9 =	vmul.f32 v15, v9;
	v4 =	vsub.f32 v4, v8;
	v8 =	vmul.f32 v0, v0  }
0x8f: {  	v2 =	vadd.f32 v2, v3;
	v3 =	vadd.f32 v13, v12;
	v12 =	vmul.f32 v5, v5  }
0x90: {  	v13 =	vld [tilespmem:s5+$0x8600];
	v9 =	vadd.f32 v9, v14;
	v4 =	vmul.f32 v4, v10;
	v10 =	vmul.f32 v1, v1  }
0x91: {  	v2 =	vadd.f32 v8, v2;
	v3 =	vadd.f32 v12, v3;
	v8 =	vmul.f32 v7, v7  }
0x92: {  	v6 =	vsub.f32 v6, v11;
	v12 =	vld [tilespmem:s5+$0x4610];
	v4 =	vadd.f32 v4, v9  }
0x93: {  	v9 =	vmul.f32 v16, v16;
	v2 =	vadd.f32 v10, v2;
	v3 =	vadd.f32 v8, v3  }
0x94: {  	v0 =	vmul.f32 v6, v0;
	v5 =	vsub.f32 v5, v7;
	v8 =	vld [tilespmem:s5+$0x8610]  }
0x95: {  	v6 =	vsub.f32 v16, v13;
	v3 =	vadd.f32 v9, v3;
	v7 =	vmul.f32 v13, v13  }
0x96: {  	v1 =	vmul.f32 v5, v1;
	v0 =	vadd.f32 v0, v4;
	v9 =	vld [tilespmem:s5+$0x4620]  }
0x97: {  	v3 =	vadd.f32 v7, v3;
	v4 =	vmul.f32 v12, v12  }
0x98: {  	v0 =	vadd.f32 v1, v0;
	v5 =	vld [tilespmem:s5+$0x8620]  }
0x99: {  	v1 =	vsub.f32 v12, v8;
	v3 =	vadd.f32 v4, v3;
	v4 =	vmul.f32 v8, v8  }
0x9a: {  	v7 =	vld [tilespmem:s5+$0x4630];
	[tilespmem:s3+$0x18600] =	vst v0;
	s3 =	smov.u32 s5  }
0x9b: {  	v0 =	vadd.f32 v4, v3;
	v3 =	vmul.f32 v9, v9  }
0x9c: {  	v4 =	vld [tilespmem:s3+$0x8630]  }
0x9d: {  	v11 =	vsub.f32 v9, v5;
	v0 =	vadd.f32 v3, v0;
	v3 =	vmul.f32 v5, v5;
	v12 =	vld [tilespmem:s3+$0x4640]  }
0x9e: {  	v5 =	vld [tilespmem:s3+$0x600]  }
0x9f: {  	v10 =	vld [tilespmem:s3+$0x610];
	v0 =	vadd.f32 v3, v0;
	v3 =	vmul.f32 v7, v7  }
0xa0: {  	v13 =	vld [tilespmem:s3+$0x8640]  }
0xa1: {  	v14 =	vld [tilespmem:s3+$0x620];
	v7 =	vsub.f32 v7, v4;
	v0 =	vadd.f32 v3, v0;
	v3 =	vmul.f32 v4, v4  }
0xa2: {  	v4 =	vld [tilespmem:s3+$0x4650]  }
0xa3: {  	v9 =	vmul.f32 v5, v5;
	v15 =	vld [tilespmem:s3+$0x630];
	v0 =	vadd.f32 v3, v0;
	v3 =	vmul.f32 v12, v12  }
0xa4: {  	v5 =	vmul.f32 v6, v5;
	v16 =	vmul.f32 v10, v10;
	v8 =	vld [tilespmem:s3+$0x8650]  }
0xa5: {  	v2 =	vadd.f32 v9, v2;
	v9 =	vld [tilespmem:s3+$0x640];
	v0 =	vadd.f32 v3, v0;
	v3 =	vmul.f32 v13, v13  }
0xa6: {  	v1 =	vmul.f32 v1, v10;
	v5 =	vadd.f32 $0.0e+00, v5;
	v17 =	vmul.f32 v14, v14;
	v6 =	vld [tilespmem:s3+$0x4660]  }
0xa7: {  	v2 =	vadd.f32 v16, v2;
	v0 =	vadd.f32 v3, v0;
	v10 =	vld [tilespmem:s3+$0x650];
	v3 =	vmul.f32 v4, v4  }
0xa8: {  	v1 =	vadd.f32 v1, v5;
	v5 =	vmul.f32 v11, v14;
	v14 =	vmul.f32 v15, v15;
	v11 =	vld [tilespmem:s3+$0x8660]  }
.Ltmp0:
0xa9: {  	v2 =	vadd.f32 v17, v2;
	v3 =	vadd.f32 v3, v0;
	v16 =	vmul.f32 v8, v8;
	v0 =	vld [tilespmem:s3+$0x660];
	(pc) =	sbr.rel @p0 .LBB2_2-.Ltmp0, $4  }
0xaa: {  	v7 =	vmul.f32 v7, v15;
	v17 =	vadd.f32 v5, v1;
	v18 =	vmul.f32 v9, v9;
	v5 =	vld [tilespmem:s3+$0x4670]  }
0xab: {  	v19 =	vadd.f32 v14, v2;
	v16 =	vadd.f32 v16, v3;
	v20 =	vmul.f32 v6, v6;
	v1 =	vld [tilespmem:s3+$0x670]  }
0xac: {  	v15 =	vsub.f32 v12, v13;
	v14 =	vadd.f32 v7, v17;
	v2 =	vmul.f32 v10, v10;
	v7 =	vld [tilespmem:s3+$0x8670]  }
0xad: {  	s5 =	sshra.s32 s13, $0x2;
	s13 =	sadd.s32 $0x200, s13;
	v3 =	vadd.f32 v18, v19;
	v12 =	vadd.f32 v20, v16;
	v13 =	vmul.f32 v11, v11  }
0xae: {  	v9 =	vmul.f32 v15, v9;
	v4 =	vsub.f32 v4, v8;
	_ =	sdelay $0x1  }
0xaf: {  	v6 =	vsub.f32 v6, v11;
	v8 =	vadd.f32 v9, v14;
	v4 =	vmul.f32 v4, v10;
	_ =	sdelay $0x1  }
0xb0: {  	v11 =	vld [tilespmem:s5+$0x4610];
	v6 =	vmul.f32 v6, v0;
	v4 =	vadd.f32 v4, v8;
	v8 =	vsub.f32 v5, v7  }
0xb1: {  	v15 =	vld [tilespmem:s5+$0x8620]  }
0xb2: {  	v9 =	vld [tilespmem:s5+$0x4600];
	v4 =	vadd.f32 v6, v4;
	v6 =	vmul.f32 v8, v1  }
0xb3: {  	v10 =	vld [tilespmem:s5+$0x8600]  }
0xb4: {  	v14 =	vld [tilespmem:s5+$0x8610];
	v4 =	vadd.f32 v6, v4  }
0xb5: {  	v8 =	vld [tilespmem:s5+$0x4620]  }
0xb6: {  	v6 =	vld [tilespmem:s5+$0x4630];
	[tilespmem:s3+$0x18600] =	vst v4  }
0xb7: {  	v4 =	vld [tilespmem:s5+$0x8630]  }
0xb8: {  	v16 =	vld [tilespmem:s5+$0x4640]  }
0xb9: {  	v17 =	vld [tilespmem:s5+$0x600]  }
0xba: {  	v18 =	vld [tilespmem:s5+$0x610]  }
0xbb: {  	v19 =	vld [tilespmem:s5+$0x8640]  }
0xbc: {  	v20 =	vld [tilespmem:s5+$0x620]  }
0xbd: {  	v21 =	vsub.f32 v9, v10;
	v22 =	vld [tilespmem:s5+$0x4650]  }
0xbe: {  	v23 =	vld [tilespmem:s5+$0x630]  }
0xbf: {  	v24 =	vsub.f32 v11, v14;
	v25 =	vld [tilespmem:s5+$0x8650];
	v21 =	vmul.f32 v21, v17  }
0xc0: {  	v26 =	vld [tilespmem:s5+$0x640]  }
0xc1: {  	v27 =	vsub.f32 v8, v15;
	v28 =	vld [tilespmem:s5+$0x4660];
	v24 =	vmul.f32 v24, v18;
	v21 =	vadd.f32 $0.0e+00, v21  }
0xc2: {  	v29 =	vld [tilespmem:s5+$0x650]  }
0xc3: {  	v52 =	vld [tilespmem:s5+$0x8660];
	v30 =	vsub.f32 v6, v4;
	v51 =	vmul.f32 v27, v20;
	v21 =	vadd.f32 v24, v21  }
0xc4: {  	v12 =	vadd.f32 v13, v12;
	v5 =	vmul.f32 v5, v5;
	v13 =	vld [tilespmem:s5+$0x660]  }
0xc5: {  	v54 =	vld [tilespmem:s5+$0x4670];
	v31 =	vsub.f32 v16, v19;
	v53 =	vmul.f32 v30, v23;
	v21 =	vadd.f32 v51, v21  }
0xc6: {  	v7 =	vmul.f32 v7, v7;
	v5 =	vadd.f32 v5, v12;
	v12 =	vld [tilespmem:s5+$0x8670]  }
0xc7: {  	v56 =	vsub.f32 v22, v25;
	v55 =	vmul.f32 v31, v26;
	v21 =	vadd.f32 v53, v21  }
0xc8: {  	v9 =	vmul.f32 v9, v9;
	v5 =	vadd.f32 v7, v5;
	v7 =	vld [tilespmem:s5+$0x670]  }
0xc9: {  	v58 =	vsub.f32 v28, v52;
	v57 =	vmul.f32 v56, v29;
	v21 =	vadd.f32 v55, v21  }
0xca: {  	v5 =	vadd.f32 v9, v5;
	v9 =	vmul.f32 v10, v10  }
0xcb: {  	v60 =	vsub.f32 v54, v12;
	v59 =	vmul.f32 v58, v13;
	v10 =	vadd.f32 v57, v21  }
0xcc: {  	v5 =	vadd.f32 v9, v5  }
0xcd: {  	v9 =	vadd.f32 v59, v10;
	v10 =	vmul.f32 v11, v11;
	v11 =	vmul.f32 v60, v7;
	_ =	sdelay $0x1  }
0xce: {  	v5 =	vadd.f32 v10, v5;
	v9 =	vadd.f32 v11, v9;
	v10 =	vmul.f32 v14, v14;
	_ =	sdelay $0x1  }
0xcf: {  	s13 =	rddreg [dreg:$0x14];
	v8 =	vmul.f32 v8, v8;
	v5 =	vadd.f32 v10, v5;
	[tilespmem:s5+$0x18600] =	vst v9;
	s5 =	simm.s32 $0x0  }
0xd0: {  	[hbm4b:s13+s5] =	stream.linear.scatter [tilespmem:s10], [sflag:$0x7], $0x4000, $0x38;
	[tilespmem:$0x1C680] =	vst v63  }
0xd1: {  	v5 =	vadd.f32 v8, v5;
	v8 =	vmul.f32 v15, v15;
	_ =	swait.ge [sflag:s30], $0x4000  }
0xd2: {  	[sflag:s30] =	ssyncset.done $0x0  }
0xd3: {  	v6 =	vmul.f32 v6, v6;
	s5 =	simm.s32 $0x100;
	s13 =	simm.s32 $0x600;
	v5 =	vadd.f32 v8, v5;
	[sflag:s30] =	ssyncadd.s32 $0xFFFFC000  }
0xd4: {  	[tilespmem:s13], [sflag:$0x1] =	stream.indirect.gather [hbm4b:s1+s25], $0x80, s5, s25, $0xb8;
	[tilespmem:$0x1C680] =	vst v63  }
0xd5: {  	v4 =	vmul.f32 v4, v4;
	v5 =	vadd.f32 v6, v5  }
0xd6: {  	[tilespmem:s24], [sflag:$0x2] =	stream.indirect.gather [hbm4b:s2+s25], $0x80, s16, s25, $0xb8;
	[tilespmem:$0x1C680] =	vst v63  }
0xd7: {  	s16 =	simm.s32 $0x500;
	v4 =	vadd.f32 v4, v5;
	v5 =	vmul.f32 v16, v16  }
0xd8: {  	[tilespmem:s9], [sflag:$0x3] =	stream.indirect.gather [hbm4b:s2+s25], $0x80, s16, s25, $0xb8;
	[tilespmem:$0x1C680] =	vst v63  }
0xd9: {  	v4 =	vadd.f32 v5, v4;
	v5 =	vmul.f32 v19, v19;
	_ =	swait.ge [sflag:s11], $0x4000  }
0xda: {  	[sflag:s11] =	ssyncset.done $0x0  }
0xdb: {  	v4 =	vadd.f32 v5, v4;
	v5 =	vmul.f32 v22, v22;
	[sflag:s11] =	ssyncadd.s32 $0xFFFFC000  }
0xdc: {  	_ =	swait.ge [sflag:s31], $0x4000  }
0xdd: {  	v4 =	vadd.f32 v5, v4;
	v5 =	vmul.f32 v25, v25;
	[sflag:s31] =	ssyncset.done $0x0  }
0xde: {  	v2 =	vadd.f32 v2, v3;
	v0 =	vmul.f32 v0, v0;
	[sflag:s31] =	ssyncadd.s32 $0xFFFFC000  }
0xdf: {  	v4 =	vadd.f32 v5, v4;
	v5 =	vmul.f32 v28, v28;
	_ =	swait.ge [sflag:s0], $0x4000  }
0xe0: {  	v0 =	vadd.f32 v0, v2;
	v1 =	vmul.f32 v1, v1;
	[sflag:s0] =	ssyncset.done $0x0  }
0xe1: {  	s3 =	simm.s32 $0x0;
	v3 =	vadd.f32 v5, v4;
	v4 =	vmul.f32 v52, v52;
	[sflag:s0] =	ssyncadd.s32 $0xFFFFC000  }
0xe2: {  	v0 =	vadd.f32 v1, v0;
	v1 =	vmul.f32 v17, v17;
	v2 =	vld [tilespmem:s3+$0x10600]  }
0xe3: {  	v3 =	vadd.f32 v4, v3;
	v4 =	vmul.f32 v54, v54  }
0xe4: {  	v0 =	vadd.f32 v1, v0;
	v6 =	vmul.f32 v18, v18;
	v5 =	vld [tilespmem:s3+$0x14600]  }
0xe5: {  	v3 =	vadd.f32 v4, v3;
	v4 =	vmul.f32 v12, v12  }
0xe6: {  	v8 =	vmul.f32 v20, v20;
	v0 =	vadd.f32 v6, v0;
	v1 =	vld [tilespmem:s3+$0x10610]  }
0xe7: {  	v3 =	vadd.f32 v4, v3;
	v4 =	vmul.f32 v2, v2  }
0xe8: {  	v9 =	vmul.f32 v23, v23;
	v0 =	vadd.f32 v8, v0;
	v6 =	vld [tilespmem:s3+$0x14610]  }
0xe9: {  	v3 =	vadd.f32 v4, v3;
	v4 =	vmul.f32 v5, v5  }
0xea: {  	v10 =	vmul.f32 v26, v26;
	v0 =	vadd.f32 v9, v0;
	v8 =	vld [tilespmem:s3+$0x10620]  }
0xeb: {  	v3 =	vadd.f32 v4, v3;
	v4 =	vmul.f32 v1, v1  }
0xec: {  	v11 =	vmul.f32 v29, v29;
	v0 =	vadd.f32 v10, v0;
	v9 =	vld [tilespmem:s3+$0x14620]  }
0xed: {  	v3 =	vadd.f32 v4, v3;
	v4 =	vmul.f32 v6, v6  }
0xee: {  	v0 =	vadd.f32 v11, v0;
	v10 =	vld [tilespmem:s3+$0x10630]  }
0xef: {  	v12 =	vmul.f32 v13, v13;
	v3 =	vadd.f32 v4, v3;
	v4 =	vmul.f32 v8, v8  }
0xf0: {  	v11 =	vld [tilespmem:s3+$0x14630]  }
0xf1: {  	v0 =	vadd.f32 v12, v0;
	v12 =	vld [tilespmem:s3+$0xC600];
	v3 =	vadd.f32 v4, v3;
	v4 =	vmul.f32 v9, v9  }
0xf2: {  	v7 =	vmul.f32 v7, v7;
	v13 =	vld [tilespmem:s3+$0x10640]  }
0xf3: {  	v14 =	vld [tilespmem:s3+$0xC610];
	v3 =	vadd.f32 v4, v3;
	v4 =	vmul.f32 v10, v10  }
0xf4: {  	v0 =	vadd.f32 v7, v0;
	v7 =	vld [tilespmem:s3+$0x14640]  }
0xf5: {  	v2 =	vsub.f32 v2, v5;
	v15 =	vmul.f32 v11, v11;
	v5 =	vld [tilespmem:s3+$0xC620];
	v3 =	vadd.f32 v4, v3  }
0xf6: {  	v16 =	vsub.f32 v8, v9;
	v1 =	vsub.f32 v1, v6;
	v6 =	vmul.f32 v12, v12;
	v4 =	vld [tilespmem:s3+$0x10650]  }
0xf7: {  	v17 =	vld [tilespmem:s3+$0xC630];
	v61 =	vsub.f32 v10, v11;
	v3 =	vadd.f32 v15, v3;
	v15 =	vmul.f32 v13, v13  }
0xf8: {  	v2 =	vmul.f32 v2, v12;
	v8 =	vld [tilespmem:s3+$0x14650];
	v0 =	vadd.f32 v6, v0;
	v10 =	vmul.f32 v14, v14  }
0xf9: {  	v1 =	vmul.f32 v1, v14;
	v11 =	vmul.f32 v7, v7;
	v6 =	vld [tilespmem:s3+$0x10660];
	v3 =	vadd.f32 v15, v3  }
0xfa: {  	v2 =	vadd.f32 $0.0e+00, v2;
	v12 =	vmul.f32 v5, v5;
	v9 =	vld [tilespmem:s3+$0xC640];
	v0 =	vadd.f32 v10, v0  }
0xfb: {  	v10 =	vld [tilespmem:s3+$0xC650];
	v14 =	vmul.f32 v4, v4;
	v3 =	vadd.f32 v11, v3  }
0xfc: {  	v1 =	vadd.f32 v1, v2;
	v2 =	vmul.f32 v16, v5;
	v12 =	vadd.f32 v12, v0;
	v11 =	vld [tilespmem:s3+$0x14660]  }
0xfd: {  	v0 =	vld [tilespmem:s3+$0xC660];
	v15 =	vmul.f32 v17, v17;
	v3 =	vadd.f32 v14, v3;
	v14 =	vmul.f32 v8, v8  }
0xfe: {  	v16 =	vmul.f32 v61, v17;
	v5 =	vld [tilespmem:s3+$0x10670];
	v2 =	vadd.f32 v2, v1;
	v63 =	vmul.f32 v6, v6  }
0xff: {  	v1 =	vld [tilespmem:s3+$0xC670];
	v17 =	vmul.f32 v9, v9;
	v12 =	vadd.f32 v15, v12;
	v62 =	vadd.f32 v14, v3  }
0x100: {  	v15 =	vsub.f32 v13, v7;
	v7 =	vld [tilespmem:s3+$0x14670];
	v14 =	vadd.f32 v16, v2;
	v2 =	vmul.f32 v10, v10  }
0x101: {  	s5 =	simm.s32 $0x80;
	s13 =	simm.s32 $0x400;
	v3 =	vadd.f32 v17, v12;
	v13 =	vmul.f32 v11, v11;
	v12 =	vadd.f32 v63, v62  }
.LBB2_4:
0x102: {  	p0 =	sne.s32 s13, $0xFE00;
	v16 =	vld [tilespmem:s5+$0x10600];
	v9 =	vmul.f32 v15, v9;
	v4 =	vsub.f32 v4, v8;
	v8 =	vmul.f32 v0, v0  }
0x103: {  	v2 =	vadd.f32 v2, v3;
	v3 =	vadd.f32 v13, v12;
	v12 =	vmul.f32 v5, v5  }
0x104: {  	v13 =	vld [tilespmem:s5+$0x14600];
	v9 =	vadd.f32 v9, v14;
	v4 =	vmul.f32 v4, v10;
	v10 =	vmul.f32 v1, v1  }
0x105: {  	v2 =	vadd.f32 v8, v2;
	v3 =	vadd.f32 v12, v3;
	v8 =	vmul.f32 v7, v7  }
0x106: {  	v6 =	vsub.f32 v6, v11;
	v12 =	vld [tilespmem:s5+$0x10610];
	v4 =	vadd.f32 v4, v9  }
0x107: {  	v9 =	vmul.f32 v16, v16;
	v2 =	vadd.f32 v10, v2;
	v3 =	vadd.f32 v8, v3  }
0x108: {  	v0 =	vmul.f32 v6, v0;
	v5 =	vsub.f32 v5, v7;
	v8 =	vld [tilespmem:s5+$0x14610]  }
0x109: {  	v6 =	vsub.f32 v16, v13;
	v3 =	vadd.f32 v9, v3;
	v7 =	vmul.f32 v13, v13  }
0x10a: {  	v1 =	vmul.f32 v5, v1;
	v0 =	vadd.f32 v0, v4;
	v9 =	vld [tilespmem:s5+$0x10620]  }
0x10b: {  	v3 =	vadd.f32 v7, v3;
	v4 =	vmul.f32 v12, v12  }
0x10c: {  	v0 =	vadd.f32 v1, v0;
	v5 =	vld [tilespmem:s5+$0x14620]  }
0x10d: {  	v1 =	vsub.f32 v12, v8;
	v3 =	vadd.f32 v4, v3;
	v4 =	vmul.f32 v8, v8  }
0x10e: {  	v7 =	vld [tilespmem:s5+$0x10630];
	[tilespmem:s3+$0x18600] =	vst v0;
	s3 =	smov.u32 s5  }
0x10f: {  	v0 =	vadd.f32 v4, v3;
	v3 =	vmul.f32 v9, v9  }
0x110: {  	v4 =	vld [tilespmem:s3+$0x14630]  }
0x111: {  	v11 =	vsub.f32 v9, v5;
	v0 =	vadd.f32 v3, v0;
	v3 =	vmul.f32 v5, v5;
	v12 =	vld [tilespmem:s3+$0x10640]  }
0x112: {  	v5 =	vld [tilespmem:s3+$0xC600]  }
0x113: {  	v10 =	vld [tilespmem:s3+$0xC610];
	v0 =	vadd.f32 v3, v0;
	v3 =	vmul.f32 v7, v7  }
0x114: {  	v13 =	vld [tilespmem:s3+$0x14640]  }
0x115: {  	v14 =	vld [tilespmem:s3+$0xC620];
	v7 =	vsub.f32 v7, v4;
	v0 =	vadd.f32 v3, v0;
	v3 =	vmul.f32 v4, v4  }
0x116: {  	v4 =	vld [tilespmem:s3+$0x10650]  }
0x117: {  	v9 =	vmul.f32 v5, v5;
	v15 =	vld [tilespmem:s3+$0xC630];
	v0 =	vadd.f32 v3, v0;
	v3 =	vmul.f32 v12, v12  }
0x118: {  	v5 =	vmul.f32 v6, v5;
	v16 =	vmul.f32 v10, v10;
	v8 =	vld [tilespmem:s3+$0x14650]  }
0x119: {  	v2 =	vadd.f32 v9, v2;
	v9 =	vld [tilespmem:s3+$0xC640];
	v0 =	vadd.f32 v3, v0;
	v3 =	vmul.f32 v13, v13  }
0x11a: {  	v1 =	vmul.f32 v1, v10;
	v5 =	vadd.f32 $0.0e+00, v5;
	v17 =	vmul.f32 v14, v14;
	v6 =	vld [tilespmem:s3+$0x10660]  }
0x11b: {  	v2 =	vadd.f32 v16, v2;
	v0 =	vadd.f32 v3, v0;
	v10 =	vld [tilespmem:s3+$0xC650];
	v3 =	vmul.f32 v4, v4  }
0x11c: {  	v1 =	vadd.f32 v1, v5;
	v5 =	vmul.f32 v11, v14;
	v14 =	vmul.f32 v15, v15;
	v11 =	vld [tilespmem:s3+$0x14660]  }
.Ltmp1:
0x11d: {  	v2 =	vadd.f32 v17, v2;
	v3 =	vadd.f32 v3, v0;
	v16 =	vmul.f32 v8, v8;
	v0 =	vld [tilespmem:s3+$0xC660];
	(pc) =	sbr.rel @p0 .LBB2_4-.Ltmp1, $4  }
0x11e: {  	v7 =	vmul.f32 v7, v15;
	v17 =	vadd.f32 v5, v1;
	v18 =	vmul.f32 v9, v9;
	v5 =	vld [tilespmem:s3+$0x10670]  }
0x11f: {  	v19 =	vadd.f32 v14, v2;
	v16 =	vadd.f32 v16, v3;
	v20 =	vmul.f32 v6, v6;
	v1 =	vld [tilespmem:s3+$0xC670]  }
0x120: {  	v15 =	vsub.f32 v12, v13;
	v14 =	vadd.f32 v7, v17;
	v2 =	vmul.f32 v10, v10;
	v7 =	vld [tilespmem:s3+$0x14670]  }
0x121: {  	s5 =	sshra.s32 s13, $0x2;
	s13 =	sadd.s32 $0x200, s13;
	v3 =	vadd.f32 v18, v19;
	v12 =	vadd.f32 v20, v16;
	v13 =	vmul.f32 v11, v11  }
0x122: {  	v9 =	vmul.f32 v15, v9;
	v4 =	vsub.f32 v4, v8;
	_ =	sdelay $0x1  }
0x123: {  	v6 =	vsub.f32 v6, v11;
	v8 =	vadd.f32 v9, v14;
	v4 =	vmul.f32 v4, v10;
	_ =	sdelay $0x1  }
0x124: {  	v11 =	vld [tilespmem:s5+$0x10610];
	v6 =	vmul.f32 v6, v0;
	v4 =	vadd.f32 v4, v8;
	v8 =	vsub.f32 v5, v7  }
0x125: {  	v15 =	vld [tilespmem:s5+$0x14620]  }
0x126: {  	v9 =	vld [tilespmem:s5+$0x10600];
	v4 =	vadd.f32 v6, v4;
	v6 =	vmul.f32 v8, v1  }
0x127: {  	v10 =	vld [tilespmem:s5+$0x14600]  }
0x128: {  	v14 =	vld [tilespmem:s5+$0x14610];
	v4 =	vadd.f32 v6, v4  }
0x129: {  	v8 =	vld [tilespmem:s5+$0x10620]  }
0x12a: {  	v6 =	vld [tilespmem:s5+$0x10630];
	[tilespmem:s3+$0x18600] =	vst v4  }
0x12b: {  	v4 =	vld [tilespmem:s5+$0x14630]  }
0x12c: {  	v16 =	vld [tilespmem:s5+$0x10640]  }
0x12d: {  	v17 =	vld [tilespmem:s5+$0xC600]  }
0x12e: {  	v18 =	vld [tilespmem:s5+$0xC610]  }
0x12f: {  	v19 =	vld [tilespmem:s5+$0x14640]  }
0x130: {  	v20 =	vld [tilespmem:s5+$0xC620]  }
0x131: {  	v21 =	vsub.f32 v9, v10;
	v22 =	vld [tilespmem:s5+$0x10650]  }
0x132: {  	v23 =	vld [tilespmem:s5+$0xC630]  }
0x133: {  	v24 =	vsub.f32 v11, v14;
	v25 =	vld [tilespmem:s5+$0x14650];
	v21 =	vmul.f32 v21, v17  }
0x134: {  	v26 =	vld [tilespmem:s5+$0xC640]  }
0x135: {  	v27 =	vsub.f32 v8, v15;
	v28 =	vld [tilespmem:s5+$0x10660];
	v24 =	vmul.f32 v24, v18;
	v21 =	vadd.f32 $0.0e+00, v21  }
0x136: {  	v29 =	vld [tilespmem:s5+$0xC650]  }
0x137: {  	v52 =	vld [tilespmem:s5+$0x14660];
	v30 =	vsub.f32 v6, v4;
	v51 =	vmul.f32 v27, v20;
	v21 =	vadd.f32 v24, v21  }
0x138: {  	v12 =	vadd.f32 v13, v12;
	v5 =	vmul.f32 v5, v5;
	v13 =	vld [tilespmem:s5+$0xC660]  }
0x139: {  	v54 =	vld [tilespmem:s5+$0x10670];
	v31 =	vsub.f32 v16, v19;
	v53 =	vmul.f32 v30, v23;
	v21 =	vadd.f32 v51, v21  }
0x13a: {  	v7 =	vmul.f32 v7, v7;
	v5 =	vadd.f32 v5, v12;
	v12 =	vld [tilespmem:s5+$0x14670]  }
0x13b: {  	v56 =	vsub.f32 v22, v25;
	v55 =	vmul.f32 v31, v26;
	v21 =	vadd.f32 v53, v21  }
0x13c: {  	v9 =	vmul.f32 v9, v9;
	v5 =	vadd.f32 v7, v5;
	v7 =	vld [tilespmem:s5+$0xC670]  }
0x13d: {  	v58 =	vsub.f32 v28, v52;
	v57 =	vmul.f32 v56, v29;
	v21 =	vadd.f32 v55, v21  }
0x13e: {  	v5 =	vadd.f32 v9, v5;
	v9 =	vmul.f32 v10, v10  }
0x13f: {  	v60 =	vsub.f32 v54, v12;
	v59 =	vmul.f32 v58, v13;
	v10 =	vadd.f32 v57, v21  }
0x140: {  	v5 =	vadd.f32 v9, v5  }
0x141: {  	v9 =	vadd.f32 v59, v10;
	v10 =	vmul.f32 v11, v11;
	v11 =	vmul.f32 v60, v7;
	_ =	sdelay $0x1  }
0x142: {  	v5 =	vadd.f32 v10, v5;
	v9 =	vadd.f32 v11, v9;
	v10 =	vmul.f32 v14, v14;
	_ =	sdelay $0x1  }
0x143: {  	s13 =	simm.s32 $0x0;
	v8 =	vmul.f32 v8, v8;
	v5 =	vadd.f32 v10, v5;
	[tilespmem:s5+$0x18600] =	vst v9  }
0x144: {  	[hbm4b:s18+s13] =	stream.linear.scatter [tilespmem:s10], [sflag:$0x7], $0x4000, $0x38;
	[tilespmem:$0x1C680] =	vst v63  }
0x145: {  	v5 =	vadd.f32 v8, v5;
	v8 =	vmul.f32 v15, v15;
	_ =	swait.ge [sflag:s30], $0x4000  }
0x146: {  	[sflag:s30] =	ssyncset.done $0x0  }
0x147: {  	v6 =	vmul.f32 v6, v6;
	v5 =	vadd.f32 v8, v5;
	[sflag:s30] =	ssyncadd.s32 $0xFFFFC000  }
0x148: {  	[tilespmem:s26], [sflag:$0x4] =	stream.indirect.gather [hbm4b:s1+s25], $0x80, s8, s25, $0xb8;
	[tilespmem:$0x1C680] =	vst v63  }
0x149: {  	s16 =	simm.s32 $0x380;
	v4 =	vmul.f32 v4, v4;
	v5 =	vadd.f32 v6, v5  }
0x14a: {  	[tilespmem:s28], [sflag:$0x5] =	stream.indirect.gather [hbm4b:s2+s25], $0x80, s16, s25, $0xb8;
	[tilespmem:$0x1C680] =	vst v63  }
0x14b: {  	v4 =	vadd.f32 v4, v5;
	v5 =	vmul.f32 v16, v16  }
0x14c: {  	[tilespmem:s29], [sflag:$0x6] =	stream.indirect.gather [hbm4b:s2+s25], $0x80, s17, s25, $0xb8;
	[tilespmem:$0x1C680] =	vst v63  }
0x14d: {  	v4 =	vadd.f32 v5, v4;
	v5 =	vmul.f32 v19, v19;
	_ =	swait.ge [sflag:s6], $0x4000  }
0x14e: {  	[sflag:s6] =	ssyncset.done $0x0  }
0x14f: {  	v4 =	vadd.f32 v5, v4;
	v5 =	vmul.f32 v22, v22;
	[sflag:s6] =	ssyncadd.s32 $0xFFFFC000  }
0x150: {  	_ =	swait.ge [sflag:s7], $0x4000  }
0x151: {  	v4 =	vadd.f32 v5, v4;
	v5 =	vmul.f32 v25, v25;
	[sflag:s7] =	ssyncset.done $0x0  }
0x152: {  	v2 =	vadd.f32 v2, v3;
	v0 =	vmul.f32 v0, v0;
	[sflag:s7] =	ssyncadd.s32 $0xFFFFC000  }
0x153: {  	v4 =	vadd.f32 v5, v4;
	v5 =	vmul.f32 v28, v28;
	_ =	swait.ge [sflag:s23], $0x4000  }
0x154: {  	v0 =	vadd.f32 v0, v2;
	v1 =	vmul.f32 v1, v1;
	[sflag:s23] =	ssyncset.done $0x0  }
0x155: {  	s3 =	simm.s32 $0x0;
	v3 =	vadd.f32 v5, v4;
	v4 =	vmul.f32 v52, v52;
	[sflag:s23] =	ssyncadd.s32 $0xFFFFC000  }
0x156: {  	v0 =	vadd.f32 v1, v0;
	v1 =	vmul.f32 v17, v17;
	v2 =	vld [tilespmem:s3+$0x4600]  }
0x157: {  	v3 =	vadd.f32 v4, v3;
	v4 =	vmul.f32 v54, v54  }
0x158: {  	v0 =	vadd.f32 v1, v0;
	v5 =	vld [tilespmem:s3+$0x8600]  }
0x159: {  	v6 =	vmul.f32 v18, v18;
	v3 =	vadd.f32 v4, v3;
	v4 =	vmul.f32 v12, v12  }
0x15a: {  	v8 =	vmul.f32 v20, v20;
	v1 =	vld [tilespmem:s3+$0x4610]  }
0x15b: {  	v0 =	vadd.f32 v6, v0;
	v3 =	vadd.f32 v4, v3;
	v4 =	vmul.f32 v2, v2  }
0x15c: {  	v9 =	vmul.f32 v23, v23;
	v6 =	vld [tilespmem:s3+$0x8610]  }
0x15d: {  	v0 =	vadd.f32 v8, v0;
	v3 =	vadd.f32 v4, v3;
	v4 =	vmul.f32 v5, v5  }
0x15e: {  	v10 =	vmul.f32 v26, v26;
	v8 =	vld [tilespmem:s3+$0x4620]  }
0x15f: {  	v0 =	vadd.f32 v9, v0;
	v3 =	vadd.f32 v4, v3;
	v4 =	vmul.f32 v1, v1  }
0x160: {  	v11 =	vmul.f32 v29, v29;
	v9 =	vld [tilespmem:s3+$0x8620]  }
0x161: {  	v0 =	vadd.f32 v10, v0;
	v3 =	vadd.f32 v4, v3;
	v4 =	vmul.f32 v6, v6  }
0x162: {  	v10 =	vld [tilespmem:s3+$0x4630]  }
0x163: {  	v0 =	vadd.f32 v11, v0;
	v11 =	vld [tilespmem:s3+$0x8630];
	v3 =	vadd.f32 v4, v3;
	v4 =	vmul.f32 v8, v8  }
0x164: {  	v15 =	vld [tilespmem:s3+$0x8640];
	v12 =	vmul.f32 v13, v13  }
0x165: {  	v13 =	vld [tilespmem:s3+$0x4640];
	v3 =	vadd.f32 v4, v3;
	v4 =	vmul.f32 v9, v9  }
0x166: {  	v0 =	vadd.f32 v12, v0;
	v12 =	vld [tilespmem:s3+$0x600]  }
0x167: {  	v7 =	vmul.f32 v7, v7;
	v14 =	vld [tilespmem:s3+$0x610];
	v3 =	vadd.f32 v4, v3;
	v4 =	vmul.f32 v10, v10  }
0x168: {  	v2 =	vsub.f32 v2, v5  }
0x169: {  	v0 =	vadd.f32 v7, v0;
	v5 =	vld [tilespmem:s3+$0x620];
	v7 =	vmul.f32 v11, v11;
	v3 =	vadd.f32 v4, v3  }
0x16a: {  	v61 =	vsub.f32 v10, v11;
	v11 =	vmul.f32 v15, v15;
	v1 =	vsub.f32 v1, v6;
	v4 =	vld [tilespmem:s3+$0x4650]  }
0x16b: {  	v16 =	vld [tilespmem:s3+$0x630];
	v17 =	vmul.f32 v13, v13;
	v6 =	vmul.f32 v12, v12;
	v3 =	vadd.f32 v7, v3  }
0x16c: {  	v2 =	vmul.f32 v2, v12;
	v1 =	vmul.f32 v1, v14;
	v7 =	vld [tilespmem:s3+$0x8650]  }
0x16d: {  	v0 =	vadd.f32 v6, v0;
	v6 =	vld [tilespmem:s3+$0x4660];
	v10 =	vmul.f32 v14, v14;
	v3 =	vadd.f32 v17, v3  }
0x16e: {  	v2 =	vadd.f32 $0.0e+00, v2;
	v12 =	vmul.f32 v5, v5;
	v9 =	vsub.f32 v8, v9;
	v8 =	vld [tilespmem:s3+$0x640]  }
0x16f: {  	v0 =	vadd.f32 v10, v0;
	v10 =	vld [tilespmem:s3+$0x650];
	v14 =	vmul.f32 v4, v4;
	v3 =	vadd.f32 v11, v3  }
0x170: {  	v1 =	vadd.f32 v1, v2;
	v2 =	vmul.f32 v9, v5;
	v9 =	vmul.f32 v16, v16;
	v11 =	vld [tilespmem:s3+$0x8660]  }
0x171: {  	v12 =	vadd.f32 v12, v0;
	v0 =	vld [tilespmem:s3+$0x660];
	v3 =	vadd.f32 v14, v3;
	v14 =	vmul.f32 v7, v7  }
0x172: {  	v16 =	vmul.f32 v61, v16;
	v5 =	vld [tilespmem:s3+$0x4670];
	v63 =	vmul.f32 v6, v6;
	v2 =	vadd.f32 v2, v1  }
0x173: {  	v1 =	vld [tilespmem:s3+$0x670];
	v17 =	vmul.f32 v8, v8;
	v12 =	vadd.f32 v9, v12;
	v62 =	vadd.f32 v14, v3  }
0x174: {  	v15 =	vsub.f32 v13, v15;
	v9 =	vld [tilespmem:s3+$0x8670];
	v14 =	vadd.f32 v16, v2;
	v2 =	vmul.f32 v10, v10  }
0x175: {  	s5 =	simm.s32 $0x400;
	s13 =	simm.s32 $0x80;
	v3 =	vadd.f32 v17, v12;
	v13 =	vmul.f32 v11, v11;
	v12 =	vadd.f32 v63, v62  }
.LBB2_6:
0x176: {  	p0 =	sne.s32 s5, $0xFE00;
	v16 =	vld [tilespmem:s13+$0x4600];
	v8 =	vmul.f32 v15, v8;
	v4 =	vsub.f32 v4, v7;
	v7 =	vmul.f32 v0, v0  }
0x177: {  	v2 =	vadd.f32 v2, v3;
	v3 =	vadd.f32 v13, v12;
	v12 =	vmul.f32 v5, v5  }
0x178: {  	v13 =	vld [tilespmem:s13+$0x8600];
	v8 =	vadd.f32 v8, v14;
	v4 =	vmul.f32 v4, v10;
	v10 =	vmul.f32 v1, v1  }
0x179: {  	v2 =	vadd.f32 v7, v2;
	v3 =	vadd.f32 v12, v3;
	v7 =	vmul.f32 v9, v9  }
0x17a: {  	v6 =	vsub.f32 v6, v11;
	v12 =	vld [tilespmem:s13+$0x4610];
	v4 =	vadd.f32 v4, v8  }
0x17b: {  	v8 =	vmul.f32 v16, v16;
	v2 =	vadd.f32 v10, v2;
	v3 =	vadd.f32 v7, v3  }
0x17c: {  	v0 =	vmul.f32 v6, v0;
	v5 =	vsub.f32 v5, v9;
	v7 =	vld [tilespmem:s13+$0x8610]  }
0x17d: {  	v6 =	vsub.f32 v16, v13;
	v3 =	vadd.f32 v8, v3;
	v8 =	vmul.f32 v13, v13  }
0x17e: {  	v1 =	vmul.f32 v5, v1;
	v0 =	vadd.f32 v0, v4;
	v9 =	vld [tilespmem:s13+$0x4620]  }
0x17f: {  	v3 =	vadd.f32 v8, v3;
	v4 =	vmul.f32 v12, v12  }
0x180: {  	v0 =	vadd.f32 v1, v0;
	v5 =	vld [tilespmem:s13+$0x8620]  }
0x181: {  	v1 =	vsub.f32 v12, v7;
	v3 =	vadd.f32 v4, v3;
	v4 =	vmul.f32 v7, v7  }
0x182: {  	v7 =	vld [tilespmem:s13+$0x4630];
	[tilespmem:s3+$0x18600] =	vst v0;
	s3 =	smov.u32 s13  }
0x183: {  	v0 =	vadd.f32 v4, v3;
	v3 =	vmul.f32 v9, v9  }
0x184: {  	v4 =	vld [tilespmem:s3+$0x8630]  }
0x185: {  	v9 =	vsub.f32 v9, v5;
	v0 =	vadd.f32 v3, v0;
	v3 =	vmul.f32 v5, v5;
	v12 =	vld [tilespmem:s3+$0x4640]  }
0x186: {  	v5 =	vld [tilespmem:s3+$0x600]  }
0x187: {  	v10 =	vld [tilespmem:s3+$0x610];
	v0 =	vadd.f32 v3, v0;
	v3 =	vmul.f32 v7, v7  }
0x188: {  	v13 =	vld [tilespmem:s3+$0x8640]  }
0x189: {  	v11 =	vld [tilespmem:s3+$0x620];
	v14 =	vsub.f32 v7, v4;
	v0 =	vadd.f32 v3, v0;
	v3 =	vmul.f32 v4, v4  }
0x18a: {  	v4 =	vld [tilespmem:s3+$0x4650]  }
0x18b: {  	v8 =	vmul.f32 v5, v5;
	v15 =	vld [tilespmem:s3+$0x630];
	v0 =	vadd.f32 v3, v0;
	v3 =	vmul.f32 v12, v12  }
0x18c: {  	v5 =	vmul.f32 v6, v5;
	v16 =	vmul.f32 v10, v10;
	v7 =	vld [tilespmem:s3+$0x8650]  }
0x18d: {  	v2 =	vadd.f32 v8, v2;
	v8 =	vld [tilespmem:s3+$0x640];
	v0 =	vadd.f32 v3, v0;
	v3 =	vmul.f32 v13, v13  }
0x18e: {  	v1 =	vmul.f32 v1, v10;
	v5 =	vadd.f32 $0.0e+00, v5;
	v17 =	vmul.f32 v11, v11;
	v6 =	vld [tilespmem:s3+$0x4660]  }
0x18f: {  	v2 =	vadd.f32 v16, v2;
	v0 =	vadd.f32 v3, v0;
	v10 =	vld [tilespmem:s3+$0x650];
	v3 =	vmul.f32 v4, v4  }
0x190: {  	v1 =	vadd.f32 v1, v5;
	v5 =	vmul.f32 v9, v11;
	v9 =	vmul.f32 v15, v15;
	v11 =	vld [tilespmem:s3+$0x8660]  }
.Ltmp2:
0x191: {  	v2 =	vadd.f32 v17, v2;
	v3 =	vadd.f32 v3, v0;
	v16 =	vmul.f32 v7, v7;
	v0 =	vld [tilespmem:s3+$0x660];
	(pc) =	sbr.rel @p0 .LBB2_6-.Ltmp2, $4  }
0x192: {  	v14 =	vmul.f32 v14, v15;
	v17 =	vadd.f32 v5, v1;
	v18 =	vmul.f32 v8, v8;
	v5 =	vld [tilespmem:s3+$0x4670]  }
0x193: {  	v19 =	vadd.f32 v9, v2;
	v16 =	vadd.f32 v16, v3;
	v20 =	vmul.f32 v6, v6;
	v1 =	vld [tilespmem:s3+$0x670]  }
0x194: {  	v15 =	vsub.f32 v12, v13;
	v14 =	vadd.f32 v14, v17;
	v2 =	vmul.f32 v10, v10;
	v9 =	vld [tilespmem:s3+$0x8670]  }
0x195: {  	s13 =	sshra.s32 s5, $0x2;
	s5 =	sadd.s32 $0x200, s5;
	v3 =	vadd.f32 v18, v19;
	v12 =	vadd.f32 v20, v16;
	v13 =	vmul.f32 v11, v11  }
0x196: {  	v8 =	vmul.f32 v15, v8;
	v4 =	vsub.f32 v4, v7;
	_ =	sdelay $0x1  }
0x197: {  	v6 =	vsub.f32 v6, v11;
	v7 =	vadd.f32 v8, v14;
	v4 =	vmul.f32 v4, v10;
	_ =	sdelay $0x1  }
0x198: {  	v11 =	vld [tilespmem:s13+$0x4610];
	v6 =	vmul.f32 v6, v0;
	v4 =	vadd.f32 v4, v7;
	v7 =	vsub.f32 v5, v9  }
0x199: {  	v15 =	vld [tilespmem:s13+$0x8620]  }
0x19a: {  	v8 =	vld [tilespmem:s13+$0x4600];
	v4 =	vadd.f32 v6, v4;
	v6 =	vmul.f32 v7, v1  }
0x19b: {  	v10 =	vld [tilespmem:s13+$0x8600]  }
0x19c: {  	v14 =	vld [tilespmem:s13+$0x8610];
	v4 =	vadd.f32 v6, v4  }
0x19d: {  	v7 =	vld [tilespmem:s13+$0x4620]  }
0x19e: {  	v6 =	vld [tilespmem:s13+$0x4630];
	[tilespmem:s3+$0x18600] =	vst v4  }
0x19f: {  	v4 =	vld [tilespmem:s13+$0x8630]  }
0x1a0: {  	v16 =	vld [tilespmem:s13+$0x4640]  }
0x1a1: {  	v17 =	vld [tilespmem:s13+$0x600]  }
0x1a2: {  	v18 =	vld [tilespmem:s13+$0x610]  }
0x1a3: {  	v19 =	vld [tilespmem:s13+$0x8640]  }
0x1a4: {  	v20 =	vld [tilespmem:s13+$0x620]  }
0x1a5: {  	v21 =	vsub.f32 v8, v10;
	v22 =	vld [tilespmem:s13+$0x4650]  }
0x1a6: {  	v23 =	vld [tilespmem:s13+$0x630]  }
0x1a7: {  	v24 =	vsub.f32 v11, v14;
	v25 =	vld [tilespmem:s13+$0x8650];
	v21 =	vmul.f32 v21, v17  }
0x1a8: {  	v12 =	vadd.f32 v13, v12;
	v5 =	vmul.f32 v5, v5;
	v13 =	vld [tilespmem:s13+$0x640]  }
0x1a9: {  	v26 =	vsub.f32 v7, v15;
	v27 =	vld [tilespmem:s13+$0x4660];
	v24 =	vmul.f32 v24, v18;
	v21 =	vadd.f32 $0.0e+00, v21  }
0x1aa: {  	v9 =	vmul.f32 v9, v9;
	v5 =	vadd.f32 v5, v12;
	v12 =	vld [tilespmem:s13+$0x650]  }
0x1ab: {  	v53 =	vld [tilespmem:s13+$0x8660];
	v28 =	vsub.f32 v6, v4;
	v52 =	vmul.f32 v26, v20;
	v21 =	vadd.f32 v24, v21  }
0x1ac: {  	v8 =	vmul.f32 v8, v8;
	v5 =	vadd.f32 v9, v5;
	v9 =	vld [tilespmem:s13+$0x660]  }
0x1ad: {  	v55 =	vld [tilespmem:s13+$0x4670];
	v29 =	vsub.f32 v16, v19;
	v54 =	vmul.f32 v28, v23;
	v21 =	vadd.f32 v52, v21  }
0x1ae: {  	v5 =	vadd.f32 v8, v5;
	v8 =	vmul.f32 v10, v10;
	v10 =	vld [tilespmem:s13+$0x8670]  }
0x1af: {  	v57 =	vsub.f32 v22, v25;
	v56 =	vmul.f32 v29, v13;
	v21 =	vadd.f32 v54, v21  }
0x1b0: {  	v5 =	vadd.f32 v8, v5;
	v8 =	vmul.f32 v11, v11;
	v11 =	vld [tilespmem:s13+$0x670]  }
0x1b1: {  	v59 =	vsub.f32 v27, v53;
	v58 =	vmul.f32 v57, v12;
	v21 =	vadd.f32 v56, v21  }
0x1b2: {  	v5 =	vadd.f32 v8, v5;
	v8 =	vmul.f32 v14, v14  }
0x1b3: {  	v61 =	vsub.f32 v55, v10;
	v60 =	vmul.f32 v59, v9;
	v14 =	vadd.f32 v58, v21  }
0x1b4: {  	v7 =	vmul.f32 v7, v7;
	v5 =	vadd.f32 v8, v5  }
0x1b5: {  	v8 =	vadd.f32 v60, v14;
	v14 =	vmul.f32 v61, v11  }
0x1b6: {  	v5 =	vadd.f32 v7, v5;
	v7 =	vmul.f32 v15, v15  }
0x1b7: {  	v8 =	vadd.f32 v14, v8  }
0x1b8: {  	v6 =	vmul.f32 v6, v6;
	v5 =	vadd.f32 v7, v5  }
0x1b9: {  	s17 =	simm.s32 $0x0;
	[tilespmem:s13+$0x18600] =	vst v8  }
0x1ba: {  	v4 =	vmul.f32 v4, v4;
	v5 =	vadd.f32 v6, v5;
	[hbm4b:s19+s17] =	stream.linear.scatter [tilespmem:s10], [sflag:$0x7], $0x4000, $0x38;
	[tilespmem:$0x1C680] =	vst v63  }
0x1bb: {  	_ =	swait.ge [sflag:s30], $0x4000  }
0x1bc: {  	v4 =	vadd.f32 v4, v5;
	v5 =	vmul.f32 v16, v16;
	[sflag:s30] =	ssyncset.done $0x0  }
0x1bd: {  	[sflag:s30] =	ssyncadd.s32 $0xFFFFC000  }
0x1be: {  	v4 =	vadd.f32 v5, v4;
	v5 =	vmul.f32 v19, v19;
	_ =	swait.ge [sflag:s11], $0x4000  }
0x1bf: {  	[sflag:s11] =	ssyncset.done $0x0  }
0x1c0: {  	v4 =	vadd.f32 v5, v4;
	v5 =	vmul.f32 v22, v22;
	[sflag:s11] =	ssyncadd.s32 $0xFFFFC000  }
0x1c1: {  	_ =	swait.ge [sflag:s31], $0x4000  }
0x1c2: {  	v4 =	vadd.f32 v5, v4;
	v5 =	vmul.f32 v25, v25;
	[sflag:s31] =	ssyncset.done $0x0  }
0x1c3: {  	v2 =	vadd.f32 v2, v3;
	v0 =	vmul.f32 v0, v0;
	[sflag:s31] =	ssyncadd.s32 $0xFFFFC000  }
0x1c4: {  	v4 =	vadd.f32 v5, v4;
	v5 =	vmul.f32 v27, v27;
	_ =	swait.ge [sflag:s0], $0x4000  }
0x1c5: {  	v0 =	vadd.f32 v0, v2;
	v1 =	vmul.f32 v1, v1;
	[sflag:s0] =	ssyncset.done $0x0  }
0x1c6: {  	s3 =	simm.s32 $0x0;
	v3 =	vadd.f32 v5, v4;
	v4 =	vmul.f32 v53, v53;
	[sflag:s0] =	ssyncadd.s32 $0xFFFFC000  }
0x1c7: {  	v0 =	vadd.f32 v1, v0;
	v1 =	vmul.f32 v17, v17;
	v2 =	vld [tilespmem:s3+$0x10600]  }
0x1c8: {  	v3 =	vadd.f32 v4, v3;
	v4 =	vmul.f32 v55, v55  }
0x1c9: {  	v0 =	vadd.f32 v1, v0;
	v6 =	vmul.f32 v18, v18;
	v5 =	vld [tilespmem:s3+$0x14600]  }
0x1ca: {  	v3 =	vadd.f32 v4, v3;
	v4 =	vmul.f32 v10, v10  }
0x1cb: {  	v7 =	vmul.f32 v20, v20;
	v0 =	vadd.f32 v6, v0;
	v1 =	vld [tilespmem:s3+$0x10610]  }
0x1cc: {  	v3 =	vadd.f32 v4, v3;
	v4 =	vmul.f32 v2, v2  }
0x1cd: {  	v0 =	vadd.f32 v7, v0;
	v8 =	vmul.f32 v23, v23;
	v6 =	vld [tilespmem:s3+$0x14610]  }
0x1ce: {  	v3 =	vadd.f32 v4, v3;
	v4 =	vmul.f32 v5, v5  }
0x1cf: {  	v0 =	vadd.f32 v8, v0;
	v7 =	vld [tilespmem:s3+$0x10620]  }
0x1d0: {  	v10 =	vmul.f32 v13, v13;
	v3 =	vadd.f32 v4, v3;
	v4 =	vmul.f32 v1, v1  }
0x1d1: {  	v12 =	vmul.f32 v12, v12;
	v8 =	vld [tilespmem:s3+$0x14620]  }
0x1d2: {  	v0 =	vadd.f32 v10, v0;
	v3 =	vadd.f32 v4, v3;
	v4 =	vmul.f32 v6, v6  }
0x1d3: {  	v9 =	vmul.f32 v9, v9;
	v10 =	vld [tilespmem:s3+$0x10630]  }
0x1d4: {  	v0 =	vadd.f32 v12, v0;
	v3 =	vadd.f32 v4, v3;
	v4 =	vmul.f32 v7, v7  }
0x1d5: {  	v12 =	vld [tilespmem:s3+$0x14630]  }
0x1d6: {  	v0 =	vadd.f32 v9, v0;
	v9 =	vld [tilespmem:s3+$0xC600];
	v3 =	vadd.f32 v4, v3;
	v4 =	vmul.f32 v8, v8  }
0x1d7: {  	v13 =	vld [tilespmem:s3+$0x10640]  }
0x1d8: {  	v11 =	vmul.f32 v11, v11;
	v14 =	vld [tilespmem:s3+$0xC610];
	v3 =	vadd.f32 v4, v3;
	v4 =	vmul.f32 v10, v10  }
0x1d9: {  	v15 =	vld [tilespmem:s3+$0x14640];
	v2 =	vsub.f32 v2, v5  }
0x1da: {  	v11 =	vadd.f32 v11, v0;
	v16 =	vld [tilespmem:s3+$0xC620];
	v3 =	vadd.f32 v4, v3;
	v4 =	vmul.f32 v12, v12  }
0x1db: {  	v0 =	vld [tilespmem:s3+$0x10650];
	v5 =	vmul.f32 v9, v9;
	v2 =	vmul.f32 v2, v9;
	v1 =	vsub.f32 v1, v6  }
0x1dc: {  	v6 =	vmul.f32 v13, v13;
	v7 =	vsub.f32 v7, v8;
	v8 =	vld [tilespmem:s3+$0xC630];
	v3 =	vadd.f32 v4, v3  }
0x1dd: {  	v9 =	vmul.f32 v14, v14;
	v11 =	vadd.f32 v5, v11;
	v2 =	vadd.f32 $0.0e+00, v2;
	v4 =	vld [tilespmem:s3+$0x14650]  }
0x1de: {  	v5 =	vld [tilespmem:s3+$0xC640];
	v10 =	vsub.f32 v10, v12;
	v12 =	vmul.f32 v15, v15;
	v6 =	vadd.f32 v6, v3  }
0x1df: {  	v1 =	vmul.f32 v1, v14;
	v14 =	vmul.f32 v16, v16;
	v9 =	vadd.f32 v9, v11;
	v3 =	vld [tilespmem:s3+$0x10660]  }
0x1e0: {  	v16 =	vmul.f32 v7, v16;
	v7 =	vld [tilespmem:s3+$0x14660];
	v11 =	vadd.f32 v12, v6;
	v12 =	vmul.f32 v0, v0  }
0x1e1: {  	v2 =	vadd.f32 v1, v2;
	v9 =	vadd.f32 v14, v9;
	v6 =	vld [tilespmem:s3+$0xC650]  }
0x1e2: {  	v1 =	vld [tilespmem:s3+$0xC660];
	v17 =	vmul.f32 v8, v8;
	v11 =	vadd.f32 v12, v11;
	v12 =	vmul.f32 v4, v4  }
0x1e3: {  	v14 =	vadd.f32 v16, v2;
	v16 =	vmul.f32 v5, v5;
	v10 =	vmul.f32 v10, v8;
	v8 =	vld [tilespmem:s3+$0x10670]  }
0x1e4: {  	v2 =	vld [tilespmem:s3+$0xC670];
	v17 =	vadd.f32 v17, v9;
	v63 =	vmul.f32 v3, v3;
	v62 =	vadd.f32 v12, v11  }
0x1e5: {  	v13 =	vsub.f32 v13, v15;
	v15 =	vmul.f32 v7, v7;
	v9 =	vld [tilespmem:s3+$0x14670];
	v12 =	vadd.f32 v10, v14  }
0x1e6: {  	s5 =	simm.s32 $0x400;
	s13 =	simm.s32 $0x80;
	v11 =	vadd.f32 v16, v17;
	v10 =	vmul.f32 v6, v6;
	v14 =	vadd.f32 v63, v62  }
.LBB2_8:
0x1e7: {  	p0 =	sne.s32 s5, $0xFE00;
	v16 =	vld [tilespmem:s13+$0x10600];
	v5 =	vmul.f32 v13, v5;
	v0 =	vsub.f32 v0, v4;
	v4 =	vmul.f32 v1, v1  }
0x1e8: {  	v10 =	vadd.f32 v10, v11;
	v11 =	vadd.f32 v15, v14;
	v13 =	vmul.f32 v8, v8  }
0x1e9: {  	v14 =	vld [tilespmem:s13+$0x14600];
	v5 =	vadd.f32 v5, v12;
	v0 =	vmul.f32 v0, v6;
	v6 =	vmul.f32 v2, v2  }
0x1ea: {  	v4 =	vadd.f32 v4, v10;
	v10 =	vadd.f32 v13, v11;
	v11 =	vmul.f32 v9, v9  }
0x1eb: {  	v3 =	vsub.f32 v3, v7;
	v12 =	vld [tilespmem:s13+$0x10610];
	v0 =	vadd.f32 v0, v5  }
0x1ec: {  	v5 =	vmul.f32 v16, v16;
	v6 =	vadd.f32 v6, v4;
	v4 =	vadd.f32 v11, v10  }
0x1ed: {  	v1 =	vmul.f32 v3, v1;
	v3 =	vsub.f32 v8, v9;
	v7 =	vld [tilespmem:s13+$0x14610]  }
0x1ee: {  	v8 =	vsub.f32 v16, v14;
	v4 =	vadd.f32 v5, v4;
	v5 =	vmul.f32 v14, v14  }
0x1ef: {  	v0 =	vadd.f32 v1, v0;
	v1 =	vmul.f32 v3, v2;
	v9 =	vld [tilespmem:s13+$0x10620]  }
0x1f0: {  	v2 =	vadd.f32 v5, v4;
	v3 =	vmul.f32 v12, v12  }
0x1f1: {  	v0 =	vadd.f32 v1, v0;
	v4 =	vld [tilespmem:s13+$0x14620]  }
0x1f2: {  	v1 =	vsub.f32 v12, v7;
	v2 =	vadd.f32 v3, v2;
	v3 =	vmul.f32 v7, v7  }
0x1f3: {  	v5 =	vld [tilespmem:s13+$0x10630];
	[tilespmem:s3+$0x18600] =	vst v0;
	s3 =	smov.u32 s13  }
0x1f4: {  	v0 =	vadd.f32 v3, v2;
	v2 =	vmul.f32 v9, v9  }
0x1f5: {  	v3 =	vld [tilespmem:s3+$0x14630]  }
0x1f6: {  	v7 =	vsub.f32 v9, v4;
	v0 =	vadd.f32 v2, v0;
	v2 =	vmul.f32 v4, v4;
	v9 =	vld [tilespmem:s3+$0x10640]  }
0x1f7: {  	v4 =	vld [tilespmem:s3+$0xC600]  }
0x1f8: {  	v10 =	vld [tilespmem:s3+$0xC610];
	v0 =	vadd.f32 v2, v0;
	v2 =	vmul.f32 v5, v5  }
0x1f9: {  	v11 =	vld [tilespmem:s3+$0x14640]  }
0x1fa: {  	v12 =	vld [tilespmem:s3+$0xC620];
	v13 =	vsub.f32 v5, v3;
	v2 =	vadd.f32 v2, v0;
	v3 =	vmul.f32 v3, v3  }
0x1fb: {  	v0 =	vld [tilespmem:s3+$0x10650]  }
0x1fc: {  	v5 =	vmul.f32 v4, v4;
	v14 =	vld [tilespmem:s3+$0xC630];
	v2 =	vadd.f32 v3, v2;
	v3 =	vmul.f32 v9, v9  }
0x1fd: {  	v8 =	vmul.f32 v8, v4;
	v15 =	vmul.f32 v10, v10;
	v4 =	vld [tilespmem:s3+$0x14650]  }
0x1fe: {  	v6 =	vadd.f32 v5, v6;
	v5 =	vld [tilespmem:s3+$0xC640];
	v2 =	vadd.f32 v3, v2;
	v16 =	vmul.f32 v11, v11  }
0x1ff: {  	v1 =	vmul.f32 v1, v10;
	v8 =	vadd.f32 $0.0e+00, v8;
	v10 =	vmul.f32 v12, v12;
	v3 =	vld [tilespmem:s3+$0x10660]  }
0x200: {  	v15 =	vadd.f32 v15, v6;
	v2 =	vadd.f32 v16, v2;
	v6 =	vld [tilespmem:s3+$0xC650];
	v16 =	vmul.f32 v0, v0  }
0x201: {  	v12 =	vmul.f32 v7, v12;
	v8 =	vadd.f32 v1, v8;
	v17 =	vmul.f32 v14, v14;
	v7 =	vld [tilespmem:s3+$0x14660]  }
.Ltmp3:
0x202: {  	v10 =	vadd.f32 v10, v15;
	v2 =	vadd.f32 v16, v2;
	v15 =	vmul.f32 v4, v4;
	v1 =	vld [tilespmem:s3+$0xC660];
	(pc) =	sbr.rel @p0 .LBB2_8-.Ltmp3, $4  }
0x203: {  	v13 =	vmul.f32 v13, v14;
	v12 =	vadd.f32 v12, v8;
	v14 =	vmul.f32 v5, v5;
	v8 =	vld [tilespmem:s3+$0x10670]  }
0x204: {  	v16 =	vadd.f32 v17, v10;
	v15 =	vadd.f32 v15, v2;
	v17 =	vmul.f32 v3, v3;
	v2 =	vld [tilespmem:s3+$0xC670]  }
0x205: {  	v12 =	vadd.f32 v13, v12;
	v13 =	vsub.f32 v9, v11;
	v10 =	vmul.f32 v6, v6;
	v9 =	vld [tilespmem:s3+$0x14670]  }
0x206: {  	s13 =	sshra.s32 s5, $0x2;
	s5 =	sadd.s32 $0x200, s5;
	v11 =	vadd.f32 v14, v16;
	v14 =	vadd.f32 v17, v15;
	v15 =	vmul.f32 v7, v7  }
0x207: {  	v16 =	vld [tilespmem:s13+$0x10600];
	v5 =	vmul.f32 v13, v5;
	v0 =	vsub.f32 v0, v4  }
0x208: {  	v3 =	vsub.f32 v3, v7;
	v14 =	vadd.f32 v15, v14;
	v46 =	vmul.f32 v8, v8  }
0x209: {  	v5 =	vadd.f32 v5, v12;
	v0 =	vmul.f32 v0, v6  }
0x20a: {  	v47 =	vld [tilespmem:s13+$0x14600];
	v3 =	vmul.f32 v3, v1;
	v48 =	vadd.f32 v46, v14  }
0x20b: {  	v49 =	vmul.f32 v9, v9;
	v53 =	vsub.f32 v8, v9;
	v0 =	vadd.f32 v0, v5  }
0x20c: {  	v50 =	vld [tilespmem:s13+$0x10610];
	v51 =	vmul.f32 v16, v16  }
0x20d: {  	v52 =	vadd.f32 v49, v48;
	v56 =	vmul.f32 v53, v2;
	v0 =	vadd.f32 v3, v0  }
0x20e: {  	v54 =	vld [tilespmem:s13+$0x14610]  }
0x20f: {  	v57 =	vld [tilespmem:s13+$0x10620];
	v55 =	vmul.f32 v47, v47;
	v7 =	vadd.f32 v51, v52;
	v0 =	vadd.f32 v56, v0  }
0x210: {  	v59 =	vld [tilespmem:s13+$0x14620]  }
0x211: {  	v60 =	vld [tilespmem:s13+$0x10630];
	v58 =	vmul.f32 v50, v50;
	v7 =	vadd.f32 v55, v7;
	[tilespmem:s3+$0x18600] =	vst v0  }
0x212: {  	v20 =	vmul.f32 v1, v1;
	v0 =	vld [tilespmem:s13+$0x14630]  }
0x213: {  	v10 =	vadd.f32 v10, v11;
	v61 =	vmul.f32 v54, v54;
	v7 =	vadd.f32 v58, v7;
	v63 =	vld [tilespmem:s13+$0x10640]  }
0x214: {  	v24 =	vmul.f32 v2, v2;
	v21 =	vld [tilespmem:s13+$0xC600]  }
0x215: {  	v1 =	vadd.f32 v20, v10;
	v62 =	vmul.f32 v57, v57;
	v23 =	vld [tilespmem:s13+$0xC610];
	v7 =	vadd.f32 v61, v7  }
0x216: {  	v25 =	vld [tilespmem:s13+$0x14640]  }
0x217: {  	v22 =	vmul.f32 v59, v59;
	v1 =	vadd.f32 v24, v1;
	v27 =	vld [tilespmem:s13+$0xC620];
	v7 =	vadd.f32 v62, v7  }
0x218: {  	v26 =	vmul.f32 v60, v60;
	v28 =	vsub.f32 v16, v47;
	v6 =	vsub.f32 v50, v54;
	v29 =	vld [tilespmem:s13+$0x10650]  }
0x219: {  	v5 =	vsub.f32 v57, v59;
	v31 =	vld [tilespmem:s13+$0xC630];
	v30 =	vmul.f32 v0, v0;
	v7 =	vadd.f32 v22, v7  }
0x21a: {  	v32 =	vld [tilespmem:s13+$0x14650];
	v0 =	vsub.f32 v60, v0;
	v2 =	vmul.f32 v28, v21;
	v11 =	vmul.f32 v21, v21  }
0x21b: {  	v34 =	vld [tilespmem:s13+$0xC640];
	v33 =	vmul.f32 v63, v63;
	v35 =	vmul.f32 v23, v23;
	v7 =	vadd.f32 v26, v7  }
0x21c: {  	v36 =	vld [tilespmem:s13+$0x10660];
	v6 =	vmul.f32 v6, v23;
	v37 =	vmul.f32 v25, v25;
	v2 =	vadd.f32 $0.0e+00, v2  }
0x21d: {  	v40 =	vld [tilespmem:s13+$0x14660];
	v39 =	vmul.f32 v27, v27;
	v5 =	vmul.f32 v5, v27;
	v7 =	vadd.f32 v30, v7  }
0x21e: {  	v38 =	vld [tilespmem:s13+$0xC650];
	v41 =	vmul.f32 v29, v29;
	v10 =	vsub.f32 v63, v25;
	v2 =	vadd.f32 v6, v2  }
0x21f: {  	v42 =	vld [tilespmem:s13+$0xC660];
	v9 =	vmul.f32 v31, v31;
	v1 =	vadd.f32 v11, v1;
	v7 =	vadd.f32 v33, v7  }
0x220: {  	v43 =	vld [tilespmem:s13+$0x10670];
	v4 =	vsub.f32 v29, v32;
	v0 =	vmul.f32 v0, v31;
	v2 =	vadd.f32 v5, v2  }
0x221: {  	v45 =	vld [tilespmem:s13+$0x14670];
	v3 =	vmul.f32 v32, v32;
	v1 =	vadd.f32 v35, v1;
	v7 =	vadd.f32 v37, v7  }
0x222: {  	v50 =	vsub.f32 v36, v40;
	v46 =	vmul.f32 v10, v34;
	v0 =	vadd.f32 v0, v2  }
0x223: {  	v48 =	vld [tilespmem:s13+$0xC670];
	v47 =	vmul.f32 v34, v34;
	v1 =	vadd.f32 v39, v1;
	v44 =	vadd.f32 v41, v7  }
0x224: {  	v51 =	vmul.f32 v36, v36;
	v49 =	vmul.f32 v4, v38;
	v0 =	vadd.f32 v46, v0  }
0x225: {  	v52 =	vmul.f32 v38, v38;
	v1 =	vadd.f32 v9, v1;
	v3 =	vadd.f32 v3, v44  }
0x226: {  	v54 =	vsub.f32 v43, v45;
	v53 =	vmul.f32 v50, v42;
	v0 =	vadd.f32 v49, v0  }
0x227: {  	v55 =	vmul.f32 v40, v40;
	v1 =	vadd.f32 v47, v1;
	v3 =	vadd.f32 v51, v3  }
0x228: {  	v56 =	vmul.f32 v42, v42;
	v57 =	vmul.f32 v54, v48;
	v0 =	vadd.f32 v53, v0  }
0x229: {  	v58 =	vmul.f32 v43, v43;
	v1 =	vadd.f32 v52, v1;
	v3 =	vadd.f32 v55, v3  }
0x22a: {  	v59 =	vmul.f32 v48, v48;
	v0 =	vadd.f32 v57, v0  }
0x22b: {  	v61 =	vmul.f32 v45, v45;
	v1 =	vadd.f32 v56, v1;
	v60 =	vadd.f32 v58, v3  }
0x22c: {  	[tilespmem:s13+$0x18600] =	vst v0  }
0x22d: {  	v62 =	vadd.f32 v59, v1;
	[hbm4b:s20+s4] =	stream.linear.scatter [tilespmem:s10], [sflag:$0x7], $0x4000, $0x38;
	v63 =	vadd.f32 v61, v60;
	[tilespmem:$0x1C680] =	vst v63  }
0x22e: {  	_ =	swait.ge [sflag:s30], $0x4000  }
0x22f: {  	s12 =	sadd.s32 $0x1, s12;
	[sflag:s30] =	ssyncset.done $0x0;
	v0 =	vadd.f32 v63, v62  }
0x230: {  	p0 =	sne.s32 s12, s22;
	[sflag:s30] =	ssyncadd.s32 $0xFFFFC000  }
.Ltmp4:
0x231: {  	s17 =	simm.s32 $0x1C600;
	[tilespmem:$0x1C600] =	vst v0;
	(pc) =	sbr.rel @p0 .LBB2_1-.Ltmp4, $4  }
0x232: {  	[hbm4b:s21+s4] =	stream.linear.scatter [tilespmem:s17], [sflag:$0x7], $0x80, $0x38;
	[tilespmem:$0x1C680] =	vst v63  }
0x233: {  	_ =	swait.ge [sflag:s30], $0x80  }
0x234: {  	[sflag:s30] =	ssyncset.done $0x0  }
0x235: {  	[sflag:s30] =	ssyncadd.s32 $0xFFFFFF80  }
0x236: {  	_ =	sfence.sel $0x180000  }
0x237: {  	[bflag:$0x0] =	sbarrier.arrive $0xFFFF  }
0x238: {  	_ =	strace $0x90000047  }
0x239: {  	s0 =	stileid.u32;
	[bflag:$0x2] =	sbarrier.arrive $0xFFFF  }
0x23a: {  	p0 =	sne.s32 s0, $0x0;
	s0 =	rddreg [dreg:$0x7]  }
0x23b: {  	s0 =	sadd.s32 @!p0 $0x100000, s0  }
0x23c: {  	[sflag:s0] =	ssyncadd.tile.s32 @!p0 $0x1;
	_ =	shalt  }
.Lfunc_end2:
_tile_overlayer_lowered:
.L_overlay_start_2:
0x23d: {  	(tag) =	ssettag $0x2  }
0x23e: {  	s0 =	rddreg [dreg:$0x0];
	s2 =	stileid.u32  }
0x23f: {  	s1 =	rddreg [dreg:$0x1];
	p0 =	sne.s32 s2, $0x0  }
0x240: {  	s3 =	rddreg [dreg:$0x2];
	[bflag:$0x3] =	sbarrier.arrive $0xFFFF;
	s2 =	simm.s32 @!p0 $0x1C07  }
0x241: {  	[timem:s3], [sflag:s2] =	dma.local @!p0 [hbm:s0], s1  }
0x242: {  	s0 =	simm.s32 @!p0 $0x7  }
0x243: {  	_ =	swait.ge @!p0 [sflag:s0], s1  }
0x244: {  	s1 =	ssub.s32 @!p0 $0x0, s1;
	[sflag:s0] =	ssyncset.done @!p0 $0x0  }
0x245: {  	[sflag:s0] =	ssyncadd.s32 @!p0 s1  }
0x246: {  	[bflag:$0x3] =	sbarrier.arrive $0xFFFF  }
0x247: {  	_ =	shalt  }

</sc_bundles>
